<compile_context>
chip_gen: v7x
topology: tpu7x:2x2x1
jax: 0.10.2.dev20260603
libtpu: 0.0.44.dev20260713+nightly
codegen_flags: <defaults>
</compile_context>

<pallas_src>
import functools

import jax
import jax.numpy as jnp
from jax import lax
from jax.experimental import pallas as pl
from jax.experimental.pallas import tpu as pltpu
from jax.experimental.pallas import tpu_sc as plsc

BATCH = 16384
EMBED = 64
LANE = 128
NUM_CORES = 2
NUM_SUBCORES = 16
NUM_WORKERS = NUM_CORES * NUM_SUBCORES
B_PER_W = BATCH // NUM_WORKERS
RING = 8
N_GROUPS = B_PER_W // RING
HALF_GROUPS = N_GROUPS // 2
HALF_ROWS = B_PER_W // 4

_mesh = plsc.VectorSubcoreMesh(core_axis_name="c", subcore_axis_name="s")


def _lane_scalar(vec, lane):
    splat = jnp.take_along_axis(
        vec, jnp.broadcast_to(lane, (16,)), axis=0, mode="promise_in_bounds")
    return jnp.max(splat)


@functools.partial(
    pl.kernel,
    mesh=_mesh,
    out_type=jax.ShapeDtypeStruct((BATCH // 2, 2 * EMBED), jnp.float32),
    scratch_types=[
        pltpu.VMEM((B_PER_W,), jnp.int32),
        pltpu.VMEM((RING * EMBED, LANE), jnp.float32),
        pltpu.VMEM((HALF_ROWS, 2 * EMBED), jnp.float32),
        [pltpu.SemaphoreType.DMA] * RING,
    ],
    compiler_params=pltpu.CompilerParams(needs_layout_passes=False),
)
def _embed_lookup(idx_hbm, tab_t_hbm, out2_hbm, idx_v, slab_v, dst_v, sems):
    wid = lax.axis_index("s") * NUM_CORES + lax.axis_index("c")
    base = pl.multiple_of(wid * B_PER_W, B_PER_W)
    pltpu.sync_copy(idx_hbm.at[pl.ds(base, B_PER_W)], idx_v)

    lanes = lax.iota(jnp.int32, 16)

    def scalar_idx(g):
        rvec = idx_v[pl.ds((g >> 4) << 4, 16)]
        return _lane_scalar(rvec, g & 15)

    def issue(g, slot):
        col0 = pl.multiple_of((scalar_idx(g) >> 7) * LANE, LANE)
        pltpu.async_copy(tab_t_hbm.at[:, pl.ds(col0, LANE)],
                         slab_v.at[pl.ds(slot * EMBED, EMBED)], sems[slot])

    for n in range(RING):
        issue(n, n)

    for h in range(2):
        row_off = h * HALF_ROWS

        def group(p, carry):
            grp = h * HALF_GROUPS + p
            for n in range(RING):
                g = grp * RING + n
                pltpu.make_async_copy(
                    tab_t_hbm.at[:, pl.ds(0, LANE)],
                    slab_v.at[pl.ds(n * EMBED, EMBED)], sems[n]).wait()
                col = jnp.broadcast_to(scalar_idx(g) & (LANE - 1), (16,))
                dst_row = (g >> 1) - row_off
                dst_col = (g & 1) * EMBED
                for c4 in range(EMBED // 16):
                    vals = plsc.load_gather(
                        slab_v, [n * EMBED + c4 * 16 + lanes, col])
                    dst_v[dst_row, pl.ds(dst_col + c4 * 16, 16)] = vals

                @pl.when(g + RING < B_PER_W)
                def _():
                    issue(g + RING, n)
            return carry

        lax.fori_loop(0, HALF_GROUPS, group, 0)
        pltpu.sync_copy(
            dst_v,
            out2_hbm.at[pl.ds(
                pl.multiple_of(base // 2 + h * HALF_ROWS, HALF_ROWS),
                HALF_ROWS)])


def kernel(node_ids, table):
    out2 = _embed_lookup(node_ids.astype(jnp.int32), table.T)
    return out2.reshape(BATCH, EMBED)

# --- scband reference (transcript-rebuilt; emitter-appended) ---
"""Pipeline reference for scband-node-embedding-25623774888161 (READ-ONLY COPY).

The authoritative reference and input builder live on the scoring server;
editing this copy changes nothing except your own understanding.
"""

import jax, jax.numpy as jnp
import numpy as np

NUM_NODES = 1000000
EMBED_SIZE = 64
BATCH = 16384

def setup_inputs(seed: int = 0) -> dict:
    key = jax.random.key(seed)
    k_idx, k_tab = jax.random.split(key)
    node_ids = jax.random.randint(k_idx, (BATCH,), 0, NUM_NODES, dtype=jnp.int64 if jax.config.jax_enable_x64 else jnp.int32)
    # nn.Embedding default init is N(0,1); module uses torch embeddings (use_torch=True)
    table = jax.random.normal(k_tab, (NUM_NODES, EMBED_SIZE), dtype=jnp.float32)
    return {"node_ids": node_ids, "table": table}

def reference(node_ids, table):
    # NodeEmbedding.forward with a single ntype 'node' and use_torch=True:
    # embeds['node'] = nn.Embedding(node_ids) == table[node_ids]
    return jnp.take(table, node_ids, axis=0)

if __name__ == "__main__":
    import jax
    _d = setup_inputs()
    print(jax.jit(kernel)(*tuple(_d.values())))

</pallas_src>

<mosaic_0001>
#map = affine_map<(d0, d1) -> (0)>
#map1 = affine_map<(d0, d1) -> (0, 0)>
module attributes {stable_mosaic.version = 14 : i64} {
  func.func @_embed_lookup(%arg0: i32, %arg1: i32, %arg2: memref<16384xi32, #tpu.memory_space<hbm>>, %arg3: memref<64x1000000xf32, #tpu.memory_space<hbm>>, %arg4: memref<8192x128xf32, #tpu.memory_space<hbm>>, %arg5: memref<512xi32, #tpu.memory_space<vmem>>, %arg6: memref<512x128xf32, #tpu.memory_space<vmem>>, %arg7: memref<128x128xf32, #tpu.memory_space<vmem>>, %arg8: memref<!tpu.dma_semaphore, #tpu.memory_space<semaphore_mem>>, %arg9: memref<!tpu.dma_semaphore, #tpu.memory_space<semaphore_mem>>, %arg10: memref<!tpu.dma_semaphore, #tpu.memory_space<semaphore_mem>>, %arg11: memref<!tpu.dma_semaphore, #tpu.memory_space<semaphore_mem>>, %arg12: memref<!tpu.dma_semaphore, #tpu.memory_space<semaphore_mem>>, %arg13: memref<!tpu.dma_semaphore, #tpu.memory_space<semaphore_mem>>, %arg14: memref<!tpu.dma_semaphore, #tpu.memory_space<semaphore_mem>>, %arg15: memref<!tpu.dma_semaphore, #tpu.memory_space<semaphore_mem>>) attributes {dimension_semantics = [#tpu.dimension_semantics<core_parallel>, #tpu.dimension_semantics<subcore_parallel>], iteration_bounds = array<i64: 2, 16>, scalar_prefetch = 0 : i64, scratch_operands = 11 : i64, tpu.core_type = #tpu.core_type<sc_vector_subcore>, window_params = [{transform_indices = #map}, {transform_indices = #map1}, {transform_indices = #map1}]} {
    %mul3A = arith.constant 2 : i32
    %mul3A_0 = arith.muli %arg1, %mul3A : i32
    %add3A = arith.addi %mul3A_0, %arg0 : i32
    %mul3A_1 = arith.constant 512 : i32
    %mul3A_2 = arith.muli %add3A, %mul3A_1 : i32
    %multiple_of3A = tpu.assume_multiple %mul3A_2, 512 : i32
    "tpu.region"() ({
      %run_scoped3A = tpu.sem_alloc : memref<!tpu.dma_semaphore, #tpu.memory_space<semaphore_mem>>
      %dma_start3A_293 = tpu.memref_slice %arg2[%multiple_of3A] : memref<16384xi32, #tpu.memory_space<hbm>> -> memref<512xi32, #tpu.memory_space<hbm>>
      %dma_start3A_294 = tpu.memref_slice %arg2[%multiple_of3A] : memref<16384xi32, #tpu.memory_space<hbm>> -> memref<512xi32, #tpu.memory_space<hbm>>
      tpu.enqueue_dma source(%dma_start3A_294 : memref<512xi32, #tpu.memory_space<hbm>>) target(%arg5 : memref<512xi32, #tpu.memory_space<vmem>>) target_semaphore(%run_scoped3A : memref<!tpu.dma_semaphore, #tpu.memory_space<semaphore_mem>>)
      %dma_wait3A = tpu.memref_slice %arg2[%multiple_of3A] : memref<16384xi32, #tpu.memory_space<hbm>> -> memref<512xi32, #tpu.memory_space<hbm>>
      %dma_wait3A_295 = tpu.memref_slice %arg2[%multiple_of3A] : memref<16384xi32, #tpu.memory_space<hbm>> -> memref<512xi32, #tpu.memory_space<hbm>>
      tpu.wait_dma2 semaphore(%run_scoped3A : memref<!tpu.dma_semaphore, #tpu.memory_space<semaphore_mem>>) src(%dma_wait3A_295 : memref<512xi32, #tpu.memory_space<hbm>>) dst(%arg5 : memref<512xi32, #tpu.memory_space<vmem>>)
      tpu.yield
    }) : () -> ()
    %iota3A = tpu.iota {dimensions = array<i32: 0>} : vector<16xi32>
    %get3A = arith.constant 0 : index
    %get3A_3 = tpu.vector_load %arg5[%get3A] {strides = array<i32>} : memref<512xi32, #tpu.memory_space<vmem>>, vector<16xi32>,
    %broadcast_in_dim3A = arith.constant 0 : i32
    %broadcast_in_dim3A_4 = vector.broadcast %broadcast_in_dim3A : i32 to vector<16xi32>
    %reshape3A = vector.shape_cast %broadcast_in_dim3A_4 : vector<16xi32> to vector<16x1xi32>
    %gather3A = vector.shape_cast %reshape3A : vector<16x1xi32> to vector<16xi32>
    %gather3A_5 = tpu.dynamic_gather %get3A_3[%gather3A] in [0] : vector<16xi32>, vector<16xi32> -> vector<16xi32>
    %reduce_max3A = arith.constant true
    %reduce_max3A_6 = vector.broadcast %reduce_max3A : i1 to vector<16xi1>
    %reduce_max3A_7 = arith.constant -2147483648 : i32
    %reduce_max3A_8 = vector.broadcast %reduce_max3A_7 : i32 to vector<16xi32>
    %reduce_max3A_9 = arith.xori %gather3A_5, %reduce_max3A_8 : vector<16xi32>
    %reduce_max3A_10 = tpu.scan <max>, %reduce_max3A_9 masked %reduce_max3A_6 : vector<16xi32>, vector<16xi1> -> vector<16xi32>
    %reduce_max3A_11 = arith.xori %reduce_max3A_10, %reduce_max3A_8 : vector<16xi32>
    %reduce_max3A_12 = vector.extract %reduce_max3A_11[15] : i32 from vector<16xi32>
    %shift_right_arithmetic3A = arith.constant 7 : i32
    %shift_right_arithmetic3A_13 = arith.shrsi %reduce_max3A_12, %shift_right_arithmetic3A : i32
    %mul3A_14 = arith.constant 128 : i32
    %mul3A_15 = arith.muli %shift_right_arithmetic3A_13, %mul3A_14 : i32
    %multiple_of3A_16 = tpu.assume_multiple %mul3A_15, 128 : i32
    %dma_start3A = arith.constant 0 : i32
    %dma_start3A_17 = arith.constant 0 : i32
    %dma_start3A_18 = tpu.memref_slice %arg6[%dma_start3A, %dma_start3A_17] : memref<512x128xf32, #tpu.memory_space<vmem>> -> memref<64x128xf32, #tpu.memory_space<vmem>>
    %dma_start3A_19 = arith.constant 0 : i32
    %dma_start3A_20 = tpu.memref_slice %arg3[%dma_start3A_19, %multiple_of3A_16] : memref<64x1000000xf32, #tpu.memory_space<hbm>> -> memref<64x128xf32, #tpu.memory_space<hbm>>
    %dma_start3A_21 = arith.constant 0 : i32
    %dma_start3A_22 = arith.constant 0 : i32
    %dma_start3A_23 = tpu.memref_slice %arg6[%dma_start3A_21, %dma_start3A_22] : memref<512x128xf32, #tpu.memory_space<vmem>> -> memref<64x128xf32, #tpu.memory_space<vmem>>
    %dma_start3A_24 = arith.constant 0 : i32
    %dma_start3A_25 = tpu.memref_slice %arg3[%dma_start3A_24, %multiple_of3A_16] : memref<64x1000000xf32, #tpu.memory_space<hbm>> -> memref<64x128xf32, #tpu.memory_space<hbm>>
    tpu.enqueue_dma source(%dma_start3A_25 : memref<64x128xf32, #tpu.memory_space<hbm>>) target(%dma_start3A_23 : memref<64x128xf32, #tpu.memory_space<vmem>>) target_semaphore(%arg8 : memref<!tpu.dma_semaphore, #tpu.memory_space<semaphore_mem>>)
    %get3A_26 = arith.constant 0 : index
    %get3A_27 = tpu.vector_load %arg5[%get3A_26] {strides = array<i32>} : memref<512xi32, #tpu.memory_space<vmem>>, vector<16xi32>,
    %broadcast_in_dim3A_28 = arith.constant 1 : i32
    %broadcast_in_dim3A_29 = vector.broadcast %broadcast_in_dim3A_28 : i32 to vector<16xi32>
    %reshape3A_30 = vector.shape_cast %broadcast_in_dim3A_29 : vector<16xi32> to vector<16x1xi32>
    %gather3A_31 = vector.shape_cast %reshape3A_30 : vector<16x1xi32> to vector<16xi32>
    %gather3A_32 = tpu.dynamic_gather %get3A_27[%gather3A_31] in [0] : vector<16xi32>, vector<16xi32> -> vector<16xi32>
    %reduce_max3A_33 = arith.constant true
    %reduce_max3A_34 = vector.broadcast %reduce_max3A_33 : i1 to vector<16xi1>
    %reduce_max3A_35 = arith.constant -2147483648 : i32
    %reduce_max3A_36 = vector.broadcast %reduce_max3A_35 : i32 to vector<16xi32>
    %reduce_max3A_37 = arith.xori %gather3A_32, %reduce_max3A_36 : vector<16xi32>
    %reduce_max3A_38 = tpu.scan <max>, %reduce_max3A_37 masked %reduce_max3A_34 : vector<16xi32>, vector<16xi1> -> vector<16xi32>
    %reduce_max3A_39 = arith.xori %reduce_max3A_38, %reduce_max3A_36 : vector<16xi32>
    %reduce_max3A_40 = vector.extract %reduce_max3A_39[15] : i32 from vector<16xi32>
    %shift_right_arithmetic3A_41 = arith.constant 7 : i32
    %shift_right_arithmetic3A_42 = arith.shrsi %reduce_max3A_40, %shift_right_arithmetic3A_41 : i32
    %mul3A_43 = arith.constant 128 : i32
    %mul3A_44 = arith.muli %shift_right_arithmetic3A_42, %mul3A_43 : i32
    %multiple_of3A_45 = tpu.assume_multiple %mul3A_44, 128 : i32
    %dma_start3A_46 = arith.constant 64 : i32
    %dma_start3A_47 = arith.constant 0 : i32
    %dma_start3A_48 = tpu.memref_slice %arg6[%dma_start3A_46, %dma_start3A_47] : memref<512x128xf32, #tpu.memory_space<vmem>> -> memref<64x128xf32, #tpu.memory_space<vmem>>
    %dma_start3A_49 = arith.constant 0 : i32
    %dma_start3A_50 = tpu.memref_slice %arg3[%dma_start3A_49, %multiple_of3A_45] : memref<64x1000000xf32, #tpu.memory_space<hbm>> -> memref<64x128xf32, #tpu.memory_space<hbm>>
    %dma_start3A_51 = arith.constant 64 : i32
    %dma_start3A_52 = arith.constant 0 : i32
    %dma_start3A_53 = tpu.memref_slice %arg6[%dma_start3A_51, %dma_start3A_52] : memref<512x128xf32, #tpu.memory_space<vmem>> -> memref<64x128xf32, #tpu.memory_space<vmem>>
    %dma_start3A_54 = arith.constant 0 : i32
    %dma_start3A_55 = tpu.memref_slice %arg3[%dma_start3A_54, %multiple_of3A_45] : memref<64x1000000xf32, #tpu.memory_space<hbm>> -> memref<64x128xf32, #tpu.memory_space<hbm>>
    tpu.enqueue_dma source(%dma_start3A_55 : memref<64x128xf32, #tpu.memory_space<hbm>>) target(%dma_start3A_53 : memref<64x128xf32, #tpu.memory_space<vmem>>) target_semaphore(%arg9 : memref<!tpu.dma_semaphore, #tpu.memory_space<semaphore_mem>>)
    %get3A_56 = arith.constant 0 : index
    %get3A_57 = tpu.vector_load %arg5[%get3A_56] {strides = array<i32>} : memref<512xi32, #tpu.memory_space<vmem>>, vector<16xi32>,
    %broadcast_in_dim3A_58 = arith.constant 2 : i32
    %broadcast_in_dim3A_59 = vector.broadcast %broadcast_in_dim3A_58 : i32 to vector<16xi32>
    %reshape3A_60 = vector.shape_cast %broadcast_in_dim3A_59 : vector<16xi32> to vector<16x1xi32>
    %gather3A_61 = vector.shape_cast %reshape3A_60 : vector<16x1xi32> to vector<16xi32>
    %gather3A_62 = tpu.dynamic_gather %get3A_57[%gather3A_61] in [0] : vector<16xi32>, vector<16xi32> -> vector<16xi32>
    %reduce_max3A_63 = arith.constant true
    %reduce_max3A_64 = vector.broadcast %reduce_max3A_63 : i1 to vector<16xi1>
    %reduce_max3A_65 = arith.constant -2147483648 : i32
    %reduce_max3A_66 = vector.broadcast %reduce_max3A_65 : i32 to vector<16xi32>
    %reduce_max3A_67 = arith.xori %gather3A_62, %reduce_max3A_66 : vector<16xi32>
    %reduce_max3A_68 = tpu.scan <max>, %reduce_max3A_67 masked %reduce_max3A_64 : vector<16xi32>, vector<16xi1> -> vector<16xi32>
    %reduce_max3A_69 = arith.xori %reduce_max3A_68, %reduce_max3A_66 : vector<16xi32>
    %reduce_max3A_70 = vector.extract %reduce_max3A_69[15] : i32 from vector<16xi32>
    %shift_right_arithmetic3A_71 = arith.constant 7 : i32
    %shift_right_arithmetic3A_72 = arith.shrsi %reduce_max3A_70, %shift_right_arithmetic3A_71 : i32
    %mul3A_73 = arith.constant 128 : i32
    %mul3A_74 = arith.muli %shift_right_arithmetic3A_72, %mul3A_73 : i32
    %multiple_of3A_75 = tpu.assume_multiple %mul3A_74, 128 : i32
    %dma_start3A_76 = arith.constant 128 : i32
    %dma_start3A_77 = arith.constant 0 : i32
    %dma_start3A_78 = tpu.memref_slice %arg6[%dma_start3A_76, %dma_start3A_77] : memref<512x128xf32, #tpu.memory_space<vmem>> -> memref<64x128xf32, #tpu.memory_space<vmem>>
    %dma_start3A_79 = arith.constant 0 : i32
    %dma_start3A_80 = tpu.memref_slice %arg3[%dma_start3A_79, %multiple_of3A_75] : memref<64x1000000xf32, #tpu.memory_space<hbm>> -> memref<64x128xf32, #tpu.memory_space<hbm>>
    %dma_start3A_81 = arith.constant 128 : i32
    %dma_start3A_82 = arith.constant 0 : i32
    %dma_start3A_83 = tpu.memref_slice %arg6[%dma_start3A_81, %dma_start3A_82] : memref<512x128xf32, #tpu.memory_space<vmem>> -> memref<64x128xf32, #tpu.memory_space<vmem>>
    %dma_start3A_84 = arith.constant 0 : i32
    %dma_start3A_85 = tpu.memref_slice %arg3[%dma_start3A_84, %multiple_of3A_75] : memref<64x1000000xf32, #tpu.memory_space<hbm>> -> memref<64x128xf32, #tpu.memory_space<hbm>>
    tpu.enqueue_dma source(%dma_start3A_85 : memref<64x128xf32, #tpu.memory_space<hbm>>) target(%dma_start3A_83 : memref<64x128xf32, #tpu.memory_space<vmem>>) target_semaphore(%arg10 : memref<!tpu.dma_semaphore, #tpu.memory_space<semaphore_mem>>)
    %get3A_86 = arith.constant 0 : index
    %get3A_87 = tpu.vector_load %arg5[%get3A_86] {strides = array<i32>} : memref<512xi32, #tpu.memory_space<vmem>>, vector<16xi32>,
    %broadcast_in_dim3A_88 = arith.constant 3 : i32
    %broadcast_in_dim3A_89 = vector.broadcast %broadcast_in_dim3A_88 : i32 to vector<16xi32>
    %reshape3A_90 = vector.shape_cast %broadcast_in_dim3A_89 : vector<16xi32> to vector<16x1xi32>
    %gather3A_91 = vector.shape_cast %reshape3A_90 : vector<16x1xi32> to vector<16xi32>
    %gather3A_92 = tpu.dynamic_gather %get3A_87[%gather3A_91] in [0] : vector<16xi32>, vector<16xi32> -> vector<16xi32>
    %reduce_max3A_93 = arith.constant true
    %reduce_max3A_94 = vector.broadcast %reduce_max3A_93 : i1 to vector<16xi1>
    %reduce_max3A_95 = arith.constant -2147483648 : i32
    %reduce_max3A_96 = vector.broadcast %reduce_max3A_95 : i32 to vector<16xi32>
    %reduce_max3A_97 = arith.xori %gather3A_92, %reduce_max3A_96 : vector<16xi32>
    %reduce_max3A_98 = tpu.scan <max>, %reduce_max3A_97 masked %reduce_max3A_94 : vector<16xi32>, vector<16xi1> -> vector<16xi32>
    %reduce_max3A_99 = arith.xori %reduce_max3A_98, %reduce_max3A_96 : vector<16xi32>
    %reduce_max3A_100 = vector.extract %reduce_max3A_99[15] : i32 from vector<16xi32>
    %shift_right_arithmetic3A_101 = arith.constant 7 : i32
    %shift_right_arithmetic3A_102 = arith.shrsi %reduce_max3A_100, %shift_right_arithmetic3A_101 : i32
    %mul3A_103 = arith.constant 128 : i32
    %mul3A_104 = arith.muli %shift_right_arithmetic3A_102, %mul3A_103 : i32
    %multiple_of3A_105 = tpu.assume_multiple %mul3A_104, 128 : i32
    %dma_start3A_106 = arith.constant 192 : i32
    %dma_start3A_107 = arith.constant 0 : i32
    %dma_start3A_108 = tpu.memref_slice %arg6[%dma_start3A_106, %dma_start3A_107] : memref<512x128xf32, #tpu.memory_space<vmem>> -> memref<64x128xf32, #tpu.memory_space<vmem>>
    %dma_start3A_109 = arith.constant 0 : i32
    %dma_start3A_110 = tpu.memref_slice %arg3[%dma_start3A_109, %multiple_of3A_105] : memref<64x1000000xf32, #tpu.memory_space<hbm>> -> memref<64x128xf32, #tpu.memory_space<hbm>>
    %dma_start3A_111 = arith.constant 192 : i32
    %dma_start3A_112 = arith.constant 0 : i32
    %dma_start3A_113 = tpu.memref_slice %arg6[%dma_start3A_111, %dma_start3A_112] : memref<512x128xf32, #tpu.memory_space<vmem>> -> memref<64x128xf32, #tpu.memory_space<vmem>>
    %dma_start3A_114 = arith.constant 0 : i32
    %dma_start3A_115 = tpu.memref_slice %arg3[%dma_start3A_114, %multiple_of3A_105] : memref<64x1000000xf32, #tpu.memory_space<hbm>> -> memref<64x128xf32, #tpu.memory_space<hbm>>
    tpu.enqueue_dma source(%dma_start3A_115 : memref<64x128xf32, #tpu.memory_space<hbm>>) target(%dma_start3A_113 : memref<64x128xf32, #tpu.memory_space<vmem>>) target_semaphore(%arg11 : memref<!tpu.dma_semaphore, #tpu.memory_space<semaphore_mem>>)
    %get3A_116 = arith.constant 0 : index
    %get3A_117 = tpu.vector_load %arg5[%get3A_116] {strides = array<i32>} : memref<512xi32, #tpu.memory_space<vmem>>, vector<16xi32>,
    %broadcast_in_dim3A_118 = arith.constant 4 : i32
    %broadcast_in_dim3A_119 = vector.broadcast %broadcast_in_dim3A_118 : i32 to vector<16xi32>
    %reshape3A_120 = vector.shape_cast %broadcast_in_dim3A_119 : vector<16xi32> to vector<16x1xi32>
    %gather3A_121 = vector.shape_cast %reshape3A_120 : vector<16x1xi32> to vector<16xi32>
    %gather3A_122 = tpu.dynamic_gather %get3A_117[%gather3A_121] in [0] : vector<16xi32>, vector<16xi32> -> vector<16xi32>
    %reduce_max3A_123 = arith.constant true
    %reduce_max3A_124 = vector.broadcast %reduce_max3A_123 : i1 to vector<16xi1>
    %reduce_max3A_125 = arith.constant -2147483648 : i32
    %reduce_max3A_126 = vector.broadcast %reduce_max3A_125 : i32 to vector<16xi32>
    %reduce_max3A_127 = arith.xori %gather3A_122, %reduce_max3A_126 : vector<16xi32>
    %reduce_max3A_128 = tpu.scan <max>, %reduce_max3A_127 masked %reduce_max3A_124 : vector<16xi32>, vector<16xi1> -> vector<16xi32>
    %reduce_max3A_129 = arith.xori %reduce_max3A_128, %reduce_max3A_126 : vector<16xi32>
    %reduce_max3A_130 = vector.extract %reduce_max3A_129[15] : i32 from vector<16xi32>
    %shift_right_arithmetic3A_131 = arith.constant 7 : i32
    %shift_right_arithmetic3A_132 = arith.shrsi %reduce_max3A_130, %shift_right_arithmetic3A_131 : i32
    %mul3A_133 = arith.constant 128 : i32
    %mul3A_134 = arith.muli %shift_right_arithmetic3A_132, %mul3A_133 : i32
    %multiple_of3A_135 = tpu.assume_multiple %mul3A_134, 128 : i32
    %dma_start3A_136 = arith.constant 256 : i32
    %dma_start3A_137 = arith.constant 0 : i32
    %dma_start3A_138 = tpu.memref_slice %arg6[%dma_start3A_136, %dma_start3A_137] : memref<512x128xf32, #tpu.memory_space<vmem>> -> memref<64x128xf32, #tpu.memory_space<vmem>>
    %dma_start3A_139 = arith.constant 0 : i32
    %dma_start3A_140 = tpu.memref_slice %arg3[%dma_start3A_139, %multiple_of3A_135] : memref<64x1000000xf32, #tpu.memory_space<hbm>> -> memref<64x128xf32, #tpu.memory_space<hbm>>
    %dma_start3A_141 = arith.constant 256 : i32
    %dma_start3A_142 = arith.constant 0 : i32
    %dma_start3A_143 = tpu.memref_slice %arg6[%dma_start3A_141, %dma_start3A_142] : memref<512x128xf32, #tpu.memory_space<vmem>> -> memref<64x128xf32, #tpu.memory_space<vmem>>
    %dma_start3A_144 = arith.constant 0 : i32
    %dma_start3A_145 = tpu.memref_slice %arg3[%dma_start3A_144, %multiple_of3A_135] : memref<64x1000000xf32, #tpu.memory_space<hbm>> -> memref<64x128xf32, #tpu.memory_space<hbm>>
    tpu.enqueue_dma source(%dma_start3A_145 : memref<64x128xf32, #tpu.memory_space<hbm>>) target(%dma_start3A_143 : memref<64x128xf32, #tpu.memory_space<vmem>>) target_semaphore(%arg12 : memref<!tpu.dma_semaphore, #tpu.memory_space<semaphore_mem>>)
    %get3A_146 = arith.constant 0 : index
    %get3A_147 = tpu.vector_load %arg5[%get3A_146] {strides = array<i32>} : memref<512xi32, #tpu.memory_space<vmem>>, vector<16xi32>,
    %broadcast_in_dim3A_148 = arith.constant 5 : i32
    %broadcast_in_dim3A_149 = vector.broadcast %broadcast_in_dim3A_148 : i32 to vector<16xi32>
    %reshape3A_150 = vector.shape_cast %broadcast_in_dim3A_149 : vector<16xi32> to vector<16x1xi32>
    %gather3A_151 = vector.shape_cast %reshape3A_150 : vector<16x1xi32> to vector<16xi32>
    %gather3A_152 = tpu.dynamic_gather %get3A_147[%gather3A_151] in [0] : vector<16xi32>, vector<16xi32> -> vector<16xi32>
    %reduce_max3A_153 = arith.constant true
    %reduce_max3A_154 = vector.broadcast %reduce_max3A_153 : i1 to vector<16xi1>
    %reduce_max3A_155 = arith.constant -2147483648 : i32
    %reduce_max3A_156 = vector.broadcast %reduce_max3A_155 : i32 to vector<16xi32>
    %reduce_max3A_157 = arith.xori %gather3A_152, %reduce_max3A_156 : vector<16xi32>
    %reduce_max3A_158 = tpu.scan <max>, %reduce_max3A_157 masked %reduce_max3A_154 : vector<16xi32>, vector<16xi1> -> vector<16xi32>
    %reduce_max3A_159 = arith.xori %reduce_max3A_158, %reduce_max3A_156 : vector<16xi32>
    %reduce_max3A_160 = vector.extract %reduce_max3A_159[15] : i32 from vector<16xi32>
    %shift_right_arithmetic3A_161 = arith.constant 7 : i32
    %shift_right_arithmetic3A_162 = arith.shrsi %reduce_max3A_160, %shift_right_arithmetic3A_161 : i32
    %mul3A_163 = arith.constant 128 : i32
    %mul3A_164 = arith.muli %shift_right_arithmetic3A_162, %mul3A_163 : i32
    %multiple_of3A_165 = tpu.assume_multiple %mul3A_164, 128 : i32
    %dma_start3A_166 = arith.constant 320 : i32
    %dma_start3A_167 = arith.constant 0 : i32
    %dma_start3A_168 = tpu.memref_slice %arg6[%dma_start3A_166, %dma_start3A_167] : memref<512x128xf32, #tpu.memory_space<vmem>> -> memref<64x128xf32, #tpu.memory_space<vmem>>
    %dma_start3A_169 = arith.constant 0 : i32
    %dma_start3A_170 = tpu.memref_slice %arg3[%dma_start3A_169, %multiple_of3A_165] : memref<64x1000000xf32, #tpu.memory_space<hbm>> -> memref<64x128xf32, #tpu.memory_space<hbm>>
    %dma_start3A_171 = arith.constant 320 : i32
    %dma_start3A_172 = arith.constant 0 : i32
    %dma_start3A_173 = tpu.memref_slice %arg6[%dma_start3A_171, %dma_start3A_172] : memref<512x128xf32, #tpu.memory_space<vmem>> -> memref<64x128xf32, #tpu.memory_space<vmem>>
    %dma_start3A_174 = arith.constant 0 : i32
    %dma_start3A_175 = tpu.memref_slice %arg3[%dma_start3A_174, %multiple_of3A_165] : memref<64x1000000xf32, #tpu.memory_space<hbm>> -> memref<64x128xf32, #tpu.memory_space<hbm>>
    tpu.enqueue_dma source(%dma_start3A_175 : memref<64x128xf32, #tpu.memory_space<hbm>>) target(%dma_start3A_173 : memref<64x128xf32, #tpu.memory_space<vmem>>) target_semaphore(%arg13 : memref<!tpu.dma_semaphore, #tpu.memory_space<semaphore_mem>>)
    %get3A_176 = arith.constant 0 : index
    %get3A_177 = tpu.vector_load %arg5[%get3A_176] {strides = array<i32>} : memref<512xi32, #tpu.memory_space<vmem>>, vector<16xi32>,
    %broadcast_in_dim3A_178 = arith.constant 6 : i32
    %broadcast_in_dim3A_179 = vector.broadcast %broadcast_in_dim3A_178 : i32 to vector<16xi32>
    %reshape3A_180 = vector.shape_cast %broadcast_in_dim3A_179 : vector<16xi32> to vector<16x1xi32>
    %gather3A_181 = vector.shape_cast %reshape3A_180 : vector<16x1xi32> to vector<16xi32>
    %gather3A_182 = tpu.dynamic_gather %get3A_177[%gather3A_181] in [0] : vector<16xi32>, vector<16xi32> -> vector<16xi32>
    %reduce_max3A_183 = arith.constant true
    %reduce_max3A_184 = vector.broadcast %reduce_max3A_183 : i1 to vector<16xi1>
    %reduce_max3A_185 = arith.constant -2147483648 : i32
    %reduce_max3A_186 = vector.broadcast %reduce_max3A_185 : i32 to vector<16xi32>
    %reduce_max3A_187 = arith.xori %gather3A_182, %reduce_max3A_186 : vector<16xi32>
    %reduce_max3A_188 = tpu.scan <max>, %reduce_max3A_187 masked %reduce_max3A_184 : vector<16xi32>, vector<16xi1> -> vector<16xi32>
    %reduce_max3A_189 = arith.xori %reduce_max3A_188, %reduce_max3A_186 : vector<16xi32>
    %reduce_max3A_190 = vector.extract %reduce_max3A_189[15] : i32 from vector<16xi32>
    %shift_right_arithmetic3A_191 = arith.constant 7 : i32
    %shift_right_arithmetic3A_192 = arith.shrsi %reduce_max3A_190, %shift_right_arithmetic3A_191 : i32
    %mul3A_193 = arith.constant 128 : i32
    %mul3A_194 = arith.muli %shift_right_arithmetic3A_192, %mul3A_193 : i32
    %multiple_of3A_195 = tpu.assume_multiple %mul3A_194, 128 : i32
    %dma_start3A_196 = arith.constant 384 : i32
    %dma_start3A_197 = arith.constant 0 : i32
    %dma_start3A_198 = tpu.memref_slice %arg6[%dma_start3A_196, %dma_start3A_197] : memref<512x128xf32, #tpu.memory_space<vmem>> -> memref<64x128xf32, #tpu.memory_space<vmem>>
    %dma_start3A_199 = arith.constant 0 : i32
    %dma_start3A_200 = tpu.memref_slice %arg3[%dma_start3A_199, %multiple_of3A_195] : memref<64x1000000xf32, #tpu.memory_space<hbm>> -> memref<64x128xf32, #tpu.memory_space<hbm>>
    %dma_start3A_201 = arith.constant 384 : i32
    %dma_start3A_202 = arith.constant 0 : i32
    %dma_start3A_203 = tpu.memref_slice %arg6[%dma_start3A_201, %dma_start3A_202] : memref<512x128xf32, #tpu.memory_space<vmem>> -> memref<64x128xf32, #tpu.memory_space<vmem>>
    %dma_start3A_204 = arith.constant 0 : i32
    %dma_start3A_205 = tpu.memref_slice %arg3[%dma_start3A_204, %multiple_of3A_195] : memref<64x1000000xf32, #tpu.memory_space<hbm>> -> memref<64x128xf32, #tpu.memory_space<hbm>>
    tpu.enqueue_dma source(%dma_start3A_205 : memref<64x128xf32, #tpu.memory_space<hbm>>) target(%dma_start3A_203 : memref<64x128xf32, #tpu.memory_space<vmem>>) target_semaphore(%arg14 : memref<!tpu.dma_semaphore, #tpu.memory_space<semaphore_mem>>)
    %get3A_206 = arith.constant 0 : index
    %get3A_207 = tpu.vector_load %arg5[%get3A_206] {strides = array<i32>} : memref<512xi32, #tpu.memory_space<vmem>>, vector<16xi32>,
    %broadcast_in_dim3A_208 = arith.constant 7 : i32
    %broadcast_in_dim3A_209 = vector.broadcast %broadcast_in_dim3A_208 : i32 to vector<16xi32>
    %reshape3A_210 = vector.shape_cast %broadcast_in_dim3A_209 : vector<16xi32> to vector<16x1xi32>
    %gather3A_211 = vector.shape_cast %reshape3A_210 : vector<16x1xi32> to vector<16xi32>
    %gather3A_212 = tpu.dynamic_gather %get3A_207[%gather3A_211] in [0] : vector<16xi32>, vector<16xi32> -> vector<16xi32>
    %reduce_max3A_213 = arith.constant true
    %reduce_max3A_214 = vector.broadcast %reduce_max3A_213 : i1 to vector<16xi1>
    %reduce_max3A_215 = arith.constant -2147483648 : i32
    %reduce_max3A_216 = vector.broadcast %reduce_max3A_215 : i32 to vector<16xi32>
    %reduce_max3A_217 = arith.xori %gather3A_212, %reduce_max3A_216 : vector<16xi32>
    %reduce_max3A_218 = tpu.scan <max>, %reduce_max3A_217 masked %reduce_max3A_214 : vector<16xi32>, vector<16xi1> -> vector<16xi32>
    %reduce_max3A_219 = arith.xori %reduce_max3A_218, %reduce_max3A_216 : vector<16xi32>
    %reduce_max3A_220 = vector.extract %reduce_max3A_219[15] : i32 from vector<16xi32>
    %shift_right_arithmetic3A_221 = arith.constant 7 : i32
    %shift_right_arithmetic3A_222 = arith.shrsi %reduce_max3A_220, %shift_right_arithmetic3A_221 : i32
    %mul3A_223 = arith.constant 128 : i32
    %mul3A_224 = arith.muli %shift_right_arithmetic3A_222, %mul3A_223 : i32
    %multiple_of3A_225 = tpu.assume_multiple %mul3A_224, 128 : i32
    %dma_start3A_226 = arith.constant 448 : i32
    %dma_start3A_227 = arith.constant 0 : i32
    %dma_start3A_228 = tpu.memref_slice %arg6[%dma_start3A_226, %dma_start3A_227] : memref<512x128xf32, #tpu.memory_space<vmem>> -> memref<64x128xf32, #tpu.memory_space<vmem>>
    %dma_start3A_229 = arith.constant 0 : i32
    %dma_start3A_230 = tpu.memref_slice %arg3[%dma_start3A_229, %multiple_of3A_225] : memref<64x1000000xf32, #tpu.memory_space<hbm>> -> memref<64x128xf32, #tpu.memory_space<hbm>>
    %dma_start3A_231 = arith.constant 448 : i32
    %dma_start3A_232 = arith.constant 0 : i32
    %dma_start3A_233 = tpu.memref_slice %arg6[%dma_start3A_231, %dma_start3A_232] : memref<512x128xf32, #tpu.memory_space<vmem>> -> memref<64x128xf32, #tpu.memory_space<vmem>>
    %dma_start3A_234 = arith.constant 0 : i32
    %dma_start3A_235 = tpu.memref_slice %arg3[%dma_start3A_234, %multiple_of3A_225] : memref<64x1000000xf32, #tpu.memory_space<hbm>> -> memref<64x128xf32, #tpu.memory_space<hbm>>
    tpu.enqueue_dma source(%dma_start3A_235 : memref<64x128xf32, #tpu.memory_space<hbm>>) target(%dma_start3A_233 : memref<64x128xf32, #tpu.memory_space<vmem>>) target_semaphore(%arg15 : memref<!tpu.dma_semaphore, #tpu.memory_space<semaphore_mem>>)
    %scan3A = arith.constant 0 : i32
    %scan3A_236 = arith.constant 0 : i32
    %scan3A_237 = arith.constant 32 : i32
    %scan3A_238 = arith.addi %scan3A_236, %scan3A_237 : i32
    %scan3A_239 = arith.constant 1 : i32
    scf.for %scan3A_293 = %scan3A_236 to %scan3A_238 step %scan3A_239  : i32 {
      %add3A_294 = arith.constant 0 : i32
      %add3A_295 = arith.addi %add3A_294, %scan3A_293 : i32
      %mul3A_296 = arith.constant 8 : i32
      %mul3A_297 = arith.muli %add3A_295, %mul3A_296 : i32
      %add3A_298 = arith.constant 0 : i32
      %add3A_299 = arith.addi %mul3A_297, %add3A_298 : i32
      %dma_wait3A = arith.constant 0 : i32
      %dma_wait3A_300 = arith.constant 0 : i32
      %dma_wait3A_301 = tpu.memref_slice %arg6[%dma_wait3A, %dma_wait3A_300] : memref<512x128xf32, #tpu.memory_space<vmem>> -> memref<64x128xf32, #tpu.memory_space<vmem>>
      %dma_wait3A_302 = arith.constant 0 : i32
      %dma_wait3A_303 = arith.constant 0 : i32
      %dma_wait3A_304 = tpu.memref_slice %arg3[%dma_wait3A_302, %dma_wait3A_303] : memref<64x1000000xf32, #tpu.memory_space<hbm>> -> memref<64x128xf32, #tpu.memory_space<hbm>>
      %dma_wait3A_305 = arith.constant 0 : i32
      %dma_wait3A_306 = arith.constant 0 : i32
      %dma_wait3A_307 = tpu.memref_slice %arg6[%dma_wait3A_305, %dma_wait3A_306] : memref<512x128xf32, #tpu.memory_space<vmem>> -> memref<64x128xf32, #tpu.memory_space<vmem>>
      %dma_wait3A_308 = arith.constant 0 : i32
      %dma_wait3A_309 = arith.constant 0 : i32
      %dma_wait3A_310 = tpu.memref_slice %arg3[%dma_wait3A_308, %dma_wait3A_309] : memref<64x1000000xf32, #tpu.memory_space<hbm>> -> memref<64x128xf32, #tpu.memory_space<hbm>>
      tpu.wait_dma2 semaphore(%arg8 : memref<!tpu.dma_semaphore, #tpu.memory_space<semaphore_mem>>) src(%dma_wait3A_310 : memref<64x128xf32, #tpu.memory_space<hbm>>) dst(%dma_wait3A_307 : memref<64x128xf32, #tpu.memory_space<vmem>>)
      %shift_right_arithmetic3A_311 = arith.constant 4 : i32
      %shift_right_arithmetic3A_312 = arith.shrsi %add3A_299, %shift_right_arithmetic3A_311 : i32
      %shift_left3A = arith.constant 4 : i32
      %shift_left3A_313 = arith.shli %shift_right_arithmetic3A_312, %shift_left3A : i32
      %get3A_314 = arith.index_cast %shift_left3A_313 : i32 to index
      %get3A_315 = tpu.vector_load %arg5[%get3A_314] {strides = array<i32>} : memref<512xi32, #tpu.memory_space<vmem>>, vector<16xi32>,
      %and3A_316 = arith.constant 15 : i32
      %and3A_317 = arith.andi %add3A_299, %and3A_316 : i32
      %broadcast_in_dim3A_318 = vector.broadcast %and3A_317 : i32 to vector<16xi32>
      %reshape3A_319 = vector.shape_cast %broadcast_in_dim3A_318 : vector<16xi32> to vector<16x1xi32>
      %gather3A_320 = vector.shape_cast %reshape3A_319 : vector<16x1xi32> to vector<16xi32>
      %gather3A_321 = tpu.dynamic_gather %get3A_315[%gather3A_320] in [0] : vector<16xi32>, vector<16xi32> -> vector<16xi32>
      %reduce_max3A_322 = arith.constant true
      %reduce_max3A_323 = vector.broadcast %reduce_max3A_322 : i1 to vector<16xi1>
      %reduce_max3A_324 = arith.constant -2147483648 : i32
      %reduce_max3A_325 = vector.broadcast %reduce_max3A_324 : i32 to vector<16xi32>
      %reduce_max3A_326 = arith.xori %gather3A_321, %reduce_max3A_325 : vector<16xi32>
      %reduce_max3A_327 = tpu.scan <max>, %reduce_max3A_326 masked %reduce_max3A_323 : vector<16xi32>, vector<16xi1> -> vector<16xi32>
      %reduce_max3A_328 = arith.xori %reduce_max3A_327, %reduce_max3A_325 : vector<16xi32>
      %reduce_max3A_329 = vector.extract %reduce_max3A_328[15] : i32 from vector<16xi32>
      %and3A_330 = arith.constant 127 : i32
      %and3A_331 = arith.andi %reduce_max3A_329, %and3A_330 : i32
      %broadcast_in_dim3A_332 = vector.broadcast %and3A_331 : i32 to vector<16xi32>
      %shift_right_arithmetic3A_333 = arith.constant 1 : i32
      %shift_right_arithmetic3A_334 = arith.shrsi %add3A_299, %shift_right_arithmetic3A_333 : i32
      %sub3A_335 = arith.constant 0 : i32
      %sub3A_336 = arith.subi %shift_right_arithmetic3A_334, %sub3A_335 : i32
      %and3A_337 = arith.constant 1 : i32
      %and3A_338 = arith.andi %add3A_299, %and3A_337 : i32
      %mul3A_339 = arith.constant 64 : i32
      %mul3A_340 = arith.muli %and3A_338, %mul3A_339 : i32
      %add3A_341 = arith.constant 0 : i32
      %add3A_342 = vector.broadcast %add3A_341 : i32 to vector<16xi32>
      %add3A_343 = arith.addi %add3A_342, %iota3A : vector<16xi32>
      %gather3A_344 = tpu.vector_load_idx %arg6[%add3A_343, %broadcast_in_dim3A_332] : memref<512x128xf32, #tpu.memory_space<vmem>>[vector<16xi32>, vector<16xi32>], vector<16xf32>,
      %add3A_345 = arith.constant 0 : i32
      %add3A_346 = arith.addi %mul3A_340, %add3A_345 : i32
      %swap3A = arith.index_cast %sub3A_336 : i32 to index
      %swap3A_347 = arith.index_cast %add3A_346 : i32 to index
      %swap3A_348 = tpu.vector_load %arg7[%swap3A, %swap3A_347] {strides = array<i32>} : memref<128x128xf32, #tpu.memory_space<vmem>>, vector<16xf32>,
      tpu.vector_store %arg7[%swap3A, %swap3A_347], %gather3A_344 {strides = array<i32>} : memref<128x128xf32, #tpu.memory_space<vmem>>, vector<16xf32>,
      %add3A_349 = arith.constant 16 : i32
      %add3A_350 = vector.broadcast %add3A_349 : i32 to vector<16xi32>
      %add3A_351 = arith.addi %add3A_350, %iota3A : vector<16xi32>
      %gather3A_352 = tpu.vector_load_idx %arg6[%add3A_351, %broadcast_in_dim3A_332] : memref<512x128xf32, #tpu.memory_space<vmem>>[vector<16xi32>, vector<16xi32>], vector<16xf32>,
      %add3A_353 = arith.constant 16 : i32
      %add3A_354 = arith.addi %mul3A_340, %add3A_353 : i32
      %swap3A_355 = arith.index_cast %sub3A_336 : i32 to index
      %swap3A_356 = arith.index_cast %add3A_354 : i32 to index
      %swap3A_357 = tpu.vector_load %arg7[%swap3A_355, %swap3A_356] {strides = array<i32>} : memref<128x128xf32, #tpu.memory_space<vmem>>, vector<16xf32>,
      tpu.vector_store %arg7[%swap3A_355, %swap3A_356], %gather3A_352 {strides = array<i32>} : memref<128x128xf32, #tpu.memory_space<vmem>>, vector<16xf32>,
      %add3A_358 = arith.constant 32 : i32
      %add3A_359 = vector.broadcast %add3A_358 : i32 to vector<16xi32>
      %add3A_360 = arith.addi %add3A_359, %iota3A : vector<16xi32>
      %gather3A_361 = tpu.vector_load_idx %arg6[%add3A_360, %broadcast_in_dim3A_332] : memref<512x128xf32, #tpu.memory_space<vmem>>[vector<16xi32>, vector<16xi32>], vector<16xf32>,
      %add3A_362 = arith.constant 32 : i32
      %add3A_363 = arith.addi %mul3A_340, %add3A_362 : i32
      %swap3A_364 = arith.index_cast %sub3A_336 : i32 to index
      %swap3A_365 = arith.index_cast %add3A_363 : i32 to index
      %swap3A_366 = tpu.vector_load %arg7[%swap3A_364, %swap3A_365] {strides = array<i32>} : memref<128x128xf32, #tpu.memory_space<vmem>>, vector<16xf32>,
      tpu.vector_store %arg7[%swap3A_364, %swap3A_365], %gather3A_361 {strides = array<i32>} : memref<128x128xf32, #tpu.memory_space<vmem>>, vector<16xf32>,
      %add3A_367 = arith.constant 48 : i32
      %add3A_368 = vector.broadcast %add3A_367 : i32 to vector<16xi32>
      %add3A_369 = arith.addi %add3A_368, %iota3A : vector<16xi32>
      %gather3A_370 = tpu.vector_load_idx %arg6[%add3A_369, %broadcast_in_dim3A_332] : memref<512x128xf32, #tpu.memory_space<vmem>>[vector<16xi32>, vector<16xi32>], vector<16xf32>,
      %add3A_371 = arith.constant 48 : i32
      %add3A_372 = arith.addi %mul3A_340, %add3A_371 : i32
      %swap3A_373 = arith.index_cast %sub3A_336 : i32 to index
      %swap3A_374 = arith.index_cast %add3A_372 : i32 to index
      %swap3A_375 = tpu.vector_load %arg7[%swap3A_373, %swap3A_374] {strides = array<i32>} : memref<128x128xf32, #tpu.memory_space<vmem>>, vector<16xf32>,
      tpu.vector_store %arg7[%swap3A_373, %swap3A_374], %gather3A_370 {strides = array<i32>} : memref<128x128xf32, #tpu.memory_space<vmem>>, vector<16xf32>,
      %add3A_376 = arith.constant 8 : i32
      %add3A_377 = arith.addi %add3A_299, %add3A_376 : i32
      %lt3A = arith.constant 512 : i32
      %lt3A_378 = arith.cmpi slt, %add3A_377, %lt3A : i32
      %convert_element_type3A = arith.extui %lt3A_378 : i1 to i32
      %cond3A = arith.constant 0 : i32
      %cond3A_379 = arith.cmpi ne, %convert_element_type3A, %cond3A : i32
      scf.if %cond3A_379 {
        %add3A_1010 = arith.constant 8 : i32
        %add3A_1011 = arith.addi %add3A_299, %add3A_1010 : i32
        %shift_right_arithmetic3A_1012 = arith.constant 4 : i32
        %shift_right_arithmetic3A_1013 = arith.shrsi %add3A_1011, %shift_right_arithmetic3A_1012 : i32
        %shift_left3A_1014 = arith.constant 4 : i32
        %shift_left3A_1015 = arith.shli %shift_right_arithmetic3A_1013, %shift_left3A_1014 : i32
        %get3A_1016 = arith.index_cast %shift_left3A_1015 : i32 to index
        %get3A_1017 = tpu.vector_load %arg5[%get3A_1016] {strides = array<i32>} : memref<512xi32, #tpu.memory_space<vmem>>, vector<16xi32>,
        %and3A_1018 = arith.constant 15 : i32
        %and3A_1019 = arith.andi %add3A_1011, %and3A_1018 : i32
        %broadcast_in_dim3A_1020 = vector.broadcast %and3A_1019 : i32 to vector<16xi32>
        %reshape3A_1021 = vector.shape_cast %broadcast_in_dim3A_1020 : vector<16xi32> to vector<16x1xi32>
        %gather3A_1022 = vector.shape_cast %reshape3A_1021 : vector<16x1xi32> to vector<16xi32>
        %gather3A_1023 = tpu.dynamic_gather %get3A_1017[%gather3A_1022] in [0] : vector<16xi32>, vector<16xi32> -> vector<16xi32>
        %reduce_max3A_1024 = arith.constant true
        %reduce_max3A_1025 = vector.broadcast %reduce_max3A_1024 : i1 to vector<16xi1>
        %reduce_max3A_1026 = arith.constant -2147483648 : i32
        %reduce_max3A_1027 = vector.broadcast %reduce_max3A_1026 : i32 to vector<16xi32>
        %reduce_max3A_1028 = arith.xori %gather3A_1023, %reduce_max3A_1027 : vector<16xi32>
        %reduce_max3A_1029 = tpu.scan <max>, %reduce_max3A_1028 masked %reduce_max3A_1025 : vector<16xi32>, vector<16xi1> -> vector<16xi32>
        %reduce_max3A_1030 = arith.xori %reduce_max3A_1029, %reduce_max3A_1027 : vector<16xi32>
        %reduce_max3A_1031 = vector.extract %reduce_max3A_1030[15] : i32 from vector<16xi32>
        %shift_right_arithmetic3A_1032 = arith.constant 7 : i32
        %shift_right_arithmetic3A_1033 = arith.shrsi %reduce_max3A_1031, %shift_right_arithmetic3A_1032 : i32
        %mul3A_1034 = arith.constant 128 : i32
        %mul3A_1035 = arith.muli %shift_right_arithmetic3A_1033, %mul3A_1034 : i32
        %multiple_of3A_1036 = tpu.assume_multiple %mul3A_1035, 128 : i32
        %dma_start3A_1037 = arith.constant 0 : i32
        %dma_start3A_1038 = arith.constant 0 : i32
        %dma_start3A_1039 = tpu.memref_slice %arg6[%dma_start3A_1037, %dma_start3A_1038] : memref<512x128xf32, #tpu.memory_space<vmem>> -> memref<64x128xf32, #tpu.memory_space<vmem>>
        %dma_start3A_1040 = arith.constant 0 : i32
        %dma_start3A_1041 = tpu.memref_slice %arg3[%dma_start3A_1040, %multiple_of3A_1036] : memref<64x1000000xf32, #tpu.memory_space<hbm>> -> memref<64x128xf32, #tpu.memory_space<hbm>>
        %dma_start3A_1042 = arith.constant 0 : i32
        %dma_start3A_1043 = arith.constant 0 : i32
        %dma_start3A_1044 = tpu.memref_slice %arg6[%dma_start3A_1042, %dma_start3A_1043] : memref<512x128xf32, #tpu.memory_space<vmem>> -> memref<64x128xf32, #tpu.memory_space<vmem>>
        %dma_start3A_1045 = arith.constant 0 : i32
        %dma_start3A_1046 = tpu.memref_slice %arg3[%dma_start3A_1045, %multiple_of3A_1036] : memref<64x1000000xf32, #tpu.memory_space<hbm>> -> memref<64x128xf32, #tpu.memory_space<hbm>>
        tpu.enqueue_dma source(%dma_start3A_1046 : memref<64x128xf32, #tpu.memory_space<hbm>>) target(%dma_start3A_1044 : memref<64x128xf32, #tpu.memory_space<vmem>>) target_semaphore(%arg8 : memref<!tpu.dma_semaphore, #tpu.memory_space<semaphore_mem>>)
      } else {
      }
      %mul3A_380 = arith.constant 8 : i32
      %mul3A_381 = arith.muli %add3A_295, %mul3A_380 : i32
      %add3A_382 = arith.constant 1 : i32
      %add3A_383 = arith.addi %mul3A_381, %add3A_382 : i32
      %dma_wait3A_384 = arith.constant 64 : i32
      %dma_wait3A_385 = arith.constant 0 : i32
      %dma_wait3A_386 = tpu.memref_slice %arg6[%dma_wait3A_384, %dma_wait3A_385] : memref<512x128xf32, #tpu.memory_space<vmem>> -> memref<64x128xf32, #tpu.memory_space<vmem>>
      %dma_wait3A_387 = arith.constant 0 : i32
      %dma_wait3A_388 = arith.constant 0 : i32
      %dma_wait3A_389 = tpu.memref_slice %arg3[%dma_wait3A_387, %dma_wait3A_388] : memref<64x1000000xf32, #tpu.memory_space<hbm>> -> memref<64x128xf32, #tpu.memory_space<hbm>>
      %dma_wait3A_390 = arith.constant 64 : i32
      %dma_wait3A_391 = arith.constant 0 : i32
      %dma_wait3A_392 = tpu.memref_slice %arg6[%dma_wait3A_390, %dma_wait3A_391] : memref<512x128xf32, #tpu.memory_space<vmem>> -> memref<64x128xf32, #tpu.memory_space<vmem>>
      %dma_wait3A_393 = arith.constant 0 : i32
      %dma_wait3A_394 = arith.constant 0 : i32
      %dma_wait3A_395 = tpu.memref_slice %arg3[%dma_wait3A_393, %dma_wait3A_394] : memref<64x1000000xf32, #tpu.memory_space<hbm>> -> memref<64x128xf32, #tpu.memory_space<hbm>>
      tpu.wait_dma2 semaphore(%arg9 : memref<!tpu.dma_semaphore, #tpu.memory_space<semaphore_mem>>) src(%dma_wait3A_395 : memref<64x128xf32, #tpu.memory_space<hbm>>) dst(%dma_wait3A_392 : memref<64x128xf32, #tpu.memory_space<vmem>>)
      %shift_right_arithmetic3A_396 = arith.constant 4 : i32
      %shift_right_arithmetic3A_397 = arith.shrsi %add3A_383, %shift_right_arithmetic3A_396 : i32
      %shift_left3A_398 = arith.constant 4 : i32
      %shift_left3A_399 = arith.shli %shift_right_arithmetic3A_397, %shift_left3A_398 : i32
      %get3A_400 = arith.index_cast %shift_left3A_399 : i32 to index
      %get3A_401 = tpu.vector_load %arg5[%get3A_400] {strides = array<i32>} : memref<512xi32, #tpu.memory_space<vmem>>, vector<16xi32>,
      %and3A_402 = arith.constant 15 : i32
      %and3A_403 = arith.andi %add3A_383, %and3A_402 : i32
      %broadcast_in_dim3A_404 = vector.broadcast %and3A_403 : i32 to vector<16xi32>
      %reshape3A_405 = vector.shape_cast %broadcast_in_dim3A_404 : vector<16xi32> to vector<16x1xi32>
      %gather3A_406 = vector.shape_cast %reshape3A_405 : vector<16x1xi32> to vector<16xi32>
      %gather3A_407 = tpu.dynamic_gather %get3A_401[%gather3A_406] in [0] : vector<16xi32>, vector<16xi32> -> vector<16xi32>
      %reduce_max3A_408 = arith.constant true
      %reduce_max3A_409 = vector.broadcast %reduce_max3A_408 : i1 to vector<16xi1>
      %reduce_max3A_410 = arith.constant -2147483648 : i32
      %reduce_max3A_411 = vector.broadcast %reduce_max3A_410 : i32 to vector<16xi32>
      %reduce_max3A_412 = arith.xori %gather3A_407, %reduce_max3A_411 : vector<16xi32>
      %reduce_max3A_413 = tpu.scan <max>, %reduce_max3A_412 masked %reduce_max3A_409 : vector<16xi32>, vector<16xi1> -> vector<16xi32>
      %reduce_max3A_414 = arith.xori %reduce_max3A_413, %reduce_max3A_411 : vector<16xi32>
      %reduce_max3A_415 = vector.extract %reduce_max3A_414[15] : i32 from vector<16xi32>
      %and3A_416 = arith.constant 127 : i32
      %and3A_417 = arith.andi %reduce_max3A_415, %and3A_416 : i32
      %broadcast_in_dim3A_418 = vector.broadcast %and3A_417 : i32 to vector<16xi32>
      %shift_right_arithmetic3A_419 = arith.constant 1 : i32
      %shift_right_arithmetic3A_420 = arith.shrsi %add3A_383, %shift_right_arithmetic3A_419 : i32
      %sub3A_421 = arith.constant 0 : i32
      %sub3A_422 = arith.subi %shift_right_arithmetic3A_420, %sub3A_421 : i32
      %and3A_423 = arith.constant 1 : i32
      %and3A_424 = arith.andi %add3A_383, %and3A_423 : i32
      %mul3A_425 = arith.constant 64 : i32
      %mul3A_426 = arith.muli %and3A_424, %mul3A_425 : i32
      %add3A_427 = arith.constant 64 : i32
      %add3A_428 = vector.broadcast %add3A_427 : i32 to vector<16xi32>
      %add3A_429 = arith.addi %add3A_428, %iota3A : vector<16xi32>
      %gather3A_430 = tpu.vector_load_idx %arg6[%add3A_429, %broadcast_in_dim3A_418] : memref<512x128xf32, #tpu.memory_space<vmem>>[vector<16xi32>, vector<16xi32>], vector<16xf32>,
      %add3A_431 = arith.constant 0 : i32
      %add3A_432 = arith.addi %mul3A_426, %add3A_431 : i32
      %swap3A_433 = arith.index_cast %sub3A_422 : i32 to index
      %swap3A_434 = arith.index_cast %add3A_432 : i32 to index
      %swap3A_435 = tpu.vector_load %arg7[%swap3A_433, %swap3A_434] {strides = array<i32>} : memref<128x128xf32, #tpu.memory_space<vmem>>, vector<16xf32>,
      tpu.vector_store %arg7[%swap3A_433, %swap3A_434], %gather3A_430 {strides = array<i32>} : memref<128x128xf32, #tpu.memory_space<vmem>>, vector<16xf32>,
      %add3A_436 = arith.constant 80 : i32
      %add3A_437 = vector.broadcast %add3A_436 : i32 to vector<16xi32>
      %add3A_438 = arith.addi %add3A_437, %iota3A : vector<16xi32>
      %gather3A_439 = tpu.vector_load_idx %arg6[%add3A_438, %broadcast_in_dim3A_418] : memref<512x128xf32, #tpu.memory_space<vmem>>[vector<16xi32>, vector<16xi32>], vector<16xf32>,
      %add3A_440 = arith.constant 16 : i32
      %add3A_441 = arith.addi %mul3A_426, %add3A_440 : i32
      %swap3A_442 = arith.index_cast %sub3A_422 : i32 to index
      %swap3A_443 = arith.index_cast %add3A_441 : i32 to index
      %swap3A_444 = tpu.vector_load %arg7[%swap3A_442, %swap3A_443] {strides = array<i32>} : memref<128x128xf32, #tpu.memory_space<vmem>>, vector<16xf32>,
      tpu.vector_store %arg7[%swap3A_442, %swap3A_443], %gather3A_439 {strides = array<i32>} : memref<128x128xf32, #tpu.memory_space<vmem>>, vector<16xf32>,
      %add3A_445 = arith.constant 96 : i32
      %add3A_446 = vector.broadcast %add3A_445 : i32 to vector<16xi32>
      %add3A_447 = arith.addi %add3A_446, %iota3A : vector<16xi32>
      %gather3A_448 = tpu.vector_load_idx %arg6[%add3A_447, %broadcast_in_dim3A_418] : memref<512x128xf32, #tpu.memory_space<vmem>>[vector<16xi32>, vector<16xi32>], vector<16xf32>,
      %add3A_449 = arith.constant 32 : i32
      %add3A_450 = arith.addi %mul3A_426, %add3A_449 : i32
      %swap3A_451 = arith.index_cast %sub3A_422 : i32 to index
      %swap3A_452 = arith.index_cast %add3A_450 : i32 to index
      %swap3A_453 = tpu.vector_load %arg7[%swap3A_451, %swap3A_452] {strides = array<i32>} : memref<128x128xf32, #tpu.memory_space<vmem>>, vector<16xf32>,
      tpu.vector_store %arg7[%swap3A_451, %swap3A_452], %gather3A_448 {strides = array<i32>} : memref<128x128xf32, #tpu.memory_space<vmem>>, vector<16xf32>,
      %add3A_454 = arith.constant 112 : i32
      %add3A_455 = vector.broadcast %add3A_454 : i32 to vector<16xi32>
      %add3A_456 = arith.addi %add3A_455, %iota3A : vector<16xi32>
      %gather3A_457 = tpu.vector_load_idx %arg6[%add3A_456, %broadcast_in_dim3A_418] : memref<512x128xf32, #tpu.memory_space<vmem>>[vector<16xi32>, vector<16xi32>], vector<16xf32>,
      %add3A_458 = arith.constant 48 : i32
      %add3A_459 = arith.addi %mul3A_426, %add3A_458 : i32
      %swap3A_460 = arith.index_cast %sub3A_422 : i32 to index
      %swap3A_461 = arith.index_cast %add3A_459 : i32 to index
      %swap3A_462 = tpu.vector_load %arg7[%swap3A_460, %swap3A_461] {strides = array<i32>} : memref<128x128xf32, #tpu.memory_space<vmem>>, vector<16xf32>,
      tpu.vector_store %arg7[%swap3A_460, %swap3A_461], %gather3A_457 {strides = array<i32>} : memref<128x128xf32, #tpu.memory_space<vmem>>, vector<16xf32>,
      %add3A_463 = arith.constant 8 : i32
      %add3A_464 = arith.addi %add3A_383, %add3A_463 : i32
      %lt3A_465 = arith.constant 512 : i32
      %lt3A_466 = arith.cmpi slt, %add3A_464, %lt3A_465 : i32
      %convert_element_type3A_467 = arith.extui %lt3A_466 : i1 to i32
      %cond3A_468 = arith.constant 0 : i32
      %cond3A_469 = arith.cmpi ne, %convert_element_type3A_467, %cond3A_468 : i32
      scf.if %cond3A_469 {
        %add3A_1010 = arith.constant 8 : i32
        %add3A_1011 = arith.addi %add3A_383, %add3A_1010 : i32
        %shift_right_arithmetic3A_1012 = arith.constant 4 : i32
        %shift_right_arithmetic3A_1013 = arith.shrsi %add3A_1011, %shift_right_arithmetic3A_1012 : i32
        %shift_left3A_1014 = arith.constant 4 : i32
        %shift_left3A_1015 = arith.shli %shift_right_arithmetic3A_1013, %shift_left3A_1014 : i32
        %get3A_1016 = arith.index_cast %shift_left3A_1015 : i32 to index
        %get3A_1017 = tpu.vector_load %arg5[%get3A_1016] {strides = array<i32>} : memref<512xi32, #tpu.memory_space<vmem>>, vector<16xi32>,
        %and3A_1018 = arith.constant 15 : i32
        %and3A_1019 = arith.andi %add3A_1011, %and3A_1018 : i32
        %broadcast_in_dim3A_1020 = vector.broadcast %and3A_1019 : i32 to vector<16xi32>
        %reshape3A_1021 = vector.shape_cast %broadcast_in_dim3A_1020 : vector<16xi32> to vector<16x1xi32>
        %gather3A_1022 = vector.shape_cast %reshape3A_1021 : vector<16x1xi32> to vector<16xi32>
        %gather3A_1023 = tpu.dynamic_gather %get3A_1017[%gather3A_1022] in [0] : vector<16xi32>, vector<16xi32> -> vector<16xi32>
        %reduce_max3A_1024 = arith.constant true
        %reduce_max3A_1025 = vector.broadcast %reduce_max3A_1024 : i1 to vector<16xi1>
        %reduce_max3A_1026 = arith.constant -2147483648 : i32
        %reduce_max3A_1027 = vector.broadcast %reduce_max3A_1026 : i32 to vector<16xi32>
        %reduce_max3A_1028 = arith.xori %gather3A_1023, %reduce_max3A_1027 : vector<16xi32>
        %reduce_max3A_1029 = tpu.scan <max>, %reduce_max3A_1028 masked %reduce_max3A_1025 : vector<16xi32>, vector<16xi1> -> vector<16xi32>
        %reduce_max3A_1030 = arith.xori %reduce_max3A_1029, %reduce_max3A_1027 : vector<16xi32>
        %reduce_max3A_1031 = vector.extract %reduce_max3A_1030[15] : i32 from vector<16xi32>
        %shift_right_arithmetic3A_1032 = arith.constant 7 : i32
        %shift_right_arithmetic3A_1033 = arith.shrsi %reduce_max3A_1031, %shift_right_arithmetic3A_1032 : i32
        %mul3A_1034 = arith.constant 128 : i32
        %mul3A_1035 = arith.muli %shift_right_arithmetic3A_1033, %mul3A_1034 : i32
        %multiple_of3A_1036 = tpu.assume_multiple %mul3A_1035, 128 : i32
        %dma_start3A_1037 = arith.constant 64 : i32
        %dma_start3A_1038 = arith.constant 0 : i32
        %dma_start3A_1039 = tpu.memref_slice %arg6[%dma_start3A_1037, %dma_start3A_1038] : memref<512x128xf32, #tpu.memory_space<vmem>> -> memref<64x128xf32, #tpu.memory_space<vmem>>
        %dma_start3A_1040 = arith.constant 0 : i32
        %dma_start3A_1041 = tpu.memref_slice %arg3[%dma_start3A_1040, %multiple_of3A_1036] : memref<64x1000000xf32, #tpu.memory_space<hbm>> -> memref<64x128xf32, #tpu.memory_space<hbm>>
        %dma_start3A_1042 = arith.constant 64 : i32
        %dma_start3A_1043 = arith.constant 0 : i32
        %dma_start3A_1044 = tpu.memref_slice %arg6[%dma_start3A_1042, %dma_start3A_1043] : memref<512x128xf32, #tpu.memory_space<vmem>> -> memref<64x128xf32, #tpu.memory_space<vmem>>
        %dma_start3A_1045 = arith.constant 0 : i32
        %dma_start3A_1046 = tpu.memref_slice %arg3[%dma_start3A_1045, %multiple_of3A_1036] : memref<64x1000000xf32, #tpu.memory_space<hbm>> -> memref<64x128xf32, #tpu.memory_space<hbm>>
        tpu.enqueue_dma source(%dma_start3A_1046 : memref<64x128xf32, #tpu.memory_space<hbm>>) target(%dma_start3A_1044 : memref<64x128xf32, #tpu.memory_space<vmem>>) target_semaphore(%arg9 : memref<!tpu.dma_semaphore, #tpu.memory_space<semaphore_mem>>)
      } else {
      }
      %mul3A_470 = arith.constant 8 : i32
      %mul3A_471 = arith.muli %add3A_295, %mul3A_470 : i32
      %add3A_472 = arith.constant 2 : i32
      %add3A_473 = arith.addi %mul3A_471, %add3A_472 : i32
      %dma_wait3A_474 = arith.constant 128 : i32
      %dma_wait3A_475 = arith.constant 0 : i32
      %dma_wait3A_476 = tpu.memref_slice %arg6[%dma_wait3A_474, %dma_wait3A_475] : memref<512x128xf32, #tpu.memory_space<vmem>> -> memref<64x128xf32, #tpu.memory_space<vmem>>
      %dma_wait3A_477 = arith.constant 0 : i32
      %dma_wait3A_478 = arith.constant 0 : i32
      %dma_wait3A_479 = tpu.memref_slice %arg3[%dma_wait3A_477, %dma_wait3A_478] : memref<64x1000000xf32, #tpu.memory_space<hbm>> -> memref<64x128xf32, #tpu.memory_space<hbm>>
      %dma_wait3A_480 = arith.constant 128 : i32
      %dma_wait3A_481 = arith.constant 0 : i32
      %dma_wait3A_482 = tpu.memref_slice %arg6[%dma_wait3A_480, %dma_wait3A_481] : memref<512x128xf32, #tpu.memory_space<vmem>> -> memref<64x128xf32, #tpu.memory_space<vmem>>
      %dma_wait3A_483 = arith.constant 0 : i32
      %dma_wait3A_484 = arith.constant 0 : i32
      %dma_wait3A_485 = tpu.memref_slice %arg3[%dma_wait3A_483, %dma_wait3A_484] : memref<64x1000000xf32, #tpu.memory_space<hbm>> -> memref<64x128xf32, #tpu.memory_space<hbm>>
      tpu.wait_dma2 semaphore(%arg10 : memref<!tpu.dma_semaphore, #tpu.memory_space<semaphore_mem>>) src(%dma_wait3A_485 : memref<64x128xf32, #tpu.memory_space<hbm>>) dst(%dma_wait3A_482 : memref<64x128xf32, #tpu.memory_space<vmem>>)
      %shift_right_arithmetic3A_486 = arith.constant 4 : i32
      %shift_right_arithmetic3A_487 = arith.shrsi %add3A_473, %shift_right_arithmetic3A_486 : i32
      %shift_left3A_488 = arith.constant 4 : i32
      %shift_left3A_489 = arith.shli %shift_right_arithmetic3A_487, %shift_left3A_488 : i32
      %get3A_490 = arith.index_cast %shift_left3A_489 : i32 to index
      %get3A_491 = tpu.vector_load %arg5[%get3A_490] {strides = array<i32>} : memref<512xi32, #tpu.memory_space<vmem>>, vector<16xi32>,
      %and3A_492 = arith.constant 15 : i32
      %and3A_493 = arith.andi %add3A_473, %and3A_492 : i32
      %broadcast_in_dim3A_494 = vector.broadcast %and3A_493 : i32 to vector<16xi32>
      %reshape3A_495 = vector.shape_cast %broadcast_in_dim3A_494 : vector<16xi32> to vector<16x1xi32>
      %gather3A_496 = vector.shape_cast %reshape3A_495 : vector<16x1xi32> to vector<16xi32>
      %gather3A_497 = tpu.dynamic_gather %get3A_491[%gather3A_496] in [0] : vector<16xi32>, vector<16xi32> -> vector<16xi32>
      %reduce_max3A_498 = arith.constant true
      %reduce_max3A_499 = vector.broadcast %reduce_max3A_498 : i1 to vector<16xi1>
      %reduce_max3A_500 = arith.constant -2147483648 : i32
      %reduce_max3A_501 = vector.broadcast %reduce_max3A_500 : i32 to vector<16xi32>
      %reduce_max3A_502 = arith.xori %gather3A_497, %reduce_max3A_501 : vector<16xi32>
      %reduce_max3A_503 = tpu.scan <max>, %reduce_max3A_502 masked %reduce_max3A_499 : vector<16xi32>, vector<16xi1> -> vector<16xi32>
      %reduce_max3A_504 = arith.xori %reduce_max3A_503, %reduce_max3A_501 : vector<16xi32>
      %reduce_max3A_505 = vector.extract %reduce_max3A_504[15] : i32 from vector<16xi32>
      %and3A_506 = arith.constant 127 : i32
      %and3A_507 = arith.andi %reduce_max3A_505, %and3A_506 : i32
      %broadcast_in_dim3A_508 = vector.broadcast %and3A_507 : i32 to vector<16xi32>
      %shift_right_arithmetic3A_509 = arith.constant 1 : i32
      %shift_right_arithmetic3A_510 = arith.shrsi %add3A_473, %shift_right_arithmetic3A_509 : i32
      %sub3A_511 = arith.constant 0 : i32
      %sub3A_512 = arith.subi %shift_right_arithmetic3A_510, %sub3A_511 : i32
      %and3A_513 = arith.constant 1 : i32
      %and3A_514 = arith.andi %add3A_473, %and3A_513 : i32
      %mul3A_515 = arith.constant 64 : i32
      %mul3A_516 = arith.muli %and3A_514, %mul3A_515 : i32
      %add3A_517 = arith.constant 128 : i32
      %add3A_518 = vector.broadcast %add3A_517 : i32 to vector<16xi32>
      %add3A_519 = arith.addi %add3A_518, %iota3A : vector<16xi32>
      %gather3A_520 = tpu.vector_load_idx %arg6[%add3A_519, %broadcast_in_dim3A_508] : memref<512x128xf32, #tpu.memory_space<vmem>>[vector<16xi32>, vector<16xi32>], vector<16xf32>,
      %add3A_521 = arith.constant 0 : i32
      %add3A_522 = arith.addi %mul3A_516, %add3A_521 : i32
      %swap3A_523 = arith.index_cast %sub3A_512 : i32 to index
      %swap3A_524 = arith.index_cast %add3A_522 : i32 to index
      %swap3A_525 = tpu.vector_load %arg7[%swap3A_523, %swap3A_524] {strides = array<i32>} : memref<128x128xf32, #tpu.memory_space<vmem>>, vector<16xf32>,
      tpu.vector_store %arg7[%swap3A_523, %swap3A_524], %gather3A_520 {strides = array<i32>} : memref<128x128xf32, #tpu.memory_space<vmem>>, vector<16xf32>,
      %add3A_526 = arith.constant 144 : i32
      %add3A_527 = vector.broadcast %add3A_526 : i32 to vector<16xi32>
      %add3A_528 = arith.addi %add3A_527, %iota3A : vector<16xi32>
      %gather3A_529 = tpu.vector_load_idx %arg6[%add3A_528, %broadcast_in_dim3A_508] : memref<512x128xf32, #tpu.memory_space<vmem>>[vector<16xi32>, vector<16xi32>], vector<16xf32>,
      %add3A_530 = arith.constant 16 : i32
      %add3A_531 = arith.addi %mul3A_516, %add3A_530 : i32
      %swap3A_532 = arith.index_cast %sub3A_512 : i32 to index
      %swap3A_533 = arith.index_cast %add3A_531 : i32 to index
      %swap3A_534 = tpu.vector_load %arg7[%swap3A_532, %swap3A_533] {strides = array<i32>} : memref<128x128xf32, #tpu.memory_space<vmem>>, vector<16xf32>,
      tpu.vector_store %arg7[%swap3A_532, %swap3A_533], %gather3A_529 {strides = array<i32>} : memref<128x128xf32, #tpu.memory_space<vmem>>, vector<16xf32>,
      %add3A_535 = arith.constant 160 : i32
      %add3A_536 = vector.broadcast %add3A_535 : i32 to vector<16xi32>
      %add3A_537 = arith.addi %add3A_536, %iota3A : vector<16xi32>
      %gather3A_538 = tpu.vector_load_idx %arg6[%add3A_537, %broadcast_in_dim3A_508] : memref<512x128xf32, #tpu.memory_space<vmem>>[vector<16xi32>, vector<16xi32>], vector<16xf32>,
      %add3A_539 = arith.constant 32 : i32
      %add3A_540 = arith.addi %mul3A_516, %add3A_539 : i32
      %swap3A_541 = arith.index_cast %sub3A_512 : i32 to index
      %swap3A_542 = arith.index_cast %add3A_540 : i32 to index
      %swap3A_543 = tpu.vector_load %arg7[%swap3A_541, %swap3A_542] {strides = array<i32>} : memref<128x128xf32, #tpu.memory_space<vmem>>, vector<16xf32>,
      tpu.vector_store %arg7[%swap3A_541, %swap3A_542], %gather3A_538 {strides = array<i32>} : memref<128x128xf32, #tpu.memory_space<vmem>>, vector<16xf32>,
      %add3A_544 = arith.constant 176 : i32
      %add3A_545 = vector.broadcast %add3A_544 : i32 to vector<16xi32>
      %add3A_546 = arith.addi %add3A_545, %iota3A : vector<16xi32>
      %gather3A_547 = tpu.vector_load_idx %arg6[%add3A_546, %broadcast_in_dim3A_508] : memref<512x128xf32, #tpu.memory_space<vmem>>[vector<16xi32>, vector<16xi32>], vector<16xf32>,
      %add3A_548 = arith.constant 48 : i32
      %add3A_549 = arith.addi %mul3A_516, %add3A_548 : i32
      %swap3A_550 = arith.index_cast %sub3A_512 : i32 to index
      %swap3A_551 = arith.index_cast %add3A_549 : i32 to index
      %swap3A_552 = tpu.vector_load %arg7[%swap3A_550, %swap3A_551] {strides = array<i32>} : memref<128x128xf32, #tpu.memory_space<vmem>>, vector<16xf32>,
      tpu.vector_store %arg7[%swap3A_550, %swap3A_551], %gather3A_547 {strides = array<i32>} : memref<128x128xf32, #tpu.memory_space<vmem>>, vector<16xf32>,
      %add3A_553 = arith.constant 8 : i32
      %add3A_554 = arith.addi %add3A_473, %add3A_553 : i32
      %lt3A_555 = arith.constant 512 : i32
      %lt3A_556 = arith.cmpi slt, %add3A_554, %lt3A_555 : i32
      %convert_element_type3A_557 = arith.extui %lt3A_556 : i1 to i32
      %cond3A_558 = arith.constant 0 : i32
      %cond3A_559 = arith.cmpi ne, %convert_element_type3A_557, %cond3A_558 : i32
      scf.if %cond3A_559 {
        %add3A_1010 = arith.constant 8 : i32
        %add3A_1011 = arith.addi %add3A_473, %add3A_1010 : i32
        %shift_right_arithmetic3A_1012 = arith.constant 4 : i32
        %shift_right_arithmetic3A_1013 = arith.shrsi %add3A_1011, %shift_right_arithmetic3A_1012 : i32
        %shift_left3A_1014 = arith.constant 4 : i32
        %shift_left3A_1015 = arith.shli %shift_right_arithmetic3A_1013, %shift_left3A_1014 : i32
        %get3A_1016 = arith.index_cast %shift_left3A_1015 : i32 to index
        %get3A_1017 = tpu.vector_load %arg5[%get3A_1016] {strides = array<i32>} : memref<512xi32, #tpu.memory_space<vmem>>, vector<16xi32>,
        %and3A_1018 = arith.constant 15 : i32
        %and3A_1019 = arith.andi %add3A_1011, %and3A_1018 : i32
        %broadcast_in_dim3A_1020 = vector.broadcast %and3A_1019 : i32 to vector<16xi32>
        %reshape3A_1021 = vector.shape_cast %broadcast_in_dim3A_1020 : vector<16xi32> to vector<16x1xi32>
        %gather3A_1022 = vector.shape_cast %reshape3A_1021 : vector<16x1xi32> to vector<16xi32>
        %gather3A_1023 = tpu.dynamic_gather %get3A_1017[%gather3A_1022] in [0] : vector<16xi32>, vector<16xi32> -> vector<16xi32>
        %reduce_max3A_1024 = arith.constant true
        %reduce_max3A_1025 = vector.broadcast %reduce_max3A_1024 : i1 to vector<16xi1>
        %reduce_max3A_1026 = arith.constant -2147483648 : i32
        %reduce_max3A_1027 = vector.broadcast %reduce_max3A_1026 : i32 to vector<16xi32>
        %reduce_max3A_1028 = arith.xori %gather3A_1023, %reduce_max3A_1027 : vector<16xi32>
        %reduce_max3A_1029 = tpu.scan <max>, %reduce_max3A_1028 masked %reduce_max3A_1025 : vector<16xi32>, vector<16xi1> -> vector<16xi32>
        %reduce_max3A_1030 = arith.xori %reduce_max3A_1029, %reduce_max3A_1027 : vector<16xi32>
        %reduce_max3A_1031 = vector.extract %reduce_max3A_1030[15] : i32 from vector<16xi32>
        %shift_right_arithmetic3A_1032 = arith.constant 7 : i32
        %shift_right_arithmetic3A_1033 = arith.shrsi %reduce_max3A_1031, %shift_right_arithmetic3A_1032 : i32
        %mul3A_1034 = arith.constant 128 : i32
        %mul3A_1035 = arith.muli %shift_right_arithmetic3A_1033, %mul3A_1034 : i32
        %multiple_of3A_1036 = tpu.assume_multiple %mul3A_1035, 128 : i32
        %dma_start3A_1037 = arith.constant 128 : i32
        %dma_start3A_1038 = arith.constant 0 : i32
        %dma_start3A_1039 = tpu.memref_slice %arg6[%dma_start3A_1037, %dma_start3A_1038] : memref<512x128xf32, #tpu.memory_space<vmem>> -> memref<64x128xf32, #tpu.memory_space<vmem>>
        %dma_start3A_1040 = arith.constant 0 : i32
        %dma_start3A_1041 = tpu.memref_slice %arg3[%dma_start3A_1040, %multiple_of3A_1036] : memref<64x1000000xf32, #tpu.memory_space<hbm>> -> memref<64x128xf32, #tpu.memory_space<hbm>>
        %dma_start3A_1042 = arith.constant 128 : i32
        %dma_start3A_1043 = arith.constant 0 : i32
        %dma_start3A_1044 = tpu.memref_slice %arg6[%dma_start3A_1042, %dma_start3A_1043] : memref<512x128xf32, #tpu.memory_space<vmem>> -> memref<64x128xf32, #tpu.memory_space<vmem>>
        %dma_start3A_1045 = arith.constant 0 : i32
        %dma_start3A_1046 = tpu.memref_slice %arg3[%dma_start3A_1045, %multiple_of3A_1036] : memref<64x1000000xf32, #tpu.memory_space<hbm>> -> memref<64x128xf32, #tpu.memory_space<hbm>>
        tpu.enqueue_dma source(%dma_start3A_1046 : memref<64x128xf32, #tpu.memory_space<hbm>>) target(%dma_start3A_1044 : memref<64x128xf32, #tpu.memory_space<vmem>>) target_semaphore(%arg10 : memref<!tpu.dma_semaphore, #tpu.memory_space<semaphore_mem>>)
      } else {
      }
      %mul3A_560 = arith.constant 8 : i32
      %mul3A_561 = arith.muli %add3A_295, %mul3A_560 : i32
      %add3A_562 = arith.constant 3 : i32
      %add3A_563 = arith.addi %mul3A_561, %add3A_562 : i32
      %dma_wait3A_564 = arith.constant 192 : i32
      %dma_wait3A_565 = arith.constant 0 : i32
      %dma_wait3A_566 = tpu.memref_slice %arg6[%dma_wait3A_564, %dma_wait3A_565] : memref<512x128xf32, #tpu.memory_space<vmem>> -> memref<64x128xf32, #tpu.memory_space<vmem>>
      %dma_wait3A_567 = arith.constant 0 : i32
      %dma_wait3A_568 = arith.constant 0 : i32
      %dma_wait3A_569 = tpu.memref_slice %arg3[%dma_wait3A_567, %dma_wait3A_568] : memref<64x1000000xf32, #tpu.memory_space<hbm>> -> memref<64x128xf32, #tpu.memory_space<hbm>>
      %dma_wait3A_570 = arith.constant 192 : i32
      %dma_wait3A_571 = arith.constant 0 : i32
      %dma_wait3A_572 = tpu.memref_slice %arg6[%dma_wait3A_570, %dma_wait3A_571] : memref<512x128xf32, #tpu.memory_space<vmem>> -> memref<64x128xf32, #tpu.memory_space<vmem>>
      %dma_wait3A_573 = arith.constant 0 : i32
      %dma_wait3A_574 = arith.constant 0 : i32
      %dma_wait3A_575 = tpu.memref_slice %arg3[%dma_wait3A_573, %dma_wait3A_574] : memref<64x1000000xf32, #tpu.memory_space<hbm>> -> memref<64x128xf32, #tpu.memory_space<hbm>>
      tpu.wait_dma2 semaphore(%arg11 : memref<!tpu.dma_semaphore, #tpu.memory_space<semaphore_mem>>) src(%dma_wait3A_575 : memref<64x128xf32, #tpu.memory_space<hbm>>) dst(%dma_wait3A_572 : memref<64x128xf32, #tpu.memory_space<vmem>>)
      %shift_right_arithmetic3A_576 = arith.constant 4 : i32
      %shift_right_arithmetic3A_577 = arith.shrsi %add3A_563, %shift_right_arithmetic3A_576 : i32
      %shift_left3A_578 = arith.constant 4 : i32
      %shift_left3A_579 = arith.shli %shift_right_arithmetic3A_577, %shift_left3A_578 : i32
      %get3A_580 = arith.index_cast %shift_left3A_579 : i32 to index
      %get3A_581 = tpu.vector_load %arg5[%get3A_580] {strides = array<i32>} : memref<512xi32, #tpu.memory_space<vmem>>, vector<16xi32>,
      %and3A_582 = arith.constant 15 : i32
      %and3A_583 = arith.andi %add3A_563, %and3A_582 : i32
      %broadcast_in_dim3A_584 = vector.broadcast %and3A_583 : i32 to vector<16xi32>
      %reshape3A_585 = vector.shape_cast %broadcast_in_dim3A_584 : vector<16xi32> to vector<16x1xi32>
      %gather3A_586 = vector.shape_cast %reshape3A_585 : vector<16x1xi32> to vector<16xi32>
      %gather3A_587 = tpu.dynamic_gather %get3A_581[%gather3A_586] in [0] : vector<16xi32>, vector<16xi32> -> vector<16xi32>
      %reduce_max3A_588 = arith.constant true
      %reduce_max3A_589 = vector.broadcast %reduce_max3A_588 : i1 to vector<16xi1>
      %reduce_max3A_590 = arith.constant -2147483648 : i32
      %reduce_max3A_591 = vector.broadcast %reduce_max3A_590 : i32 to vector<16xi32>
      %reduce_max3A_592 = arith.xori %gather3A_587, %reduce_max3A_591 : vector<16xi32>
      %reduce_max3A_593 = tpu.scan <max>, %reduce_max3A_592 masked %reduce_max3A_589 : vector<16xi32>, vector<16xi1> -> vector<16xi32>
      %reduce_max3A_594 = arith.xori %reduce_max3A_593, %reduce_max3A_591 : vector<16xi32>
      %reduce_max3A_595 = vector.extract %reduce_max3A_594[15] : i32 from vector<16xi32>
      %and3A_596 = arith.constant 127 : i32
      %and3A_597 = arith.andi %reduce_max3A_595, %and3A_596 : i32
      %broadcast_in_dim3A_598 = vector.broadcast %and3A_597 : i32 to vector<16xi32>
      %shift_right_arithmetic3A_599 = arith.constant 1 : i32
      %shift_right_arithmetic3A_600 = arith.shrsi %add3A_563, %shift_right_arithmetic3A_599 : i32
      %sub3A_601 = arith.constant 0 : i32
      %sub3A_602 = arith.subi %shift_right_arithmetic3A_600, %sub3A_601 : i32
      %and3A_603 = arith.constant 1 : i32
      %and3A_604 = arith.andi %add3A_563, %and3A_603 : i32
      %mul3A_605 = arith.constant 64 : i32
      %mul3A_606 = arith.muli %and3A_604, %mul3A_605 : i32
      %add3A_607 = arith.constant 192 : i32
      %add3A_608 = vector.broadcast %add3A_607 : i32 to vector<16xi32>
      %add3A_609 = arith.addi %add3A_608, %iota3A : vector<16xi32>
      %gather3A_610 = tpu.vector_load_idx %arg6[%add3A_609, %broadcast_in_dim3A_598] : memref<512x128xf32, #tpu.memory_space<vmem>>[vector<16xi32>, vector<16xi32>], vector<16xf32>,
      %add3A_611 = arith.constant 0 : i32
      %add3A_612 = arith.addi %mul3A_606, %add3A_611 : i32
      %swap3A_613 = arith.index_cast %sub3A_602 : i32 to index
      %swap3A_614 = arith.index_cast %add3A_612 : i32 to index
      %swap3A_615 = tpu.vector_load %arg7[%swap3A_613, %swap3A_614] {strides = array<i32>} : memref<128x128xf32, #tpu.memory_space<vmem>>, vector<16xf32>,
      tpu.vector_store %arg7[%swap3A_613, %swap3A_614], %gather3A_610 {strides = array<i32>} : memref<128x128xf32, #tpu.memory_space<vmem>>, vector<16xf32>,
      %add3A_616 = arith.constant 208 : i32
      %add3A_617 = vector.broadcast %add3A_616 : i32 to vector<16xi32>
      %add3A_618 = arith.addi %add3A_617, %iota3A : vector<16xi32>
      %gather3A_619 = tpu.vector_load_idx %arg6[%add3A_618, %broadcast_in_dim3A_598] : memref<512x128xf32, #tpu.memory_space<vmem>>[vector<16xi32>, vector<16xi32>], vector<16xf32>,
      %add3A_620 = arith.constant 16 : i32
      %add3A_621 = arith.addi %mul3A_606, %add3A_620 : i32
      %swap3A_622 = arith.index_cast %sub3A_602 : i32 to index
      %swap3A_623 = arith.index_cast %add3A_621 : i32 to index
      %swap3A_624 = tpu.vector_load %arg7[%swap3A_622, %swap3A_623] {strides = array<i32>} : memref<128x128xf32, #tpu.memory_space<vmem>>, vector<16xf32>,
      tpu.vector_store %arg7[%swap3A_622, %swap3A_623], %gather3A_619 {strides = array<i32>} : memref<128x128xf32, #tpu.memory_space<vmem>>, vector<16xf32>,
      %add3A_625 = arith.constant 224 : i32
      %add3A_626 = vector.broadcast %add3A_625 : i32 to vector<16xi32>
      %add3A_627 = arith.addi %add3A_626, %iota3A : vector<16xi32>
      %gather3A_628 = tpu.vector_load_idx %arg6[%add3A_627, %broadcast_in_dim3A_598] : memref<512x128xf32, #tpu.memory_space<vmem>>[vector<16xi32>, vector<16xi32>], vector<16xf32>,
      %add3A_629 = arith.constant 32 : i32
      %add3A_630 = arith.addi %mul3A_606, %add3A_629 : i32
      %swap3A_631 = arith.index_cast %sub3A_602 : i32 to index
      %swap3A_632 = arith.index_cast %add3A_630 : i32 to index
      %swap3A_633 = tpu.vector_load %arg7[%swap3A_631, %swap3A_632] {strides = array<i32>} : memref<128x128xf32, #tpu.memory_space<vmem>>, vector<16xf32>,
      tpu.vector_store %arg7[%swap3A_631, %swap3A_632], %gather3A_628 {strides = array<i32>} : memref<128x128xf32, #tpu.memory_space<vmem>>, vector<16xf32>,
      %add3A_634 = arith.constant 240 : i32
      %add3A_635 = vector.broadcast %add3A_634 : i32 to vector<16xi32>
      %add3A_636 = arith.addi %add3A_635, %iota3A : vector<16xi32>
      %gather3A_637 = tpu.vector_load_idx %arg6[%add3A_636, %broadcast_in_dim3A_598] : memref<512x128xf32, #tpu.memory_space<vmem>>[vector<16xi32>, vector<16xi32>], vector<16xf32>,
      %add3A_638 = arith.constant 48 : i32
      %add3A_639 = arith.addi %mul3A_606, %add3A_638 : i32
      %swap3A_640 = arith.index_cast %sub3A_602 : i32 to index
      %swap3A_641 = arith.index_cast %add3A_639 : i32 to index
      %swap3A_642 = tpu.vector_load %arg7[%swap3A_640, %swap3A_641] {strides = array<i32>} : memref<128x128xf32, #tpu.memory_space<vmem>>, vector<16xf32>,
      tpu.vector_store %arg7[%swap3A_640, %swap3A_641], %gather3A_637 {strides = array<i32>} : memref<128x128xf32, #tpu.memory_space<vmem>>, vector<16xf32>,
      %add3A_643 = arith.constant 8 : i32
      %add3A_644 = arith.addi %add3A_563, %add3A_643 : i32
      %lt3A_645 = arith.constant 512 : i32
      %lt3A_646 = arith.cmpi slt, %add3A_644, %lt3A_645 : i32
      %convert_element_type3A_647 = arith.extui %lt3A_646 : i1 to i32
      %cond3A_648 = arith.constant 0 : i32
      %cond3A_649 = arith.cmpi ne, %convert_element_type3A_647, %cond3A_648 : i32
      scf.if %cond3A_649 {
        %add3A_1010 = arith.constant 8 : i32
        %add3A_1011 = arith.addi %add3A_563, %add3A_1010 : i32
        %shift_right_arithmetic3A_1012 = arith.constant 4 : i32
        %shift_right_arithmetic3A_1013 = arith.shrsi %add3A_1011, %shift_right_arithmetic3A_1012 : i32
        %shift_left3A_1014 = arith.constant 4 : i32
        %shift_left3A_1015 = arith.shli %shift_right_arithmetic3A_1013, %shift_left3A_1014 : i32
        %get3A_1016 = arith.index_cast %shift_left3A_1015 : i32 to index
        %get3A_1017 = tpu.vector_load %arg5[%get3A_1016] {strides = array<i32>} : memref<512xi32, #tpu.memory_space<vmem>>, vector<16xi32>,
        %and3A_1018 = arith.constant 15 : i32
        %and3A_1019 = arith.andi %add3A_1011, %and3A_1018 : i32
        %broadcast_in_dim3A_1020 = vector.broadcast %and3A_1019 : i32 to vector<16xi32>
        %reshape3A_1021 = vector.shape_cast %broadcast_in_dim3A_1020 : vector<16xi32> to vector<16x1xi32>
        %gather3A_1022 = vector.shape_cast %reshape3A_1021 : vector<16x1xi32> to vector<16xi32>
        %gather3A_1023 = tpu.dynamic_gather %get3A_1017[%gather3A_1022] in [0] : vector<16xi32>, vector<16xi32> -> vector<16xi32>
        %reduce_max3A_1024 = arith.constant true
        %reduce_max3A_1025 = vector.broadcast %reduce_max3A_1024 : i1 to vector<16xi1>
        %reduce_max3A_1026 = arith.constant -2147483648 : i32
        %reduce_max3A_1027 = vector.broadcast %reduce_max3A_1026 : i32 to vector<16xi32>
        %reduce_max3A_1028 = arith.xori %gather3A_1023, %reduce_max3A_1027 : vector<16xi32>
        %reduce_max3A_1029 = tpu.scan <max>, %reduce_max3A_1028 masked %reduce_max3A_1025 : vector<16xi32>, vector<16xi1> -> vector<16xi32>
        %reduce_max3A_1030 = arith.xori %reduce_max3A_1029, %reduce_max3A_1027 : vector<16xi32>
        %reduce_max3A_1031 = vector.extract %reduce_max3A_1030[15] : i32 from vector<16xi32>
        %shift_right_arithmetic3A_1032 = arith.constant 7 : i32
        %shift_right_arithmetic3A_1033 = arith.shrsi %reduce_max3A_1031, %shift_right_arithmetic3A_1032 : i32
        %mul3A_1034 = arith.constant 128 : i32
        %mul3A_1035 = arith.muli %shift_right_arithmetic3A_1033, %mul3A_1034 : i32
        %multiple_of3A_1036 = tpu.assume_multiple %mul3A_1035, 128 : i32
        %dma_start3A_1037 = arith.constant 192 : i32
        %dma_start3A_1038 = arith.constant 0 : i32
        %dma_start3A_1039 = tpu.memref_slice %arg6[%dma_start3A_1037, %dma_start3A_1038] : memref<512x128xf32, #tpu.memory_space<vmem>> -> memref<64x128xf32, #tpu.memory_space<vmem>>
        %dma_start3A_1040 = arith.constant 0 : i32
        %dma_start3A_1041 = tpu.memref_slice %arg3[%dma_start3A_1040, %multiple_of3A_1036] : memref<64x1000000xf32, #tpu.memory_space<hbm>> -> memref<64x128xf32, #tpu.memory_space<hbm>>
        %dma_start3A_1042 = arith.constant 192 : i32
        %dma_start3A_1043 = arith.constant 0 : i32
        %dma_start3A_1044 = tpu.memref_slice %arg6[%dma_start3A_1042, %dma_start3A_1043] : memref<512x128xf32, #tpu.memory_space<vmem>> -> memref<64x128xf32, #tpu.memory_space<vmem>>
        %dma_start3A_1045 = arith.constant 0 : i32
        %dma_start3A_1046 = tpu.memref_slice %arg3[%dma_start3A_1045, %multiple_of3A_1036] : memref<64x1000000xf32, #tpu.memory_space<hbm>> -> memref<64x128xf32, #tpu.memory_space<hbm>>
        tpu.enqueue_dma source(%dma_start3A_1046 : memref<64x128xf32, #tpu.memory_space<hbm>>) target(%dma_start3A_1044 : memref<64x128xf32, #tpu.memory_space<vmem>>) target_semaphore(%arg11 : memref<!tpu.dma_semaphore, #tpu.memory_space<semaphore_mem>>)
      } else {
      }
      %mul3A_650 = arith.constant 8 : i32
      %mul3A_651 = arith.muli %add3A_295, %mul3A_650 : i32
      %add3A_652 = arith.constant 4 : i32
      %add3A_653 = arith.addi %mul3A_651, %add3A_652 : i32
      %dma_wait3A_654 = arith.constant 256 : i32
      %dma_wait3A_655 = arith.constant 0 : i32
      %dma_wait3A_656 = tpu.memref_slice %arg6[%dma_wait3A_654, %dma_wait3A_655] : memref<512x128xf32, #tpu.memory_space<vmem>> -> memref<64x128xf32, #tpu.memory_space<vmem>>
      %dma_wait3A_657 = arith.constant 0 : i32
      %dma_wait3A_658 = arith.constant 0 : i32
      %dma_wait3A_659 = tpu.memref_slice %arg3[%dma_wait3A_657, %dma_wait3A_658] : memref<64x1000000xf32, #tpu.memory_space<hbm>> -> memref<64x128xf32, #tpu.memory_space<hbm>>
      %dma_wait3A_660 = arith.constant 256 : i32
      %dma_wait3A_661 = arith.constant 0 : i32
      %dma_wait3A_662 = tpu.memref_slice %arg6[%dma_wait3A_660, %dma_wait3A_661] : memref<512x128xf32, #tpu.memory_space<vmem>> -> memref<64x128xf32, #tpu.memory_space<vmem>>
      %dma_wait3A_663 = arith.constant 0 : i32
      %dma_wait3A_664 = arith.constant 0 : i32
      %dma_wait3A_665 = tpu.memref_slice %arg3[%dma_wait3A_663, %dma_wait3A_664] : memref<64x1000000xf32, #tpu.memory_space<hbm>> -> memref<64x128xf32, #tpu.memory_space<hbm>>
      tpu.wait_dma2 semaphore(%arg12 : memref<!tpu.dma_semaphore, #tpu.memory_space<semaphore_mem>>) src(%dma_wait3A_665 : memref<64x128xf32, #tpu.memory_space<hbm>>) dst(%dma_wait3A_662 : memref<64x128xf32, #tpu.memory_space<vmem>>)
      %shift_right_arithmetic3A_666 = arith.constant 4 : i32
      %shift_right_arithmetic3A_667 = arith.shrsi %add3A_653, %shift_right_arithmetic3A_666 : i32
      %shift_left3A_668 = arith.constant 4 : i32
      %shift_left3A_669 = arith.shli %shift_right_arithmetic3A_667, %shift_left3A_668 : i32
      %get3A_670 = arith.index_cast %shift_left3A_669 : i32 to index
      %get3A_671 = tpu.vector_load %arg5[%get3A_670] {strides = array<i32>} : memref<512xi32, #tpu.memory_space<vmem>>, vector<16xi32>,
      %and3A_672 = arith.constant 15 : i32
      %and3A_673 = arith.andi %add3A_653, %and3A_672 : i32
      %broadcast_in_dim3A_674 = vector.broadcast %and3A_673 : i32 to vector<16xi32>
      %reshape3A_675 = vector.shape_cast %broadcast_in_dim3A_674 : vector<16xi32> to vector<16x1xi32>
      %gather3A_676 = vector.shape_cast %reshape3A_675 : vector<16x1xi32> to vector<16xi32>
      %gather3A_677 = tpu.dynamic_gather %get3A_671[%gather3A_676] in [0] : vector<16xi32>, vector<16xi32> -> vector<16xi32>
      %reduce_max3A_678 = arith.constant true
      %reduce_max3A_679 = vector.broadcast %reduce_max3A_678 : i1 to vector<16xi1>
      %reduce_max3A_680 = arith.constant -2147483648 : i32
      %reduce_max3A_681 = vector.broadcast %reduce_max3A_680 : i32 to vector<16xi32>
      %reduce_max3A_682 = arith.xori %gather3A_677, %reduce_max3A_681 : vector<16xi32>
      %reduce_max3A_683 = tpu.scan <max>, %reduce_max3A_682 masked %reduce_max3A_679 : vector<16xi32>, vector<16xi1> -> vector<16xi32>
      %reduce_max3A_684 = arith.xori %reduce_max3A_683, %reduce_max3A_681 : vector<16xi32>
      %reduce_max3A_685 = vector.extract %reduce_max3A_684[15] : i32 from vector<16xi32>
      %and3A_686 = arith.constant 127 : i32
      %and3A_687 = arith.andi %reduce_max3A_685, %and3A_686 : i32
      %broadcast_in_dim3A_688 = vector.broadcast %and3A_687 : i32 to vector<16xi32>
      %shift_right_arithmetic3A_689 = arith.constant 1 : i32
      %shift_right_arithmetic3A_690 = arith.shrsi %add3A_653, %shift_right_arithmetic3A_689 : i32
      %sub3A_691 = arith.constant 0 : i32
      %sub3A_692 = arith.subi %shift_right_arithmetic3A_690, %sub3A_691 : i32
      %and3A_693 = arith.constant 1 : i32
      %and3A_694 = arith.andi %add3A_653, %and3A_693 : i32
      %mul3A_695 = arith.constant 64 : i32
      %mul3A_696 = arith.muli %and3A_694, %mul3A_695 : i32
      %add3A_697 = arith.constant 256 : i32
      %add3A_698 = vector.broadcast %add3A_697 : i32 to vector<16xi32>
      %add3A_699 = arith.addi %add3A_698, %iota3A : vector<16xi32>
      %gather3A_700 = tpu.vector_load_idx %arg6[%add3A_699, %broadcast_in_dim3A_688] : memref<512x128xf32, #tpu.memory_space<vmem>>[vector<16xi32>, vector<16xi32>], vector<16xf32>,
      %add3A_701 = arith.constant 0 : i32
      %add3A_702 = arith.addi %mul3A_696, %add3A_701 : i32
      %swap3A_703 = arith.index_cast %sub3A_692 : i32 to index
      %swap3A_704 = arith.index_cast %add3A_702 : i32 to index
      %swap3A_705 = tpu.vector_load %arg7[%swap3A_703, %swap3A_704] {strides = array<i32>} : memref<128x128xf32, #tpu.memory_space<vmem>>, vector<16xf32>,
      tpu.vector_store %arg7[%swap3A_703, %swap3A_704], %gather3A_700 {strides = array<i32>} : memref<128x128xf32, #tpu.memory_space<vmem>>, vector<16xf32>,
      %add3A_706 = arith.constant 272 : i32
      %add3A_707 = vector.broadcast %add3A_706 : i32 to vector<16xi32>
      %add3A_708 = arith.addi %add3A_707, %iota3A : vector<16xi32>
      %gather3A_709 = tpu.vector_load_idx %arg6[%add3A_708, %broadcast_in_dim3A_688] : memref<512x128xf32, #tpu.memory_space<vmem>>[vector<16xi32>, vector<16xi32>], vector<16xf32>,
      %add3A_710 = arith.constant 16 : i32
      %add3A_711 = arith.addi %mul3A_696, %add3A_710 : i32
      %swap3A_712 = arith.index_cast %sub3A_692 : i32 to index
      %swap3A_713 = arith.index_cast %add3A_711 : i32 to index
      %swap3A_714 = tpu.vector_load %arg7[%swap3A_712, %swap3A_713] {strides = array<i32>} : memref<128x128xf32, #tpu.memory_space<vmem>>, vector<16xf32>,
      tpu.vector_store %arg7[%swap3A_712, %swap3A_713], %gather3A_709 {strides = array<i32>} : memref<128x128xf32, #tpu.memory_space<vmem>>, vector<16xf32>,
      %add3A_715 = arith.constant 288 : i32
      %add3A_716 = vector.broadcast %add3A_715 : i32 to vector<16xi32>
      %add3A_717 = arith.addi %add3A_716, %iota3A : vector<16xi32>
      %gather3A_718 = tpu.vector_load_idx %arg6[%add3A_717, %broadcast_in_dim3A_688] : memref<512x128xf32, #tpu.memory_space<vmem>>[vector<16xi32>, vector<16xi32>], vector<16xf32>,
      %add3A_719 = arith.constant 32 : i32
      %add3A_720 = arith.addi %mul3A_696, %add3A_719 : i32
      %swap3A_721 = arith.index_cast %sub3A_692 : i32 to index
      %swap3A_722 = arith.index_cast %add3A_720 : i32 to index
      %swap3A_723 = tpu.vector_load %arg7[%swap3A_721, %swap3A_722] {strides = array<i32>} : memref<128x128xf32, #tpu.memory_space<vmem>>, vector<16xf32>,
      tpu.vector_store %arg7[%swap3A_721, %swap3A_722], %gather3A_718 {strides = array<i32>} : memref<128x128xf32, #tpu.memory_space<vmem>>, vector<16xf32>,
      %add3A_724 = arith.constant 304 : i32
      %add3A_725 = vector.broadcast %add3A_724 : i32 to vector<16xi32>
      %add3A_726 = arith.addi %add3A_725, %iota3A : vector<16xi32>
      %gather3A_727 = tpu.vector_load_idx %arg6[%add3A_726, %broadcast_in_dim3A_688] : memref<512x128xf32, #tpu.memory_space<vmem>>[vector<16xi32>, vector<16xi32>], vector<16xf32>,
      %add3A_728 = arith.constant 48 : i32
      %add3A_729 = arith.addi %mul3A_696, %add3A_728 : i32
      %swap3A_730 = arith.index_cast %sub3A_692 : i32 to index
      %swap3A_731 = arith.index_cast %add3A_729 : i32 to index
      %swap3A_732 = tpu.vector_load %arg7[%swap3A_730, %swap3A_731] {strides = array<i32>} : memref<128x128xf32, #tpu.memory_space<vmem>>, vector<16xf32>,
      tpu.vector_store %arg7[%swap3A_730, %swap3A_731], %gather3A_727 {strides = array<i32>} : memref<128x128xf32, #tpu.memory_space<vmem>>, vector<16xf32>,
      %add3A_733 = arith.constant 8 : i32
      %add3A_734 = arith.addi %add3A_653, %add3A_733 : i32
      %lt3A_735 = arith.constant 512 : i32
      %lt3A_736 = arith.cmpi slt, %add3A_734, %lt3A_735 : i32
      %convert_element_type3A_737 = arith.extui %lt3A_736 : i1 to i32
      %cond3A_738 = arith.constant 0 : i32
      %cond3A_739 = arith.cmpi ne, %convert_element_type3A_737, %cond3A_738 : i32
      scf.if %cond3A_739 {
        %add3A_1010 = arith.constant 8 : i32
        %add3A_1011 = arith.addi %add3A_653, %add3A_1010 : i32
        %shift_right_arithmetic3A_1012 = arith.constant 4 : i32
        %shift_right_arithmetic3A_1013 = arith.shrsi %add3A_1011, %shift_right_arithmetic3A_1012 : i32
        %shift_left3A_1014 = arith.constant 4 : i32
        %shift_left3A_1015 = arith.shli %shift_right_arithmetic3A_1013, %shift_left3A_1014 : i32
        %get3A_1016 = arith.index_cast %shift_left3A_1015 : i32 to index
        %get3A_1017 = tpu.vector_load %arg5[%get3A_1016] {strides = array<i32>} : memref<512xi32, #tpu.memory_space<vmem>>, vector<16xi32>,
        %and3A_1018 = arith.constant 15 : i32
        %and3A_1019 = arith.andi %add3A_1011, %and3A_1018 : i32
        %broadcast_in_dim3A_1020 = vector.broadcast %and3A_1019 : i32 to vector<16xi32>
        %reshape3A_1021 = vector.shape_cast %broadcast_in_dim3A_1020 : vector<16xi32> to vector<16x1xi32>
        %gather3A_1022 = vector.shape_cast %reshape3A_1021 : vector<16x1xi32> to vector<16xi32>
        %gather3A_1023 = tpu.dynamic_gather %get3A_1017[%gather3A_1022] in [0] : vector<16xi32>, vector<16xi32> -> vector<16xi32>
        %reduce_max3A_1024 = arith.constant true
        %reduce_max3A_1025 = vector.broadcast %reduce_max3A_1024 : i1 to vector<16xi1>
        %reduce_max3A_1026 = arith.constant -2147483648 : i32
        %reduce_max3A_1027 = vector.broadcast %reduce_max3A_1026 : i32 to vector<16xi32>
        %reduce_max3A_1028 = arith.xori %gather3A_1023, %reduce_max3A_1027 : vector<16xi32>
        %reduce_max3A_1029 = tpu.scan <max>, %reduce_max3A_1028 masked %reduce_max3A_1025 : vector<16xi32>, vector<16xi1> -> vector<16xi32>
        %reduce_max3A_1030 = arith.xori %reduce_max3A_1029, %reduce_max3A_1027 : vector<16xi32>
        %reduce_max3A_1031 = vector.extract %reduce_max3A_1030[15] : i32 from vector<16xi32>
        %shift_right_arithmetic3A_1032 = arith.constant 7 : i32
        %shift_right_arithmetic3A_1033 = arith.shrsi %reduce_max3A_1031, %shift_right_arithmetic3A_1032 : i32
        %mul3A_1034 = arith.constant 128 : i32
        %mul3A_1035 = arith.muli %shift_right_arithmetic3A_1033, %mul3A_1034 : i32
        %multiple_of3A_1036 = tpu.assume_multiple %mul3A_1035, 128 : i32
        %dma_start3A_1037 = arith.constant 256 : i32
        %dma_start3A_1038 = arith.constant 0 : i32
        %dma_start3A_1039 = tpu.memref_slice %arg6[%dma_start3A_1037, %dma_start3A_1038] : memref<512x128xf32, #tpu.memory_space<vmem>> -> memref<64x128xf32, #tpu.memory_space<vmem>>
        %dma_start3A_1040 = arith.constant 0 : i32
        %dma_start3A_1041 = tpu.memref_slice %arg3[%dma_start3A_1040, %multiple_of3A_1036] : memref<64x1000000xf32, #tpu.memory_space<hbm>> -> memref<64x128xf32, #tpu.memory_space<hbm>>
        %dma_start3A_1042 = arith.constant 256 : i32
        %dma_start3A_1043 = arith.constant 0 : i32
        %dma_start3A_1044 = tpu.memref_slice %arg6[%dma_start3A_1042, %dma_start3A_1043] : memref<512x128xf32, #tpu.memory_space<vmem>> -> memref<64x128xf32, #tpu.memory_space<vmem>>
        %dma_start3A_1045 = arith.constant 0 : i32
        %dma_start3A_1046 = tpu.memref_slice %arg3[%dma_start3A_1045, %multiple_of3A_1036] : memref<64x1000000xf32, #tpu.memory_space<hbm>> -> memref<64x128xf32, #tpu.memory_space<hbm>>
        tpu.enqueue_dma source(%dma_start3A_1046 : memref<64x128xf32, #tpu.memory_space<hbm>>) target(%dma_start3A_1044 : memref<64x128xf32, #tpu.memory_space<vmem>>) target_semaphore(%arg12 : memref<!tpu.dma_semaphore, #tpu.memory_space<semaphore_mem>>)
      } else {
      }
      %mul3A_740 = arith.constant 8 : i32
      %mul3A_741 = arith.muli %add3A_295, %mul3A_740 : i32
      %add3A_742 = arith.constant 5 : i32
      %add3A_743 = arith.addi %mul3A_741, %add3A_742 : i32
      %dma_wait3A_744 = arith.constant 320 : i32
      %dma_wait3A_745 = arith.constant 0 : i32
      %dma_wait3A_746 = tpu.memref_slice %arg6[%dma_wait3A_744, %dma_wait3A_745] : memref<512x128xf32, #tpu.memory_space<vmem>> -> memref<64x128xf32, #tpu.memory_space<vmem>>
      %dma_wait3A_747 = arith.constant 0 : i32
      %dma_wait3A_748 = arith.constant 0 : i32
      %dma_wait3A_749 = tpu.memref_slice %arg3[%dma_wait3A_747, %dma_wait3A_748] : memref<64x1000000xf32, #tpu.memory_space<hbm>> -> memref<64x128xf32, #tpu.memory_space<hbm>>
      %dma_wait3A_750 = arith.constant 320 : i32
      %dma_wait3A_751 = arith.constant 0 : i32
      %dma_wait3A_752 = tpu.memref_slice %arg6[%dma_wait3A_750, %dma_wait3A_751] : memref<512x128xf32, #tpu.memory_space<vmem>> -> memref<64x128xf32, #tpu.memory_space<vmem>>
      %dma_wait3A_753 = arith.constant 0 : i32
      %dma_wait3A_754 = arith.constant 0 : i32
      %dma_wait3A_755 = tpu.memref_slice %arg3[%dma_wait3A_753, %dma_wait3A_754] : memref<64x1000000xf32, #tpu.memory_space<hbm>> -> memref<64x128xf32, #tpu.memory_space<hbm>>
      tpu.wait_dma2 semaphore(%arg13 : memref<!tpu.dma_semaphore, #tpu.memory_space<semaphore_mem>>) src(%dma_wait3A_755 : memref<64x128xf32, #tpu.memory_space<hbm>>) dst(%dma_wait3A_752 : memref<64x128xf32, #tpu.memory_space<vmem>>)
      %shift_right_arithmetic3A_756 = arith.constant 4 : i32
      %shift_right_arithmetic3A_757 = arith.shrsi %add3A_743, %shift_right_arithmetic3A_756 : i32
      %shift_left3A_758 = arith.constant 4 : i32
      %shift_left3A_759 = arith.shli %shift_right_arithmetic3A_757, %shift_left3A_758 : i32
      %get3A_760 = arith.index_cast %shift_left3A_759 : i32 to index
      %get3A_761 = tpu.vector_load %arg5[%get3A_760] {strides = array<i32>} : memref<512xi32, #tpu.memory_space<vmem>>, vector<16xi32>,
      %and3A_762 = arith.constant 15 : i32
      %and3A_763 = arith.andi %add3A_743, %and3A_762 : i32
      %broadcast_in_dim3A_764 = vector.broadcast %and3A_763 : i32 to vector<16xi32>
      %reshape3A_765 = vector.shape_cast %broadcast_in_dim3A_764 : vector<16xi32> to vector<16x1xi32>
      %gather3A_766 = vector.shape_cast %reshape3A_765 : vector<16x1xi32> to vector<16xi32>
      %gather3A_767 = tpu.dynamic_gather %get3A_761[%gather3A_766] in [0] : vector<16xi32>, vector<16xi32> -> vector<16xi32>
      %reduce_max3A_768 = arith.constant true
      %reduce_max3A_769 = vector.broadcast %reduce_max3A_768 : i1 to vector<16xi1>
      %reduce_max3A_770 = arith.constant -2147483648 : i32
      %reduce_max3A_771 = vector.broadcast %reduce_max3A_770 : i32 to vector<16xi32>
      %reduce_max3A_772 = arith.xori %gather3A_767, %reduce_max3A_771 : vector<16xi32>
      %reduce_max3A_773 = tpu.scan <max>, %reduce_max3A_772 masked %reduce_max3A_769 : vector<16xi32>, vector<16xi1> -> vector<16xi32>
      %reduce_max3A_774 = arith.xori %reduce_max3A_773, %reduce_max3A_771 : vector<16xi32>
      %reduce_max3A_775 = vector.extract %reduce_max3A_774[15] : i32 from vector<16xi32>
      %and3A_776 = arith.constant 127 : i32
      %and3A_777 = arith.andi %reduce_max3A_775, %and3A_776 : i32
      %broadcast_in_dim3A_778 = vector.broadcast %and3A_777 : i32 to vector<16xi32>
      %shift_right_arithmetic3A_779 = arith.constant 1 : i32
      %shift_right_arithmetic3A_780 = arith.shrsi %add3A_743, %shift_right_arithmetic3A_779 : i32
      %sub3A_781 = arith.constant 0 : i32
      %sub3A_782 = arith.subi %shift_right_arithmetic3A_780, %sub3A_781 : i32
      %and3A_783 = arith.constant 1 : i32
      %and3A_784 = arith.andi %add3A_743, %and3A_783 : i32
      %mul3A_785 = arith.constant 64 : i32
      %mul3A_786 = arith.muli %and3A_784, %mul3A_785 : i32
      %add3A_787 = arith.constant 320 : i32
      %add3A_788 = vector.broadcast %add3A_787 : i32 to vector<16xi32>
      %add3A_789 = arith.addi %add3A_788, %iota3A : vector<16xi32>
      %gather3A_790 = tpu.vector_load_idx %arg6[%add3A_789, %broadcast_in_dim3A_778] : memref<512x128xf32, #tpu.memory_space<vmem>>[vector<16xi32>, vector<16xi32>], vector<16xf32>,
      %add3A_791 = arith.constant 0 : i32
      %add3A_792 = arith.addi %mul3A_786, %add3A_791 : i32
      %swap3A_793 = arith.index_cast %sub3A_782 : i32 to index
      %swap3A_794 = arith.index_cast %add3A_792 : i32 to index
      %swap3A_795 = tpu.vector_load %arg7[%swap3A_793, %swap3A_794] {strides = array<i32>} : memref<128x128xf32, #tpu.memory_space<vmem>>, vector<16xf32>,
      tpu.vector_store %arg7[%swap3A_793, %swap3A_794], %gather3A_790 {strides = array<i32>} : memref<128x128xf32, #tpu.memory_space<vmem>>, vector<16xf32>,
      %add3A_796 = arith.constant 336 : i32
      %add3A_797 = vector.broadcast %add3A_796 : i32 to vector<16xi32>
      %add3A_798 = arith.addi %add3A_797, %iota3A : vector<16xi32>
      %gather3A_799 = tpu.vector_load_idx %arg6[%add3A_798, %broadcast_in_dim3A_778] : memref<512x128xf32, #tpu.memory_space<vmem>>[vector<16xi32>, vector<16xi32>], vector<16xf32>,
      %add3A_800 = arith.constant 16 : i32
      %add3A_801 = arith.addi %mul3A_786, %add3A_800 : i32
      %swap3A_802 = arith.index_cast %sub3A_782 : i32 to index
      %swap3A_803 = arith.index_cast %add3A_801 : i32 to index
      %swap3A_804 = tpu.vector_load %arg7[%swap3A_802, %swap3A_803] {strides = array<i32>} : memref<128x128xf32, #tpu.memory_space<vmem>>, vector<16xf32>,
      tpu.vector_store %arg7[%swap3A_802, %swap3A_803], %gather3A_799 {strides = array<i32>} : memref<128x128xf32, #tpu.memory_space<vmem>>, vector<16xf32>,
      %add3A_805 = arith.constant 352 : i32
      %add3A_806 = vector.broadcast %add3A_805 : i32 to vector<16xi32>
      %add3A_807 = arith.addi %add3A_806, %iota3A : vector<16xi32>
      %gather3A_808 = tpu.vector_load_idx %arg6[%add3A_807, %broadcast_in_dim3A_778] : memref<512x128xf32, #tpu.memory_space<vmem>>[vector<16xi32>, vector<16xi32>], vector<16xf32>,
      %add3A_809 = arith.constant 32 : i32
      %add3A_810 = arith.addi %mul3A_786, %add3A_809 : i32
      %swap3A_811 = arith.index_cast %sub3A_782 : i32 to index
      %swap3A_812 = arith.index_cast %add3A_810 : i32 to index
      %swap3A_813 = tpu.vector_load %arg7[%swap3A_811, %swap3A_812] {strides = array<i32>} : memref<128x128xf32, #tpu.memory_space<vmem>>, vector<16xf32>,
      tpu.vector_store %arg7[%swap3A_811, %swap3A_812], %gather3A_808 {strides = array<i32>} : memref<128x128xf32, #tpu.memory_space<vmem>>, vector<16xf32>,
      %add3A_814 = arith.constant 368 : i32
      %add3A_815 = vector.broadcast %add3A_814 : i32 to vector<16xi32>
      %add3A_816 = arith.addi %add3A_815, %iota3A : vector<16xi32>
      %gather3A_817 = tpu.vector_load_idx %arg6[%add3A_816, %broadcast_in_dim3A_778] : memref<512x128xf32, #tpu.memory_space<vmem>>[vector<16xi32>, vector<16xi32>], vector<16xf32>,
      %add3A_818 = arith.constant 48 : i32
      %add3A_819 = arith.addi %mul3A_786, %add3A_818 : i32
      %swap3A_820 = arith.index_cast %sub3A_782 : i32 to index
      %swap3A_821 = arith.index_cast %add3A_819 : i32 to index
      %swap3A_822 = tpu.vector_load %arg7[%swap3A_820, %swap3A_821] {strides = array<i32>} : memref<128x128xf32, #tpu.memory_space<vmem>>, vector<16xf32>,
      tpu.vector_store %arg7[%swap3A_820, %swap3A_821], %gather3A_817 {strides = array<i32>} : memref<128x128xf32, #tpu.memory_space<vmem>>, vector<16xf32>,
      %add3A_823 = arith.constant 8 : i32
      %add3A_824 = arith.addi %add3A_743, %add3A_823 : i32
      %lt3A_825 = arith.constant 512 : i32
      %lt3A_826 = arith.cmpi slt, %add3A_824, %lt3A_825 : i32
      %convert_element_type3A_827 = arith.extui %lt3A_826 : i1 to i32
      %cond3A_828 = arith.constant 0 : i32
      %cond3A_829 = arith.cmpi ne, %convert_element_type3A_827, %cond3A_828 : i32
      scf.if %cond3A_829 {
        %add3A_1010 = arith.constant 8 : i32
        %add3A_1011 = arith.addi %add3A_743, %add3A_1010 : i32
        %shift_right_arithmetic3A_1012 = arith.constant 4 : i32
        %shift_right_arithmetic3A_1013 = arith.shrsi %add3A_1011, %shift_right_arithmetic3A_1012 : i32
        %shift_left3A_1014 = arith.constant 4 : i32
        %shift_left3A_1015 = arith.shli %shift_right_arithmetic3A_1013, %shift_left3A_1014 : i32
        %get3A_1016 = arith.index_cast %shift_left3A_1015 : i32 to index
        %get3A_1017 = tpu.vector_load %arg5[%get3A_1016] {strides = array<i32>} : memref<512xi32, #tpu.memory_space<vmem>>, vector<16xi32>,
        %and3A_1018 = arith.constant 15 : i32
        %and3A_1019 = arith.andi %add3A_1011, %and3A_1018 : i32
        %broadcast_in_dim3A_1020 = vector.broadcast %and3A_1019 : i32 to vector<16xi32>
        %reshape3A_1021 = vector.shape_cast %broadcast_in_dim3A_1020 : vector<16xi32> to vector<16x1xi32>
        %gather3A_1022 = vector.shape_cast %reshape3A_1021 : vector<16x1xi32> to vector<16xi32>
        %gather3A_1023 = tpu.dynamic_gather %get3A_1017[%gather3A_1022] in [0] : vector<16xi32>, vector<16xi32> -> vector<16xi32>
        %reduce_max3A_1024 = arith.constant true
        %reduce_max3A_1025 = vector.broadcast %reduce_max3A_1024 : i1 to vector<16xi1>
        %reduce_max3A_1026 = arith.constant -2147483648 : i32
        %reduce_max3A_1027 = vector.broadcast %reduce_max3A_1026 : i32 to vector<16xi32>
        %reduce_max3A_1028 = arith.xori %gather3A_1023, %reduce_max3A_1027 : vector<16xi32>
        %reduce_max3A_1029 = tpu.scan <max>, %reduce_max3A_1028 masked %reduce_max3A_1025 : vector<16xi32>, vector<16xi1> -> vector<16xi32>
        %reduce_max3A_1030 = arith.xori %reduce_max3A_1029, %reduce_max3A_1027 : vector<16xi32>
        %reduce_max3A_1031 = vector.extract %reduce_max3A_1030[15] : i32 from vector<16xi32>
        %shift_right_arithmetic3A_1032 = arith.constant 7 : i32
        %shift_right_arithmetic3A_1033 = arith.shrsi %reduce_max3A_1031, %shift_right_arithmetic3A_1032 : i32
        %mul3A_1034 = arith.constant 128 : i32
        %mul3A_1035 = arith.muli %shift_right_arithmetic3A_1033, %mul3A_1034 : i32
        %multiple_of3A_1036 = tpu.assume_multiple %mul3A_1035, 128 : i32
        %dma_start3A_1037 = arith.constant 320 : i32
        %dma_start3A_1038 = arith.constant 0 : i32
        %dma_start3A_1039 = tpu.memref_slice %arg6[%dma_start3A_1037, %dma_start3A_1038] : memref<512x128xf32, #tpu.memory_space<vmem>> -> memref<64x128xf32, #tpu.memory_space<vmem>>
        %dma_start3A_1040 = arith.constant 0 : i32
        %dma_start3A_1041 = tpu.memref_slice %arg3[%dma_start3A_1040, %multiple_of3A_1036] : memref<64x1000000xf32, #tpu.memory_space<hbm>> -> memref<64x128xf32, #tpu.memory_space<hbm>>
        %dma_start3A_1042 = arith.constant 320 : i32
        %dma_start3A_1043 = arith.constant 0 : i32
        %dma_start3A_1044 = tpu.memref_slice %arg6[%dma_start3A_1042, %dma_start3A_1043] : memref<512x128xf32, #tpu.memory_space<vmem>> -> memref<64x128xf32, #tpu.memory_space<vmem>>
        %dma_start3A_1045 = arith.constant 0 : i32
        %dma_start3A_1046 = tpu.memref_slice %arg3[%dma_start3A_1045, %multiple_of3A_1036] : memref<64x1000000xf32, #tpu.memory_space<hbm>> -> memref<64x128xf32, #tpu.memory_space<hbm>>
        tpu.enqueue_dma source(%dma_start3A_1046 : memref<64x128xf32, #tpu.memory_space<hbm>>) target(%dma_start3A_1044 : memref<64x128xf32, #tpu.memory_space<vmem>>) target_semaphore(%arg13 : memref<!tpu.dma_semaphore, #tpu.memory_space<semaphore_mem>>)
      } else {
      }
      %mul3A_830 = arith.constant 8 : i32
      %mul3A_831 = arith.muli %add3A_295, %mul3A_830 : i32
      %add3A_832 = arith.constant 6 : i32
      %add3A_833 = arith.addi %mul3A_831, %add3A_832 : i32
      %dma_wait3A_834 = arith.constant 384 : i32
      %dma_wait3A_835 = arith.constant 0 : i32
      %dma_wait3A_836 = tpu.memref_slice %arg6[%dma_wait3A_834, %dma_wait3A_835] : memref<512x128xf32, #tpu.memory_space<vmem>> -> memref<64x128xf32, #tpu.memory_space<vmem>>
      %dma_wait3A_837 = arith.constant 0 : i32
      %dma_wait3A_838 = arith.constant 0 : i32
      %dma_wait3A_839 = tpu.memref_slice %arg3[%dma_wait3A_837, %dma_wait3A_838] : memref<64x1000000xf32, #tpu.memory_space<hbm>> -> memref<64x128xf32, #tpu.memory_space<hbm>>
      %dma_wait3A_840 = arith.constant 384 : i32
      %dma_wait3A_841 = arith.constant 0 : i32
      %dma_wait3A_842 = tpu.memref_slice %arg6[%dma_wait3A_840, %dma_wait3A_841] : memref<512x128xf32, #tpu.memory_space<vmem>> -> memref<64x128xf32, #tpu.memory_space<vmem>>
      %dma_wait3A_843 = arith.constant 0 : i32
      %dma_wait3A_844 = arith.constant 0 : i32
      %dma_wait3A_845 = tpu.memref_slice %arg3[%dma_wait3A_843, %dma_wait3A_844] : memref<64x1000000xf32, #tpu.memory_space<hbm>> -> memref<64x128xf32, #tpu.memory_space<hbm>>
      tpu.wait_dma2 semaphore(%arg14 : memref<!tpu.dma_semaphore, #tpu.memory_space<semaphore_mem>>) src(%dma_wait3A_845 : memref<64x128xf32, #tpu.memory_space<hbm>>) dst(%dma_wait3A_842 : memref<64x128xf32, #tpu.memory_space<vmem>>)
      %shift_right_arithmetic3A_846 = arith.constant 4 : i32
      %shift_right_arithmetic3A_847 = arith.shrsi %add3A_833, %shift_right_arithmetic3A_846 : i32
      %shift_left3A_848 = arith.constant 4 : i32
      %shift_left3A_849 = arith.shli %shift_right_arithmetic3A_847, %shift_left3A_848 : i32
      %get3A_850 = arith.index_cast %shift_left3A_849 : i32 to index
      %get3A_851 = tpu.vector_load %arg5[%get3A_850] {strides = array<i32>} : memref<512xi32, #tpu.memory_space<vmem>>, vector<16xi32>,
      %and3A_852 = arith.constant 15 : i32
      %and3A_853 = arith.andi %add3A_833, %and3A_852 : i32
      %broadcast_in_dim3A_854 = vector.broadcast %and3A_853 : i32 to vector<16xi32>
      %reshape3A_855 = vector.shape_cast %broadcast_in_dim3A_854 : vector<16xi32> to vector<16x1xi32>
      %gather3A_856 = vector.shape_cast %reshape3A_855 : vector<16x1xi32> to vector<16xi32>
      %gather3A_857 = tpu.dynamic_gather %get3A_851[%gather3A_856] in [0] : vector<16xi32>, vector<16xi32> -> vector<16xi32>
      %reduce_max3A_858 = arith.constant true
      %reduce_max3A_859 = vector.broadcast %reduce_max3A_858 : i1 to vector<16xi1>
      %reduce_max3A_860 = arith.constant -2147483648 : i32
      %reduce_max3A_861 = vector.broadcast %reduce_max3A_860 : i32 to vector<16xi32>
      %reduce_max3A_862 = arith.xori %gather3A_857, %reduce_max3A_861 : vector<16xi32>
      %reduce_max3A_863 = tpu.scan <max>, %reduce_max3A_862 masked %reduce_max3A_859 : vector<16xi32>, vector<16xi1> -> vector<16xi32>
      %reduce_max3A_864 = arith.xori %reduce_max3A_863, %reduce_max3A_861 : vector<16xi32>
      %reduce_max3A_865 = vector.extract %reduce_max3A_864[15] : i32 from vector<16xi32>
      %and3A_866 = arith.constant 127 : i32
      %and3A_867 = arith.andi %reduce_max3A_865, %and3A_866 : i32
      %broadcast_in_dim3A_868 = vector.broadcast %and3A_867 : i32 to vector<16xi32>
      %shift_right_arithmetic3A_869 = arith.constant 1 : i32
      %shift_right_arithmetic3A_870 = arith.shrsi %add3A_833, %shift_right_arithmetic3A_869 : i32
      %sub3A_871 = arith.constant 0 : i32
      %sub3A_872 = arith.subi %shift_right_arithmetic3A_870, %sub3A_871 : i32
      %and3A_873 = arith.constant 1 : i32
      %and3A_874 = arith.andi %add3A_833, %and3A_873 : i32
      %mul3A_875 = arith.constant 64 : i32
      %mul3A_876 = arith.muli %and3A_874, %mul3A_875 : i32
      %add3A_877 = arith.constant 384 : i32
      %add3A_878 = vector.broadcast %add3A_877 : i32 to vector<16xi32>
      %add3A_879 = arith.addi %add3A_878, %iota3A : vector<16xi32>
      %gather3A_880 = tpu.vector_load_idx %arg6[%add3A_879, %broadcast_in_dim3A_868] : memref<512x128xf32, #tpu.memory_space<vmem>>[vector<16xi32>, vector<16xi32>], vector<16xf32>,
      %add3A_881 = arith.constant 0 : i32
      %add3A_882 = arith.addi %mul3A_876, %add3A_881 : i32
      %swap3A_883 = arith.index_cast %sub3A_872 : i32 to index
      %swap3A_884 = arith.index_cast %add3A_882 : i32 to index
      %swap3A_885 = tpu.vector_load %arg7[%swap3A_883, %swap3A_884] {strides = array<i32>} : memref<128x128xf32, #tpu.memory_space<vmem>>, vector<16xf32>,
      tpu.vector_store %arg7[%swap3A_883, %swap3A_884], %gather3A_880 {strides = array<i32>} : memref<128x128xf32, #tpu.memory_space<vmem>>, vector<16xf32>,
      %add3A_886 = arith.constant 400 : i32
      %add3A_887 = vector.broadcast %add3A_886 : i32 to vector<16xi32>
      %add3A_888 = arith.addi %add3A_887, %iota3A : vector<16xi32>
      %gather3A_889 = tpu.vector_load_idx %arg6[%add3A_888, %broadcast_in_dim3A_868] : memref<512x128xf32, #tpu.memory_space<vmem>>[vector<16xi32>, vector<16xi32>], vector<16xf32>,
      %add3A_890 = arith.constant 16 : i32
      %add3A_891 = arith.addi %mul3A_876, %add3A_890 : i32
      %swap3A_892 = arith.index_cast %sub3A_872 : i32 to index
      %swap3A_893 = arith.index_cast %add3A_891 : i32 to index
      %swap3A_894 = tpu.vector_load %arg7[%swap3A_892, %swap3A_893] {strides = array<i32>} : memref<128x128xf32, #tpu.memory_space<vmem>>, vector<16xf32>,
      tpu.vector_store %arg7[%swap3A_892, %swap3A_893], %gather3A_889 {strides = array<i32>} : memref<128x128xf32, #tpu.memory_space<vmem>>, vector<16xf32>,
      %add3A_895 = arith.constant 416 : i32
      %add3A_896 = vector.broadcast %add3A_895 : i32 to vector<16xi32>
      %add3A_897 = arith.addi %add3A_896, %iota3A : vector<16xi32>
      %gather3A_898 = tpu.vector_load_idx %arg6[%add3A_897, %broadcast_in_dim3A_868] : memref<512x128xf32, #tpu.memory_space<vmem>>[vector<16xi32>, vector<16xi32>], vector<16xf32>,
      %add3A_899 = arith.constant 32 : i32
      %add3A_900 = arith.addi %mul3A_876, %add3A_899 : i32
      %swap3A_901 = arith.index_cast %sub3A_872 : i32 to index
      %swap3A_902 = arith.index_cast %add3A_900 : i32 to index
      %swap3A_903 = tpu.vector_load %arg7[%swap3A_901, %swap3A_902] {strides = array<i32>} : memref<128x128xf32, #tpu.memory_space<vmem>>, vector<16xf32>,
      tpu.vector_store %arg7[%swap3A_901, %swap3A_902], %gather3A_898 {strides = array<i32>} : memref<128x128xf32, #tpu.memory_space<vmem>>, vector<16xf32>,
      %add3A_904 = arith.constant 432 : i32
      %add3A_905 = vector.broadcast %add3A_904 : i32 to vector<16xi32>
      %add3A_906 = arith.addi %add3A_905, %iota3A : vector<16xi32>
      %gather3A_907 = tpu.vector_load_idx %arg6[%add3A_906, %broadcast_in_dim3A_868] : memref<512x128xf32, #tpu.memory_space<vmem>>[vector<16xi32>, vector<16xi32>], vector<16xf32>,
      %add3A_908 = arith.constant 48 : i32
      %add3A_909 = arith.addi %mul3A_876, %add3A_908 : i32
      %swap3A_910 = arith.index_cast %sub3A_872 : i32 to index
      %swap3A_911 = arith.index_cast %add3A_909 : i32 to index
      %swap3A_912 = tpu.vector_load %arg7[%swap3A_910, %swap3A_911] {strides = array<i32>} : memref<128x128xf32, #tpu.memory_space<vmem>>, vector<16xf32>,
      tpu.vector_store %arg7[%swap3A_910, %swap3A_911], %gather3A_907 {strides = array<i32>} : memref<128x128xf32, #tpu.memory_space<vmem>>, vector<16xf32>,
      %add3A_913 = arith.constant 8 : i32
      %add3A_914 = arith.addi %add3A_833, %add3A_913 : i32
      %lt3A_915 = arith.constant 512 : i32
      %lt3A_916 = arith.cmpi slt, %add3A_914, %lt3A_915 : i32
      %convert_element_type3A_917 = arith.extui %lt3A_916 : i1 to i32
      %cond3A_918 = arith.constant 0 : i32
      %cond3A_919 = arith.cmpi ne, %convert_element_type3A_917, %cond3A_918 : i32
      scf.if %cond3A_919 {
        %add3A_1010 = arith.constant 8 : i32
        %add3A_1011 = arith.addi %add3A_833, %add3A_1010 : i32
        %shift_right_arithmetic3A_1012 = arith.constant 4 : i32
        %shift_right_arithmetic3A_1013 = arith.shrsi %add3A_1011, %shift_right_arithmetic3A_1012 : i32
        %shift_left3A_1014 = arith.constant 4 : i32
        %shift_left3A_1015 = arith.shli %shift_right_arithmetic3A_1013, %shift_left3A_1014 : i32
        %get3A_1016 = arith.index_cast %shift_left3A_1015 : i32 to index
        %get3A_1017 = tpu.vector_load %arg5[%get3A_1016] {strides = array<i32>} : memref<512xi32, #tpu.memory_space<vmem>>, vector<16xi32>,
        %and3A_1018 = arith.constant 15 : i32
        %and3A_1019 = arith.andi %add3A_1011, %and3A_1018 : i32
        %broadcast_in_dim3A_1020 = vector.broadcast %and3A_1019 : i32 to vector<16xi32>
        %reshape3A_1021 = vector.shape_cast %broadcast_in_dim3A_1020 : vector<16xi32> to vector<16x1xi32>
        %gather3A_1022 = vector.shape_cast %reshape3A_1021 : vector<16x1xi32> to vector<16xi32>
        %gather3A_1023 = tpu.dynamic_gather %get3A_1017[%gather3A_1022] in [0] : vector<16xi32>, vector<16xi32> -> vector<16xi32>
        %reduce_max3A_1024 = arith.constant true
        %reduce_max3A_1025 = vector.broadcast %reduce_max3A_1024 : i1 to vector<16xi1>
        %reduce_max3A_1026 = arith.constant -2147483648 : i32
        %reduce_max3A_1027 = vector.broadcast %reduce_max3A_1026 : i32 to vector<16xi32>
        %reduce_max3A_1028 = arith.xori %gather3A_1023, %reduce_max3A_1027 : vector<16xi32>
        %reduce_max3A_1029 = tpu.scan <max>, %reduce_max3A_1028 masked %reduce_max3A_1025 : vector<16xi32>, vector<16xi1> -> vector<16xi32>
        %reduce_max3A_1030 = arith.xori %reduce_max3A_1029, %reduce_max3A_1027 : vector<16xi32>
        %reduce_max3A_1031 = vector.extract %reduce_max3A_1030[15] : i32 from vector<16xi32>
        %shift_right_arithmetic3A_1032 = arith.constant 7 : i32
        %shift_right_arithmetic3A_1033 = arith.shrsi %reduce_max3A_1031, %shift_right_arithmetic3A_1032 : i32
        %mul3A_1034 = arith.constant 128 : i32
        %mul3A_1035 = arith.muli %shift_right_arithmetic3A_1033, %mul3A_1034 : i32
        %multiple_of3A_1036 = tpu.assume_multiple %mul3A_1035, 128 : i32
        %dma_start3A_1037 = arith.constant 384 : i32
        %dma_start3A_1038 = arith.constant 0 : i32
        %dma_start3A_1039 = tpu.memref_slice %arg6[%dma_start3A_1037, %dma_start3A_1038] : memref<512x128xf32, #tpu.memory_space<vmem>> -> memref<64x128xf32, #tpu.memory_space<vmem>>
        %dma_start3A_1040 = arith.constant 0 : i32
        %dma_start3A_1041 = tpu.memref_slice %arg3[%dma_start3A_1040, %multiple_of3A_1036] : memref<64x1000000xf32, #tpu.memory_space<hbm>> -> memref<64x128xf32, #tpu.memory_space<hbm>>
        %dma_start3A_1042 = arith.constant 384 : i32
        %dma_start3A_1043 = arith.constant 0 : i32
        %dma_start3A_1044 = tpu.memref_slice %arg6[%dma_start3A_1042, %dma_start3A_1043] : memref<512x128xf32, #tpu.memory_space<vmem>> -> memref<64x128xf32, #tpu.memory_space<vmem>>
        %dma_start3A_1045 = arith.constant 0 : i32
        %dma_start3A_1046 = tpu.memref_slice %arg3[%dma_start3A_1045, %multiple_of3A_1036] : memref<64x1000000xf32, #tpu.memory_space<hbm>> -> memref<64x128xf32, #tpu.memory_space<hbm>>
        tpu.enqueue_dma source(%dma_start3A_1046 : memref<64x128xf32, #tpu.memory_space<hbm>>) target(%dma_start3A_1044 : memref<64x128xf32, #tpu.memory_space<vmem>>) target_semaphore(%arg14 : memref<!tpu.dma_semaphore, #tpu.memory_space<semaphore_mem>>)
      } else {
      }
      %mul3A_920 = arith.constant 8 : i32
      %mul3A_921 = arith.muli %add3A_295, %mul3A_920 : i32
      %add3A_922 = arith.constant 7 : i32
      %add3A_923 = arith.addi %mul3A_921, %add3A_922 : i32
      %dma_wait3A_924 = arith.constant 448 : i32
      %dma_wait3A_925 = arith.constant 0 : i32
      %dma_wait3A_926 = tpu.memref_slice %arg6[%dma_wait3A_924, %dma_wait3A_925] : memref<512x128xf32, #tpu.memory_space<vmem>> -> memref<64x128xf32, #tpu.memory_space<vmem>>
      %dma_wait3A_927 = arith.constant 0 : i32
      %dma_wait3A_928 = arith.constant 0 : i32
      %dma_wait3A_929 = tpu.memref_slice %arg3[%dma_wait3A_927, %dma_wait3A_928] : memref<64x1000000xf32, #tpu.memory_space<hbm>> -> memref<64x128xf32, #tpu.memory_space<hbm>>
      %dma_wait3A_930 = arith.constant 448 : i32
      %dma_wait3A_931 = arith.constant 0 : i32
      %dma_wait3A_932 = tpu.memref_slice %arg6[%dma_wait3A_930, %dma_wait3A_931] : memref<512x128xf32, #tpu.memory_space<vmem>> -> memref<64x128xf32, #tpu.memory_space<vmem>>
      %dma_wait3A_933 = arith.constant 0 : i32
      %dma_wait3A_934 = arith.constant 0 : i32
      %dma_wait3A_935 = tpu.memref_slice %arg3[%dma_wait3A_933, %dma_wait3A_934] : memref<64x1000000xf32, #tpu.memory_space<hbm>> -> memref<64x128xf32, #tpu.memory_space<hbm>>
      tpu.wait_dma2 semaphore(%arg15 : memref<!tpu.dma_semaphore, #tpu.memory_space<semaphore_mem>>) src(%dma_wait3A_935 : memref<64x128xf32, #tpu.memory_space<hbm>>) dst(%dma_wait3A_932 : memref<64x128xf32, #tpu.memory_space<vmem>>)
      %shift_right_arithmetic3A_936 = arith.constant 4 : i32
      %shift_right_arithmetic3A_937 = arith.shrsi %add3A_923, %shift_right_arithmetic3A_936 : i32
      %shift_left3A_938 = arith.constant 4 : i32
      %shift_left3A_939 = arith.shli %shift_right_arithmetic3A_937, %shift_left3A_938 : i32
      %get3A_940 = arith.index_cast %shift_left3A_939 : i32 to index
      %get3A_941 = tpu.vector_load %arg5[%get3A_940] {strides = array<i32>} : memref<512xi32, #tpu.memory_space<vmem>>, vector<16xi32>,
      %and3A_942 = arith.constant 15 : i32
      %and3A_943 = arith.andi %add3A_923, %and3A_942 : i32
      %broadcast_in_dim3A_944 = vector.broadcast %and3A_943 : i32 to vector<16xi32>
      %reshape3A_945 = vector.shape_cast %broadcast_in_dim3A_944 : vector<16xi32> to vector<16x1xi32>
      %gather3A_946 = vector.shape_cast %reshape3A_945 : vector<16x1xi32> to vector<16xi32>
      %gather3A_947 = tpu.dynamic_gather %get3A_941[%gather3A_946] in [0] : vector<16xi32>, vector<16xi32> -> vector<16xi32>
      %reduce_max3A_948 = arith.constant true
      %reduce_max3A_949 = vector.broadcast %reduce_max3A_948 : i1 to vector<16xi1>
      %reduce_max3A_950 = arith.constant -2147483648 : i32
      %reduce_max3A_951 = vector.broadcast %reduce_max3A_950 : i32 to vector<16xi32>
      %reduce_max3A_952 = arith.xori %gather3A_947, %reduce_max3A_951 : vector<16xi32>
      %reduce_max3A_953 = tpu.scan <max>, %reduce_max3A_952 masked %reduce_max3A_949 : vector<16xi32>, vector<16xi1> -> vector<16xi32>
      %reduce_max3A_954 = arith.xori %reduce_max3A_953, %reduce_max3A_951 : vector<16xi32>
      %reduce_max3A_955 = vector.extract %reduce_max3A_954[15] : i32 from vector<16xi32>
      %and3A_956 = arith.constant 127 : i32
      %and3A_957 = arith.andi %reduce_max3A_955, %and3A_956 : i32
      %broadcast_in_dim3A_958 = vector.broadcast %and3A_957 : i32 to vector<16xi32>
      %shift_right_arithmetic3A_959 = arith.constant 1 : i32
      %shift_right_arithmetic3A_960 = arith.shrsi %add3A_923, %shift_right_arithmetic3A_959 : i32
      %sub3A_961 = arith.constant 0 : i32
      %sub3A_962 = arith.subi %shift_right_arithmetic3A_960, %sub3A_961 : i32
      %and3A_963 = arith.constant 1 : i32
      %and3A_964 = arith.andi %add3A_923, %and3A_963 : i32
      %mul3A_965 = arith.constant 64 : i32
      %mul3A_966 = arith.muli %and3A_964, %mul3A_965 : i32
      %add3A_967 = arith.constant 448 : i32
      %add3A_968 = vector.broadcast %add3A_967 : i32 to vector<16xi32>
      %add3A_969 = arith.addi %add3A_968, %iota3A : vector<16xi32>
      %gather3A_970 = tpu.vector_load_idx %arg6[%add3A_969, %broadcast_in_dim3A_958] : memref<512x128xf32, #tpu.memory_space<vmem>>[vector<16xi32>, vector<16xi32>], vector<16xf32>,
      %add3A_971 = arith.constant 0 : i32
      %add3A_972 = arith.addi %mul3A_966, %add3A_971 : i32
      %swap3A_973 = arith.index_cast %sub3A_962 : i32 to index
      %swap3A_974 = arith.index_cast %add3A_972 : i32 to index
      %swap3A_975 = tpu.vector_load %arg7[%swap3A_973, %swap3A_974] {strides = array<i32>} : memref<128x128xf32, #tpu.memory_space<vmem>>, vector<16xf32>,
      tpu.vector_store %arg7[%swap3A_973, %swap3A_974], %gather3A_970 {strides = array<i32>} : memref<128x128xf32, #tpu.memory_space<vmem>>, vector<16xf32>,
      %add3A_976 = arith.constant 464 : i32
      %add3A_977 = vector.broadcast %add3A_976 : i32 to vector<16xi32>
      %add3A_978 = arith.addi %add3A_977, %iota3A : vector<16xi32>
      %gather3A_979 = tpu.vector_load_idx %arg6[%add3A_978, %broadcast_in_dim3A_958] : memref<512x128xf32, #tpu.memory_space<vmem>>[vector<16xi32>, vector<16xi32>], vector<16xf32>,
      %add3A_980 = arith.constant 16 : i32
      %add3A_981 = arith.addi %mul3A_966, %add3A_980 : i32
      %swap3A_982 = arith.index_cast %sub3A_962 : i32 to index
      %swap3A_983 = arith.index_cast %add3A_981 : i32 to index
      %swap3A_984 = tpu.vector_load %arg7[%swap3A_982, %swap3A_983] {strides = array<i32>} : memref<128x128xf32, #tpu.memory_space<vmem>>, vector<16xf32>,
      tpu.vector_store %arg7[%swap3A_982, %swap3A_983], %gather3A_979 {strides = array<i32>} : memref<128x128xf32, #tpu.memory_space<vmem>>, vector<16xf32>,
      %add3A_985 = arith.constant 480 : i32
      %add3A_986 = vector.broadcast %add3A_985 : i32 to vector<16xi32>
      %add3A_987 = arith.addi %add3A_986, %iota3A : vector<16xi32>
      %gather3A_988 = tpu.vector_load_idx %arg6[%add3A_987, %broadcast_in_dim3A_958] : memref<512x128xf32, #tpu.memory_space<vmem>>[vector<16xi32>, vector<16xi32>], vector<16xf32>,
      %add3A_989 = arith.constant 32 : i32
      %add3A_990 = arith.addi %mul3A_966, %add3A_989 : i32
      %swap3A_991 = arith.index_cast %sub3A_962 : i32 to index
      %swap3A_992 = arith.index_cast %add3A_990 : i32 to index
      %swap3A_993 = tpu.vector_load %arg7[%swap3A_991, %swap3A_992] {strides = array<i32>} : memref<128x128xf32, #tpu.memory_space<vmem>>, vector<16xf32>,
      tpu.vector_store %arg7[%swap3A_991, %swap3A_992], %gather3A_988 {strides = array<i32>} : memref<128x128xf32, #tpu.memory_space<vmem>>, vector<16xf32>,
      %add3A_994 = arith.constant 496 : i32
      %add3A_995 = vector.broadcast %add3A_994 : i32 to vector<16xi32>
      %add3A_996 = arith.addi %add3A_995, %iota3A : vector<16xi32>
      %gather3A_997 = tpu.vector_load_idx %arg6[%add3A_996, %broadcast_in_dim3A_958] : memref<512x128xf32, #tpu.memory_space<vmem>>[vector<16xi32>, vector<16xi32>], vector<16xf32>,
      %add3A_998 = arith.constant 48 : i32
      %add3A_999 = arith.addi %mul3A_966, %add3A_998 : i32
      %swap3A_1000 = arith.index_cast %sub3A_962 : i32 to index
      %swap3A_1001 = arith.index_cast %add3A_999 : i32 to index
      %swap3A_1002 = tpu.vector_load %arg7[%swap3A_1000, %swap3A_1001] {strides = array<i32>} : memref<128x128xf32, #tpu.memory_space<vmem>>, vector<16xf32>,
      tpu.vector_store %arg7[%swap3A_1000, %swap3A_1001], %gather3A_997 {strides = array<i32>} : memref<128x128xf32, #tpu.memory_space<vmem>>, vector<16xf32>,
      %add3A_1003 = arith.constant 8 : i32
      %add3A_1004 = arith.addi %add3A_923, %add3A_1003 : i32
      %lt3A_1005 = arith.constant 512 : i32
      %lt3A_1006 = arith.cmpi slt, %add3A_1004, %lt3A_1005 : i32
      %convert_element_type3A_1007 = arith.extui %lt3A_1006 : i1 to i32
      %cond3A_1008 = arith.constant 0 : i32
      %cond3A_1009 = arith.cmpi ne, %convert_element_type3A_1007, %cond3A_1008 : i32
      scf.if %cond3A_1009 {
        %add3A_1010 = arith.constant 8 : i32
        %add3A_1011 = arith.addi %add3A_923, %add3A_1010 : i32
        %shift_right_arithmetic3A_1012 = arith.constant 4 : i32
        %shift_right_arithmetic3A_1013 = arith.shrsi %add3A_1011, %shift_right_arithmetic3A_1012 : i32
        %shift_left3A_1014 = arith.constant 4 : i32
        %shift_left3A_1015 = arith.shli %shift_right_arithmetic3A_1013, %shift_left3A_1014 : i32
        %get3A_1016 = arith.index_cast %shift_left3A_1015 : i32 to index
        %get3A_1017 = tpu.vector_load %arg5[%get3A_1016] {strides = array<i32>} : memref<512xi32, #tpu.memory_space<vmem>>, vector<16xi32>,
        %and3A_1018 = arith.constant 15 : i32
        %and3A_1019 = arith.andi %add3A_1011, %and3A_1018 : i32
        %broadcast_in_dim3A_1020 = vector.broadcast %and3A_1019 : i32 to vector<16xi32>
        %reshape3A_1021 = vector.shape_cast %broadcast_in_dim3A_1020 : vector<16xi32> to vector<16x1xi32>
        %gather3A_1022 = vector.shape_cast %reshape3A_1021 : vector<16x1xi32> to vector<16xi32>
        %gather3A_1023 = tpu.dynamic_gather %get3A_1017[%gather3A_1022] in [0] : vector<16xi32>, vector<16xi32> -> vector<16xi32>
        %reduce_max3A_1024 = arith.constant true
        %reduce_max3A_1025 = vector.broadcast %reduce_max3A_1024 : i1 to vector<16xi1>
        %reduce_max3A_1026 = arith.constant -2147483648 : i32
        %reduce_max3A_1027 = vector.broadcast %reduce_max3A_1026 : i32 to vector<16xi32>
        %reduce_max3A_1028 = arith.xori %gather3A_1023, %reduce_max3A_1027 : vector<16xi32>
        %reduce_max3A_1029 = tpu.scan <max>, %reduce_max3A_1028 masked %reduce_max3A_1025 : vector<16xi32>, vector<16xi1> -> vector<16xi32>
        %reduce_max3A_1030 = arith.xori %reduce_max3A_1029, %reduce_max3A_1027 : vector<16xi32>
        %reduce_max3A_1031 = vector.extract %reduce_max3A_1030[15] : i32 from vector<16xi32>
        %shift_right_arithmetic3A_1032 = arith.constant 7 : i32
        %shift_right_arithmetic3A_1033 = arith.shrsi %reduce_max3A_1031, %shift_right_arithmetic3A_1032 : i32
        %mul3A_1034 = arith.constant 128 : i32
        %mul3A_1035 = arith.muli %shift_right_arithmetic3A_1033, %mul3A_1034 : i32
        %multiple_of3A_1036 = tpu.assume_multiple %mul3A_1035, 128 : i32
        %dma_start3A_1037 = arith.constant 448 : i32
        %dma_start3A_1038 = arith.constant 0 : i32
        %dma_start3A_1039 = tpu.memref_slice %arg6[%dma_start3A_1037, %dma_start3A_1038] : memref<512x128xf32, #tpu.memory_space<vmem>> -> memref<64x128xf32, #tpu.memory_space<vmem>>
        %dma_start3A_1040 = arith.constant 0 : i32
        %dma_start3A_1041 = tpu.memref_slice %arg3[%dma_start3A_1040, %multiple_of3A_1036] : memref<64x1000000xf32, #tpu.memory_space<hbm>> -> memref<64x128xf32, #tpu.memory_space<hbm>>
        %dma_start3A_1042 = arith.constant 448 : i32
        %dma_start3A_1043 = arith.constant 0 : i32
        %dma_start3A_1044 = tpu.memref_slice %arg6[%dma_start3A_1042, %dma_start3A_1043] : memref<512x128xf32, #tpu.memory_space<vmem>> -> memref<64x128xf32, #tpu.memory_space<vmem>>
        %dma_start3A_1045 = arith.constant 0 : i32
        %dma_start3A_1046 = tpu.memref_slice %arg3[%dma_start3A_1045, %multiple_of3A_1036] : memref<64x1000000xf32, #tpu.memory_space<hbm>> -> memref<64x128xf32, #tpu.memory_space<hbm>>
        tpu.enqueue_dma source(%dma_start3A_1046 : memref<64x128xf32, #tpu.memory_space<hbm>>) target(%dma_start3A_1044 : memref<64x128xf32, #tpu.memory_space<vmem>>) target_semaphore(%arg15 : memref<!tpu.dma_semaphore, #tpu.memory_space<semaphore_mem>>)
      } else {
      }
    }
    %scan3A_240 = arith.constant 32 : i32
    %jit3A = arith.constant 2 : i32
    %div3A = arith.divsi %multiple_of3A, %jit3A : i32
    %sign3A = arith.constant 0 : i32
    %sign3A_241 = arith.cmpi sgt, %multiple_of3A, %sign3A : i32
    %sign3A_242 = arith.extui %sign3A_241 : i1 to i32
    %sign3A_243 = arith.constant 0 : i32
    %sign3A_244 = arith.cmpi slt, %multiple_of3A, %sign3A_243 : i32
    %sign3A_245 = arith.extui %sign3A_244 : i1 to i32
    %sign3A_246 = arith.subi %sign3A_242, %sign3A_245 : i32
    %sign3A_247 = arith.constant 0 : i32
    %sign3A_248 = arith.cmpi sgt, %jit3A, %sign3A_247 : i32
    %sign3A_249 = arith.extui %sign3A_248 : i1 to i32
    %sign3A_250 = arith.constant 0 : i32
    %sign3A_251 = arith.cmpi slt, %jit3A, %sign3A_250 : i32
    %sign3A_252 = arith.extui %sign3A_251 : i1 to i32
    %sign3A_253 = arith.subi %sign3A_249, %sign3A_252 : i32
    %ne3A = arith.cmpi ne, %sign3A_246, %sign3A_253 : i32
    %rem3A = arith.remsi %multiple_of3A, %jit3A : i32
    %ne3A_254 = arith.constant 0 : i32
    %ne3A_255 = arith.cmpi ne, %rem3A, %ne3A_254 : i32
    %and3A = arith.andi %ne3A, %ne3A_255 : i1
    %sub3A = arith.constant 1 : i32
    %sub3A_256 = arith.subi %div3A, %sub3A : i32
    %select_n3A = arith.select %and3A, %sub3A_256, %div3A : i32
    %add3A_257 = arith.constant 0 : i32
    %add3A_258 = arith.addi %select_n3A, %add3A_257 : i32
    %multiple_of3A_259 = tpu.assume_multiple %add3A_258, 128 : i32
    "tpu.region"() ({
      %run_scoped3A = tpu.sem_alloc : memref<!tpu.dma_semaphore, #tpu.memory_space<semaphore_mem>>
      %dma_start3A_293 = arith.constant 0 : i32
      %dma_start3A_294 = tpu.memref_slice %arg4[%multiple_of3A_259, %dma_start3A_293] : memref<8192x128xf32, #tpu.memory_space<hbm>> -> memref<128x128xf32, #tpu.memory_space<hbm>>
      %dma_start3A_295 = arith.constant 0 : i32
      %dma_start3A_296 = tpu.memref_slice %arg4[%multiple_of3A_259, %dma_start3A_295] : memref<8192x128xf32, #tpu.memory_space<hbm>> -> memref<128x128xf32, #tpu.memory_space<hbm>>
      tpu.enqueue_dma source(%arg7 : memref<128x128xf32, #tpu.memory_space<vmem>>) target(%dma_start3A_296 : memref<128x128xf32, #tpu.memory_space<hbm>>) target_semaphore(%run_scoped3A : memref<!tpu.dma_semaphore, #tpu.memory_space<semaphore_mem>>)
      %dma_wait3A = arith.constant 0 : i32
      %dma_wait3A_297 = tpu.memref_slice %arg4[%multiple_of3A_259, %dma_wait3A] : memref<8192x128xf32, #tpu.memory_space<hbm>> -> memref<128x128xf32, #tpu.memory_space<hbm>>
      %dma_wait3A_298 = arith.constant 0 : i32
      %dma_wait3A_299 = tpu.memref_slice %arg4[%multiple_of3A_259, %dma_wait3A_298] : memref<8192x128xf32, #tpu.memory_space<hbm>> -> memref<128x128xf32, #tpu.memory_space<hbm>>
      tpu.wait_dma2 semaphore(%run_scoped3A : memref<!tpu.dma_semaphore, #tpu.memory_space<semaphore_mem>>) src(%arg7 : memref<128x128xf32, #tpu.memory_space<vmem>>) dst(%dma_wait3A_299 : memref<128x128xf32, #tpu.memory_space<hbm>>)
      tpu.yield
    }) : () -> ()
    %scan3A_260 = arith.constant 0 : i32
    %scan3A_261 = arith.constant 0 : i32
    %scan3A_262 = arith.constant 32 : i32
    %scan3A_263 = arith.addi %scan3A_261, %scan3A_262 : i32
    %scan3A_264 = arith.constant 1 : i32
    scf.for %scan3A_293 = %scan3A_261 to %scan3A_263 step %scan3A_264  : i32 {
      %add3A_294 = arith.constant 32 : i32
      %add3A_295 = arith.addi %add3A_294, %scan3A_293 : i32
      %mul3A_296 = arith.constant 8 : i32
      %mul3A_297 = arith.muli %add3A_295, %mul3A_296 : i32
      %add3A_298 = arith.constant 0 : i32
      %add3A_299 = arith.addi %mul3A_297, %add3A_298 : i32
      %dma_wait3A = arith.constant 0 : i32
      %dma_wait3A_300 = arith.constant 0 : i32
      %dma_wait3A_301 = tpu.memref_slice %arg6[%dma_wait3A, %dma_wait3A_300] : memref<512x128xf32, #tpu.memory_space<vmem>> -> memref<64x128xf32, #tpu.memory_space<vmem>>
      %dma_wait3A_302 = arith.constant 0 : i32
      %dma_wait3A_303 = arith.constant 0 : i32
      %dma_wait3A_304 = tpu.memref_slice %arg3[%dma_wait3A_302, %dma_wait3A_303] : memref<64x1000000xf32, #tpu.memory_space<hbm>> -> memref<64x128xf32, #tpu.memory_space<hbm>>
      %dma_wait3A_305 = arith.constant 0 : i32
      %dma_wait3A_306 = arith.constant 0 : i32
      %dma_wait3A_307 = tpu.memref_slice %arg6[%dma_wait3A_305, %dma_wait3A_306] : memref<512x128xf32, #tpu.memory_space<vmem>> -> memref<64x128xf32, #tpu.memory_space<vmem>>
      %dma_wait3A_308 = arith.constant 0 : i32
      %dma_wait3A_309 = arith.constant 0 : i32
      %dma_wait3A_310 = tpu.memref_slice %arg3[%dma_wait3A_308, %dma_wait3A_309] : memref<64x1000000xf32, #tpu.memory_space<hbm>> -> memref<64x128xf32, #tpu.memory_space<hbm>>
      tpu.wait_dma2 semaphore(%arg8 : memref<!tpu.dma_semaphore, #tpu.memory_space<semaphore_mem>>) src(%dma_wait3A_310 : memref<64x128xf32, #tpu.memory_space<hbm>>) dst(%dma_wait3A_307 : memref<64x128xf32, #tpu.memory_space<vmem>>)
      %shift_right_arithmetic3A_311 = arith.constant 4 : i32
      %shift_right_arithmetic3A_312 = arith.shrsi %add3A_299, %shift_right_arithmetic3A_311 : i32
      %shift_left3A = arith.constant 4 : i32
      %shift_left3A_313 = arith.shli %shift_right_arithmetic3A_312, %shift_left3A : i32
      %get3A_314 = arith.index_cast %shift_left3A_313 : i32 to index
      %get3A_315 = tpu.vector_load %arg5[%get3A_314] {strides = array<i32>} : memref<512xi32, #tpu.memory_space<vmem>>, vector<16xi32>,
      %and3A_316 = arith.constant 15 : i32
      %and3A_317 = arith.andi %add3A_299, %and3A_316 : i32
      %broadcast_in_dim3A_318 = vector.broadcast %and3A_317 : i32 to vector<16xi32>
      %reshape3A_319 = vector.shape_cast %broadcast_in_dim3A_318 : vector<16xi32> to vector<16x1xi32>
      %gather3A_320 = vector.shape_cast %reshape3A_319 : vector<16x1xi32> to vector<16xi32>
      %gather3A_321 = tpu.dynamic_gather %get3A_315[%gather3A_320] in [0] : vector<16xi32>, vector<16xi32> -> vector<16xi32>
      %reduce_max3A_322 = arith.constant true
      %reduce_max3A_323 = vector.broadcast %reduce_max3A_322 : i1 to vector<16xi1>
      %reduce_max3A_324 = arith.constant -2147483648 : i32
      %reduce_max3A_325 = vector.broadcast %reduce_max3A_324 : i32 to vector<16xi32>
      %reduce_max3A_326 = arith.xori %gather3A_321, %reduce_max3A_325 : vector<16xi32>
      %reduce_max3A_327 = tpu.scan <max>, %reduce_max3A_326 masked %reduce_max3A_323 : vector<16xi32>, vector<16xi1> -> vector<16xi32>
      %reduce_max3A_328 = arith.xori %reduce_max3A_327, %reduce_max3A_325 : vector<16xi32>
      %reduce_max3A_329 = vector.extract %reduce_max3A_328[15] : i32 from vector<16xi32>
      %and3A_330 = arith.constant 127 : i32
      %and3A_331 = arith.andi %reduce_max3A_329, %and3A_330 : i32
      %broadcast_in_dim3A_332 = vector.broadcast %and3A_331 : i32 to vector<16xi32>
      %shift_right_arithmetic3A_333 = arith.constant 1 : i32
      %shift_right_arithmetic3A_334 = arith.shrsi %add3A_299, %shift_right_arithmetic3A_333 : i32
      %sub3A_335 = arith.constant 128 : i32
      %sub3A_336 = arith.subi %shift_right_arithmetic3A_334, %sub3A_335 : i32
      %and3A_337 = arith.constant 1 : i32
      %and3A_338 = arith.andi %add3A_299, %and3A_337 : i32
      %mul3A_339 = arith.constant 64 : i32
      %mul3A_340 = arith.muli %and3A_338, %mul3A_339 : i32
      %add3A_341 = arith.constant 0 : i32
      %add3A_342 = vector.broadcast %add3A_341 : i32 to vector<16xi32>
      %add3A_343 = arith.addi %add3A_342, %iota3A : vector<16xi32>
      %gather3A_344 = tpu.vector_load_idx %arg6[%add3A_343, %broadcast_in_dim3A_332] : memref<512x128xf32, #tpu.memory_space<vmem>>[vector<16xi32>, vector<16xi32>], vector<16xf32>,
      %add3A_345 = arith.constant 0 : i32
      %add3A_346 = arith.addi %mul3A_340, %add3A_345 : i32
      %swap3A = arith.index_cast %sub3A_336 : i32 to index
      %swap3A_347 = arith.index_cast %add3A_346 : i32 to index
      %swap3A_348 = tpu.vector_load %arg7[%swap3A, %swap3A_347] {strides = array<i32>} : memref<128x128xf32, #tpu.memory_space<vmem>>, vector<16xf32>,
      tpu.vector_store %arg7[%swap3A, %swap3A_347], %gather3A_344 {strides = array<i32>} : memref<128x128xf32, #tpu.memory_space<vmem>>, vector<16xf32>,
      %add3A_349 = arith.constant 16 : i32
      %add3A_350 = vector.broadcast %add3A_349 : i32 to vector<16xi32>
      %add3A_351 = arith.addi %add3A_350, %iota3A : vector<16xi32>
      %gather3A_352 = tpu.vector_load_idx %arg6[%add3A_351, %broadcast_in_dim3A_332] : memref<512x128xf32, #tpu.memory_space<vmem>>[vector<16xi32>, vector<16xi32>], vector<16xf32>,
      %add3A_353 = arith.constant 16 : i32
      %add3A_354 = arith.addi %mul3A_340, %add3A_353 : i32
      %swap3A_355 = arith.index_cast %sub3A_336 : i32 to index
      %swap3A_356 = arith.index_cast %add3A_354 : i32 to index
      %swap3A_357 = tpu.vector_load %arg7[%swap3A_355, %swap3A_356] {strides = array<i32>} : memref<128x128xf32, #tpu.memory_space<vmem>>, vector<16xf32>,
      tpu.vector_store %arg7[%swap3A_355, %swap3A_356], %gather3A_352 {strides = array<i32>} : memref<128x128xf32, #tpu.memory_space<vmem>>, vector<16xf32>,
      %add3A_358 = arith.constant 32 : i32
      %add3A_359 = vector.broadcast %add3A_358 : i32 to vector<16xi32>
      %add3A_360 = arith.addi %add3A_359, %iota3A : vector<16xi32>
      %gather3A_361 = tpu.vector_load_idx %arg6[%add3A_360, %broadcast_in_dim3A_332] : memref<512x128xf32, #tpu.memory_space<vmem>>[vector<16xi32>, vector<16xi32>], vector<16xf32>,
      %add3A_362 = arith.constant 32 : i32
      %add3A_363 = arith.addi %mul3A_340, %add3A_362 : i32
      %swap3A_364 = arith.index_cast %sub3A_336 : i32 to index
      %swap3A_365 = arith.index_cast %add3A_363 : i32 to index
      %swap3A_366 = tpu.vector_load %arg7[%swap3A_364, %swap3A_365] {strides = array<i32>} : memref<128x128xf32, #tpu.memory_space<vmem>>, vector<16xf32>,
      tpu.vector_store %arg7[%swap3A_364, %swap3A_365], %gather3A_361 {strides = array<i32>} : memref<128x128xf32, #tpu.memory_space<vmem>>, vector<16xf32>,
      %add3A_367 = arith.constant 48 : i32
      %add3A_368 = vector.broadcast %add3A_367 : i32 to vector<16xi32>
      %add3A_369 = arith.addi %add3A_368, %iota3A : vector<16xi32>
      %gather3A_370 = tpu.vector_load_idx %arg6[%add3A_369, %broadcast_in_dim3A_332] : memref<512x128xf32, #tpu.memory_space<vmem>>[vector<16xi32>, vector<16xi32>], vector<16xf32>,
      %add3A_371 = arith.constant 48 : i32
      %add3A_372 = arith.addi %mul3A_340, %add3A_371 : i32
      %swap3A_373 = arith.index_cast %sub3A_336 : i32 to index
      %swap3A_374 = arith.index_cast %add3A_372 : i32 to index
      %swap3A_375 = tpu.vector_load %arg7[%swap3A_373, %swap3A_374] {strides = array<i32>} : memref<128x128xf32, #tpu.memory_space<vmem>>, vector<16xf32>,
      tpu.vector_store %arg7[%swap3A_373, %swap3A_374], %gather3A_370 {strides = array<i32>} : memref<128x128xf32, #tpu.memory_space<vmem>>, vector<16xf32>,
      %add3A_376 = arith.constant 8 : i32
      %add3A_377 = arith.addi %add3A_299, %add3A_376 : i32
      %lt3A = arith.constant 512 : i32
      %lt3A_378 = arith.cmpi slt, %add3A_377, %lt3A : i32
      %convert_element_type3A = arith.extui %lt3A_378 : i1 to i32
      %cond3A = arith.constant 0 : i32
      %cond3A_379 = arith.cmpi ne, %convert_element_type3A, %cond3A : i32
      scf.if %cond3A_379 {
        %add3A_1010 = arith.constant 8 : i32
        %add3A_1011 = arith.addi %add3A_299, %add3A_1010 : i32
        %shift_right_arithmetic3A_1012 = arith.constant 4 : i32
        %shift_right_arithmetic3A_1013 = arith.shrsi %add3A_1011, %shift_right_arithmetic3A_1012 : i32
        %shift_left3A_1014 = arith.constant 4 : i32
        %shift_left3A_1015 = arith.shli %shift_right_arithmetic3A_1013, %shift_left3A_1014 : i32
        %get3A_1016 = arith.index_cast %shift_left3A_1015 : i32 to index
        %get3A_1017 = tpu.vector_load %arg5[%get3A_1016] {strides = array<i32>} : memref<512xi32, #tpu.memory_space<vmem>>, vector<16xi32>,
        %and3A_1018 = arith.constant 15 : i32
        %and3A_1019 = arith.andi %add3A_1011, %and3A_1018 : i32
        %broadcast_in_dim3A_1020 = vector.broadcast %and3A_1019 : i32 to vector<16xi32>
        %reshape3A_1021 = vector.shape_cast %broadcast_in_dim3A_1020 : vector<16xi32> to vector<16x1xi32>
        %gather3A_1022 = vector.shape_cast %reshape3A_1021 : vector<16x1xi32> to vector<16xi32>
        %gather3A_1023 = tpu.dynamic_gather %get3A_1017[%gather3A_1022] in [0] : vector<16xi32>, vector<16xi32> -> vector<16xi32>
        %reduce_max3A_1024 = arith.constant true
        %reduce_max3A_1025 = vector.broadcast %reduce_max3A_1024 : i1 to vector<16xi1>
        %reduce_max3A_1026 = arith.constant -2147483648 : i32
        %reduce_max3A_1027 = vector.broadcast %reduce_max3A_1026 : i32 to vector<16xi32>
        %reduce_max3A_1028 = arith.xori %gather3A_1023, %reduce_max3A_1027 : vector<16xi32>
        %reduce_max3A_1029 = tpu.scan <max>, %reduce_max3A_1028 masked %reduce_max3A_1025 : vector<16xi32>, vector<16xi1> -> vector<16xi32>
        %reduce_max3A_1030 = arith.xori %reduce_max3A_1029, %reduce_max3A_1027 : vector<16xi32>
        %reduce_max3A_1031 = vector.extract %reduce_max3A_1030[15] : i32 from vector<16xi32>
        %shift_right_arithmetic3A_1032 = arith.constant 7 : i32
        %shift_right_arithmetic3A_1033 = arith.shrsi %reduce_max3A_1031, %shift_right_arithmetic3A_1032 : i32
        %mul3A_1034 = arith.constant 128 : i32
        %mul3A_1035 = arith.muli %shift_right_arithmetic3A_1033, %mul3A_1034 : i32
        %multiple_of3A_1036 = tpu.assume_multiple %mul3A_1035, 128 : i32
        %dma_start3A_1037 = arith.constant 0 : i32
        %dma_start3A_1038 = arith.constant 0 : i32
        %dma_start3A_1039 = tpu.memref_slice %arg6[%dma_start3A_1037, %dma_start3A_1038] : memref<512x128xf32, #tpu.memory_space<vmem>> -> memref<64x128xf32, #tpu.memory_space<vmem>>
        %dma_start3A_1040 = arith.constant 0 : i32
        %dma_start3A_1041 = tpu.memref_slice %arg3[%dma_start3A_1040, %multiple_of3A_1036] : memref<64x1000000xf32, #tpu.memory_space<hbm>> -> memref<64x128xf32, #tpu.memory_space<hbm>>
        %dma_start3A_1042 = arith.constant 0 : i32
        %dma_start3A_1043 = arith.constant 0 : i32
        %dma_start3A_1044 = tpu.memref_slice %arg6[%dma_start3A_1042, %dma_start3A_1043] : memref<512x128xf32, #tpu.memory_space<vmem>> -> memref<64x128xf32, #tpu.memory_space<vmem>>
        %dma_start3A_1045 = arith.constant 0 : i32
        %dma_start3A_1046 = tpu.memref_slice %arg3[%dma_start3A_1045, %multiple_of3A_1036] : memref<64x1000000xf32, #tpu.memory_space<hbm>> -> memref<64x128xf32, #tpu.memory_space<hbm>>
        tpu.enqueue_dma source(%dma_start3A_1046 : memref<64x128xf32, #tpu.memory_space<hbm>>) target(%dma_start3A_1044 : memref<64x128xf32, #tpu.memory_space<vmem>>) target_semaphore(%arg8 : memref<!tpu.dma_semaphore, #tpu.memory_space<semaphore_mem>>)
      } else {
      }
      %mul3A_380 = arith.constant 8 : i32
      %mul3A_381 = arith.muli %add3A_295, %mul3A_380 : i32
      %add3A_382 = arith.constant 1 : i32
      %add3A_383 = arith.addi %mul3A_381, %add3A_382 : i32
      %dma_wait3A_384 = arith.constant 64 : i32
      %dma_wait3A_385 = arith.constant 0 : i32
      %dma_wait3A_386 = tpu.memref_slice %arg6[%dma_wait3A_384, %dma_wait3A_385] : memref<512x128xf32, #tpu.memory_space<vmem>> -> memref<64x128xf32, #tpu.memory_space<vmem>>
      %dma_wait3A_387 = arith.constant 0 : i32
      %dma_wait3A_388 = arith.constant 0 : i32
      %dma_wait3A_389 = tpu.memref_slice %arg3[%dma_wait3A_387, %dma_wait3A_388] : memref<64x1000000xf32, #tpu.memory_space<hbm>> -> memref<64x128xf32, #tpu.memory_space<hbm>>
      %dma_wait3A_390 = arith.constant 64 : i32
      %dma_wait3A_391 = arith.constant 0 : i32
      %dma_wait3A_392 = tpu.memref_slice %arg6[%dma_wait3A_390, %dma_wait3A_391] : memref<512x128xf32, #tpu.memory_space<vmem>> -> memref<64x128xf32, #tpu.memory_space<vmem>>
      %dma_wait3A_393 = arith.constant 0 : i32
      %dma_wait3A_394 = arith.constant 0 : i32
      %dma_wait3A_395 = tpu.memref_slice %arg3[%dma_wait3A_393, %dma_wait3A_394] : memref<64x1000000xf32, #tpu.memory_space<hbm>> -> memref<64x128xf32, #tpu.memory_space<hbm>>
      tpu.wait_dma2 semaphore(%arg9 : memref<!tpu.dma_semaphore, #tpu.memory_space<semaphore_mem>>) src(%dma_wait3A_395 : memref<64x128xf32, #tpu.memory_space<hbm>>) dst(%dma_wait3A_392 : memref<64x128xf32, #tpu.memory_space<vmem>>)
      %shift_right_arithmetic3A_396 = arith.constant 4 : i32
      %shift_right_arithmetic3A_397 = arith.shrsi %add3A_383, %shift_right_arithmetic3A_396 : i32
      %shift_left3A_398 = arith.constant 4 : i32
      %shift_left3A_399 = arith.shli %shift_right_arithmetic3A_397, %shift_left3A_398 : i32
      %get3A_400 = arith.index_cast %shift_left3A_399 : i32 to index
      %get3A_401 = tpu.vector_load %arg5[%get3A_400] {strides = array<i32>} : memref<512xi32, #tpu.memory_space<vmem>>, vector<16xi32>,
      %and3A_402 = arith.constant 15 : i32
      %and3A_403 = arith.andi %add3A_383, %and3A_402 : i32
      %broadcast_in_dim3A_404 = vector.broadcast %and3A_403 : i32 to vector<16xi32>
      %reshape3A_405 = vector.shape_cast %broadcast_in_dim3A_404 : vector<16xi32> to vector<16x1xi32>
      %gather3A_406 = vector.shape_cast %reshape3A_405 : vector<16x1xi32> to vector<16xi32>
      %gather3A_407 = tpu.dynamic_gather %get3A_401[%gather3A_406] in [0] : vector<16xi32>, vector<16xi32> -> vector<16xi32>
      %reduce_max3A_408 = arith.constant true
      %reduce_max3A_409 = vector.broadcast %reduce_max3A_408 : i1 to vector<16xi1>
      %reduce_max3A_410 = arith.constant -2147483648 : i32
      %reduce_max3A_411 = vector.broadcast %reduce_max3A_410 : i32 to vector<16xi32>
      %reduce_max3A_412 = arith.xori %gather3A_407, %reduce_max3A_411 : vector<16xi32>
      %reduce_max3A_413 = tpu.scan <max>, %reduce_max3A_412 masked %reduce_max3A_409 : vector<16xi32>, vector<16xi1> -> vector<16xi32>
      %reduce_max3A_414 = arith.xori %reduce_max3A_413, %reduce_max3A_411 : vector<16xi32>
      %reduce_max3A_415 = vector.extract %reduce_max3A_414[15] : i32 from vector<16xi32>
      %and3A_416 = arith.constant 127 : i32
      %and3A_417 = arith.andi %reduce_max3A_415, %and3A_416 : i32
      %broadcast_in_dim3A_418 = vector.broadcast %and3A_417 : i32 to vector<16xi32>
      %shift_right_arithmetic3A_419 = arith.constant 1 : i32
      %shift_right_arithmetic3A_420 = arith.shrsi %add3A_383, %shift_right_arithmetic3A_419 : i32
      %sub3A_421 = arith.constant 128 : i32
      %sub3A_422 = arith.subi %shift_right_arithmetic3A_420, %sub3A_421 : i32
      %and3A_423 = arith.constant 1 : i32
      %and3A_424 = arith.andi %add3A_383, %and3A_423 : i32
      %mul3A_425 = arith.constant 64 : i32
      %mul3A_426 = arith.muli %and3A_424, %mul3A_425 : i32
      %add3A_427 = arith.constant 64 : i32
      %add3A_428 = vector.broadcast %add3A_427 : i32 to vector<16xi32>
      %add3A_429 = arith.addi %add3A_428, %iota3A : vector<16xi32>
      %gather3A_430 = tpu.vector_load_idx %arg6[%add3A_429, %broadcast_in_dim3A_418] : memref<512x128xf32, #tpu.memory_space<vmem>>[vector<16xi32>, vector<16xi32>], vector<16xf32>,
      %add3A_431 = arith.constant 0 : i32
      %add3A_432 = arith.addi %mul3A_426, %add3A_431 : i32
      %swap3A_433 = arith.index_cast %sub3A_422 : i32 to index
      %swap3A_434 = arith.index_cast %add3A_432 : i32 to index
      %swap3A_435 = tpu.vector_load %arg7[%swap3A_433, %swap3A_434] {strides = array<i32>} : memref<128x128xf32, #tpu.memory_space<vmem>>, vector<16xf32>,
      tpu.vector_store %arg7[%swap3A_433, %swap3A_434], %gather3A_430 {strides = array<i32>} : memref<128x128xf32, #tpu.memory_space<vmem>>, vector<16xf32>,
      %add3A_436 = arith.constant 80 : i32
      %add3A_437 = vector.broadcast %add3A_436 : i32 to vector<16xi32>
      %add3A_438 = arith.addi %add3A_437, %iota3A : vector<16xi32>
      %gather3A_439 = tpu.vector_load_idx %arg6[%add3A_438, %broadcast_in_dim3A_418] : memref<512x128xf32, #tpu.memory_space<vmem>>[vector<16xi32>, vector<16xi32>], vector<16xf32>,
      %add3A_440 = arith.constant 16 : i32
      %add3A_441 = arith.addi %mul3A_426, %add3A_440 : i32
      %swap3A_442 = arith.index_cast %sub3A_422 : i32 to index
      %swap3A_443 = arith.index_cast %add3A_441 : i32 to index
      %swap3A_444 = tpu.vector_load %arg7[%swap3A_442, %swap3A_443] {strides = array<i32>} : memref<128x128xf32, #tpu.memory_space<vmem>>, vector<16xf32>,
      tpu.vector_store %arg7[%swap3A_442, %swap3A_443], %gather3A_439 {strides = array<i32>} : memref<128x128xf32, #tpu.memory_space<vmem>>, vector<16xf32>,
      %add3A_445 = arith.constant 96 : i32
      %add3A_446 = vector.broadcast %add3A_445 : i32 to vector<16xi32>
      %add3A_447 = arith.addi %add3A_446, %iota3A : vector<16xi32>
      %gather3A_448 = tpu.vector_load_idx %arg6[%add3A_447, %broadcast_in_dim3A_418] : memref<512x128xf32, #tpu.memory_space<vmem>>[vector<16xi32>, vector<16xi32>], vector<16xf32>,
      %add3A_449 = arith.constant 32 : i32
      %add3A_450 = arith.addi %mul3A_426, %add3A_449 : i32
      %swap3A_451 = arith.index_cast %sub3A_422 : i32 to index
      %swap3A_452 = arith.index_cast %add3A_450 : i32 to index
      %swap3A_453 = tpu.vector_load %arg7[%swap3A_451, %swap3A_452] {strides = array<i32>} : memref<128x128xf32, #tpu.memory_space<vmem>>, vector<16xf32>,
      tpu.vector_store %arg7[%swap3A_451, %swap3A_452], %gather3A_448 {strides = array<i32>} : memref<128x128xf32, #tpu.memory_space<vmem>>, vector<16xf32>,
      %add3A_454 = arith.constant 112 : i32
      %add3A_455 = vector.broadcast %add3A_454 : i32 to vector<16xi32>
      %add3A_456 = arith.addi %add3A_455, %iota3A : vector<16xi32>
      %gather3A_457 = tpu.vector_load_idx %arg6[%add3A_456, %broadcast_in_dim3A_418] : memref<512x128xf32, #tpu.memory_space<vmem>>[vector<16xi32>, vector<16xi32>], vector<16xf32>,
      %add3A_458 = arith.constant 48 : i32
      %add3A_459 = arith.addi %mul3A_426, %add3A_458 : i32
      %swap3A_460 = arith.index_cast %sub3A_422 : i32 to index
      %swap3A_461 = arith.index_cast %add3A_459 : i32 to index
      %swap3A_462 = tpu.vector_load %arg7[%swap3A_460, %swap3A_461] {strides = array<i32>} : memref<128x128xf32, #tpu.memory_space<vmem>>, vector<16xf32>,
      tpu.vector_store %arg7[%swap3A_460, %swap3A_461], %gather3A_457 {strides = array<i32>} : memref<128x128xf32, #tpu.memory_space<vmem>>, vector<16xf32>,
      %add3A_463 = arith.constant 8 : i32
      %add3A_464 = arith.addi %add3A_383, %add3A_463 : i32
      %lt3A_465 = arith.constant 512 : i32
      %lt3A_466 = arith.cmpi slt, %add3A_464, %lt3A_465 : i32
      %convert_element_type3A_467 = arith.extui %lt3A_466 : i1 to i32
      %cond3A_468 = arith.constant 0 : i32
      %cond3A_469 = arith.cmpi ne, %convert_element_type3A_467, %cond3A_468 : i32
      scf.if %cond3A_469 {
        %add3A_1010 = arith.constant 8 : i32
        %add3A_1011 = arith.addi %add3A_383, %add3A_1010 : i32
        %shift_right_arithmetic3A_1012 = arith.constant 4 : i32
        %shift_right_arithmetic3A_1013 = arith.shrsi %add3A_1011, %shift_right_arithmetic3A_1012 : i32
        %shift_left3A_1014 = arith.constant 4 : i32
        %shift_left3A_1015 = arith.shli %shift_right_arithmetic3A_1013, %shift_left3A_1014 : i32
        %get3A_1016 = arith.index_cast %shift_left3A_1015 : i32 to index
        %get3A_1017 = tpu.vector_load %arg5[%get3A_1016] {strides = array<i32>} : memref<512xi32, #tpu.memory_space<vmem>>, vector<16xi32>,
        %and3A_1018 = arith.constant 15 : i32
        %and3A_1019 = arith.andi %add3A_1011, %and3A_1018 : i32
        %broadcast_in_dim3A_1020 = vector.broadcast %and3A_1019 : i32 to vector<16xi32>
        %reshape3A_1021 = vector.shape_cast %broadcast_in_dim3A_1020 : vector<16xi32> to vector<16x1xi32>
        %gather3A_1022 = vector.shape_cast %reshape3A_1021 : vector<16x1xi32> to vector<16xi32>
        %gather3A_1023 = tpu.dynamic_gather %get3A_1017[%gather3A_1022] in [0] : vector<16xi32>, vector<16xi32> -> vector<16xi32>
        %reduce_max3A_1024 = arith.constant true
        %reduce_max3A_1025 = vector.broadcast %reduce_max3A_1024 : i1 to vector<16xi1>
        %reduce_max3A_1026 = arith.constant -2147483648 : i32
        %reduce_max3A_1027 = vector.broadcast %reduce_max3A_1026 : i32 to vector<16xi32>
        %reduce_max3A_1028 = arith.xori %gather3A_1023, %reduce_max3A_1027 : vector<16xi32>
        %reduce_max3A_1029 = tpu.scan <max>, %reduce_max3A_1028 masked %reduce_max3A_1025 : vector<16xi32>, vector<16xi1> -> vector<16xi32>
        %reduce_max3A_1030 = arith.xori %reduce_max3A_1029, %reduce_max3A_1027 : vector<16xi32>
        %reduce_max3A_1031 = vector.extract %reduce_max3A_1030[15] : i32 from vector<16xi32>
        %shift_right_arithmetic3A_1032 = arith.constant 7 : i32
        %shift_right_arithmetic3A_1033 = arith.shrsi %reduce_max3A_1031, %shift_right_arithmetic3A_1032 : i32
        %mul3A_1034 = arith.constant 128 : i32
        %mul3A_1035 = arith.muli %shift_right_arithmetic3A_1033, %mul3A_1034 : i32
        %multiple_of3A_1036 = tpu.assume_multiple %mul3A_1035, 128 : i32
        %dma_start3A_1037 = arith.constant 64 : i32
        %dma_start3A_1038 = arith.constant 0 : i32
        %dma_start3A_1039 = tpu.memref_slice %arg6[%dma_start3A_1037, %dma_start3A_1038] : memref<512x128xf32, #tpu.memory_space<vmem>> -> memref<64x128xf32, #tpu.memory_space<vmem>>
        %dma_start3A_1040 = arith.constant 0 : i32
        %dma_start3A_1041 = tpu.memref_slice %arg3[%dma_start3A_1040, %multiple_of3A_1036] : memref<64x1000000xf32, #tpu.memory_space<hbm>> -> memref<64x128xf32, #tpu.memory_space<hbm>>
        %dma_start3A_1042 = arith.constant 64 : i32
        %dma_start3A_1043 = arith.constant 0 : i32
        %dma_start3A_1044 = tpu.memref_slice %arg6[%dma_start3A_1042, %dma_start3A_1043] : memref<512x128xf32, #tpu.memory_space<vmem>> -> memref<64x128xf32, #tpu.memory_space<vmem>>
        %dma_start3A_1045 = arith.constant 0 : i32
        %dma_start3A_1046 = tpu.memref_slice %arg3[%dma_start3A_1045, %multiple_of3A_1036] : memref<64x1000000xf32, #tpu.memory_space<hbm>> -> memref<64x128xf32, #tpu.memory_space<hbm>>
        tpu.enqueue_dma source(%dma_start3A_1046 : memref<64x128xf32, #tpu.memory_space<hbm>>) target(%dma_start3A_1044 : memref<64x128xf32, #tpu.memory_space<vmem>>) target_semaphore(%arg9 : memref<!tpu.dma_semaphore, #tpu.memory_space<semaphore_mem>>)
      } else {
      }
      %mul3A_470 = arith.constant 8 : i32
      %mul3A_471 = arith.muli %add3A_295, %mul3A_470 : i32
      %add3A_472 = arith.constant 2 : i32
      %add3A_473 = arith.addi %mul3A_471, %add3A_472 : i32
      %dma_wait3A_474 = arith.constant 128 : i32
      %dma_wait3A_475 = arith.constant 0 : i32
      %dma_wait3A_476 = tpu.memref_slice %arg6[%dma_wait3A_474, %dma_wait3A_475] : memref<512x128xf32, #tpu.memory_space<vmem>> -> memref<64x128xf32, #tpu.memory_space<vmem>>
      %dma_wait3A_477 = arith.constant 0 : i32
      %dma_wait3A_478 = arith.constant 0 : i32
      %dma_wait3A_479 = tpu.memref_slice %arg3[%dma_wait3A_477, %dma_wait3A_478] : memref<64x1000000xf32, #tpu.memory_space<hbm>> -> memref<64x128xf32, #tpu.memory_space<hbm>>
      %dma_wait3A_480 = arith.constant 128 : i32
      %dma_wait3A_481 = arith.constant 0 : i32
      %dma_wait3A_482 = tpu.memref_slice %arg6[%dma_wait3A_480, %dma_wait3A_481] : memref<512x128xf32, #tpu.memory_space<vmem>> -> memref<64x128xf32, #tpu.memory_space<vmem>>
      %dma_wait3A_483 = arith.constant 0 : i32
      %dma_wait3A_484 = arith.constant 0 : i32
      %dma_wait3A_485 = tpu.memref_slice %arg3[%dma_wait3A_483, %dma_wait3A_484] : memref<64x1000000xf32, #tpu.memory_space<hbm>> -> memref<64x128xf32, #tpu.memory_space<hbm>>
      tpu.wait_dma2 semaphore(%arg10 : memref<!tpu.dma_semaphore, #tpu.memory_space<semaphore_mem>>) src(%dma_wait3A_485 : memref<64x128xf32, #tpu.memory_space<hbm>>) dst(%dma_wait3A_482 : memref<64x128xf32, #tpu.memory_space<vmem>>)
      %shift_right_arithmetic3A_486 = arith.constant 4 : i32
      %shift_right_arithmetic3A_487 = arith.shrsi %add3A_473, %shift_right_arithmetic3A_486 : i32
      %shift_left3A_488 = arith.constant 4 : i32
      %shift_left3A_489 = arith.shli %shift_right_arithmetic3A_487, %shift_left3A_488 : i32
      %get3A_490 = arith.index_cast %shift_left3A_489 : i32 to index
      %get3A_491 = tpu.vector_load %arg5[%get3A_490] {strides = array<i32>} : memref<512xi32, #tpu.memory_space<vmem>>, vector<16xi32>,
      %and3A_492 = arith.constant 15 : i32
      %and3A_493 = arith.andi %add3A_473, %and3A_492 : i32
      %broadcast_in_dim3A_494 = vector.broadcast %and3A_493 : i32 to vector<16xi32>
      %reshape3A_495 = vector.shape_cast %broadcast_in_dim3A_494 : vector<16xi32> to vector<16x1xi32>
      %gather3A_496 = vector.shape_cast %reshape3A_495 : vector<16x1xi32> to vector<16xi32>
      %gather3A_497 = tpu.dynamic_gather %get3A_491[%gather3A_496] in [0] : vector<16xi32>, vector<16xi32> -> vector<16xi32>
      %reduce_max3A_498 = arith.constant true
      %reduce_max3A_499 = vector.broadcast %reduce_max3A_498 : i1 to vector<16xi1>
      %reduce_max3A_500 = arith.constant -2147483648 : i32
      %reduce_max3A_501 = vector.broadcast %reduce_max3A_500 : i32 to vector<16xi32>
      %reduce_max3A_502 = arith.xori %gather3A_497, %reduce_max3A_501 : vector<16xi32>
      %reduce_max3A_503 = tpu.scan <max>, %reduce_max3A_502 masked %reduce_max3A_499 : vector<16xi32>, vector<16xi1> -> vector<16xi32>
      %reduce_max3A_504 = arith.xori %reduce_max3A_503, %reduce_max3A_501 : vector<16xi32>
      %reduce_max3A_505 = vector.extract %reduce_max3A_504[15] : i32 from vector<16xi32>
      %and3A_506 = arith.constant 127 : i32
      %and3A_507 = arith.andi %reduce_max3A_505, %and3A_506 : i32
      %broadcast_in_dim3A_508 = vector.broadcast %and3A_507 : i32 to vector<16xi32>
      %shift_right_arithmetic3A_509 = arith.constant 1 : i32
      %shift_right_arithmetic3A_510 = arith.shrsi %add3A_473, %shift_right_arithmetic3A_509 : i32
      %sub3A_511 = arith.constant 128 : i32
      %sub3A_512 = arith.subi %shift_right_arithmetic3A_510, %sub3A_511 : i32
      %and3A_513 = arith.constant 1 : i32
      %and3A_514 = arith.andi %add3A_473, %and3A_513 : i32
      %mul3A_515 = arith.constant 64 : i32
      %mul3A_516 = arith.muli %and3A_514, %mul3A_515 : i32
      %add3A_517 = arith.constant 128 : i32
      %add3A_518 = vector.broadcast %add3A_517 : i32 to vector<16xi32>
      %add3A_519 = arith.addi %add3A_518, %iota3A : vector<16xi32>
      %gather3A_520 = tpu.vector_load_idx %arg6[%add3A_519, %broadcast_in_dim3A_508] : memref<512x128xf32, #tpu.memory_space<vmem>>[vector<16xi32>, vector<16xi32>], vector<16xf32>,
      %add3A_521 = arith.constant 0 : i32
      %add3A_522 = arith.addi %mul3A_516, %add3A_521 : i32
      %swap3A_523 = arith.index_cast %sub3A_512 : i32 to index
      %swap3A_524 = arith.index_cast %add3A_522 : i32 to index
      %swap3A_525 = tpu.vector_load %arg7[%swap3A_523, %swap3A_524] {strides = array<i32>} : memref<128x128xf32, #tpu.memory_space<vmem>>, vector<16xf32>,
      tpu.vector_store %arg7[%swap3A_523, %swap3A_524], %gather3A_520 {strides = array<i32>} : memref<128x128xf32, #tpu.memory_space<vmem>>, vector<16xf32>,
      %add3A_526 = arith.constant 144 : i32
      %add3A_527 = vector.broadcast %add3A_526 : i32 to vector<16xi32>
      %add3A_528 = arith.addi %add3A_527, %iota3A : vector<16xi32>
      %gather3A_529 = tpu.vector_load_idx %arg6[%add3A_528, %broadcast_in_dim3A_508] : memref<512x128xf32, #tpu.memory_space<vmem>>[vector<16xi32>, vector<16xi32>], vector<16xf32>,
      %add3A_530 = arith.constant 16 : i32
      %add3A_531 = arith.addi %mul3A_516, %add3A_530 : i32
      %swap3A_532 = arith.index_cast %sub3A_512 : i32 to index
      %swap3A_533 = arith.index_cast %add3A_531 : i32 to index
      %swap3A_534 = tpu.vector_load %arg7[%swap3A_532, %swap3A_533] {strides = array<i32>} : memref<128x128xf32, #tpu.memory_space<vmem>>, vector<16xf32>,
      tpu.vector_store %arg7[%swap3A_532, %swap3A_533], %gather3A_529 {strides = array<i32>} : memref<128x128xf32, #tpu.memory_space<vmem>>, vector<16xf32>,
      %add3A_535 = arith.constant 160 : i32
      %add3A_536 = vector.broadcast %add3A_535 : i32 to vector<16xi32>
      %add3A_537 = arith.addi %add3A_536, %iota3A : vector<16xi32>
      %gather3A_538 = tpu.vector_load_idx %arg6[%add3A_537, %broadcast_in_dim3A_508] : memref<512x128xf32, #tpu.memory_space<vmem>>[vector<16xi32>, vector<16xi32>], vector<16xf32>,
      %add3A_539 = arith.constant 32 : i32
      %add3A_540 = arith.addi %mul3A_516, %add3A_539 : i32
      %swap3A_541 = arith.index_cast %sub3A_512 : i32 to index
      %swap3A_542 = arith.index_cast %add3A_540 : i32 to index
      %swap3A_543 = tpu.vector_load %arg7[%swap3A_541, %swap3A_542] {strides = array<i32>} : memref<128x128xf32, #tpu.memory_space<vmem>>, vector<16xf32>,
      tpu.vector_store %arg7[%swap3A_541, %swap3A_542], %gather3A_538 {strides = array<i32>} : memref<128x128xf32, #tpu.memory_space<vmem>>, vector<16xf32>,
      %add3A_544 = arith.constant 176 : i32
      %add3A_545 = vector.broadcast %add3A_544 : i32 to vector<16xi32>
      %add3A_546 = arith.addi %add3A_545, %iota3A : vector<16xi32>
      %gather3A_547 = tpu.vector_load_idx %arg6[%add3A_546, %broadcast_in_dim3A_508] : memref<512x128xf32, #tpu.memory_space<vmem>>[vector<16xi32>, vector<16xi32>], vector<16xf32>,
      %add3A_548 = arith.constant 48 : i32
      %add3A_549 = arith.addi %mul3A_516, %add3A_548 : i32
      %swap3A_550 = arith.index_cast %sub3A_512 : i32 to index
      %swap3A_551 = arith.index_cast %add3A_549 : i32 to index
      %swap3A_552 = tpu.vector_load %arg7[%swap3A_550, %swap3A_551] {strides = array<i32>} : memref<128x128xf32, #tpu.memory_space<vmem>>, vector<16xf32>,
      tpu.vector_store %arg7[%swap3A_550, %swap3A_551], %gather3A_547 {strides = array<i32>} : memref<128x128xf32, #tpu.memory_space<vmem>>, vector<16xf32>,
      %add3A_553 = arith.constant 8 : i32
      %add3A_554 = arith.addi %add3A_473, %add3A_553 : i32
      %lt3A_555 = arith.constant 512 : i32
      %lt3A_556 = arith.cmpi slt, %add3A_554, %lt3A_555 : i32
      %convert_element_type3A_557 = arith.extui %lt3A_556 : i1 to i32
      %cond3A_558 = arith.constant 0 : i32
      %cond3A_559 = arith.cmpi ne, %convert_element_type3A_557, %cond3A_558 : i32
      scf.if %cond3A_559 {
        %add3A_1010 = arith.constant 8 : i32
        %add3A_1011 = arith.addi %add3A_473, %add3A_1010 : i32
        %shift_right_arithmetic3A_1012 = arith.constant 4 : i32
        %shift_right_arithmetic3A_1013 = arith.shrsi %add3A_1011, %shift_right_arithmetic3A_1012 : i32
        %shift_left3A_1014 = arith.constant 4 : i32
        %shift_left3A_1015 = arith.shli %shift_right_arithmetic3A_1013, %shift_left3A_1014 : i32
        %get3A_1016 = arith.index_cast %shift_left3A_1015 : i32 to index
        %get3A_1017 = tpu.vector_load %arg5[%get3A_1016] {strides = array<i32>} : memref<512xi32, #tpu.memory_space<vmem>>, vector<16xi32>,
        %and3A_1018 = arith.constant 15 : i32
        %and3A_1019 = arith.andi %add3A_1011, %and3A_1018 : i32
        %broadcast_in_dim3A_1020 = vector.broadcast %and3A_1019 : i32 to vector<16xi32>
        %reshape3A_1021 = vector.shape_cast %broadcast_in_dim3A_1020 : vector<16xi32> to vector<16x1xi32>
        %gather3A_1022 = vector.shape_cast %reshape3A_1021 : vector<16x1xi32> to vector<16xi32>
        %gather3A_1023 = tpu.dynamic_gather %get3A_1017[%gather3A_1022] in [0] : vector<16xi32>, vector<16xi32> -> vector<16xi32>
        %reduce_max3A_1024 = arith.constant true
        %reduce_max3A_1025 = vector.broadcast %reduce_max3A_1024 : i1 to vector<16xi1>
        %reduce_max3A_1026 = arith.constant -2147483648 : i32
        %reduce_max3A_1027 = vector.broadcast %reduce_max3A_1026 : i32 to vector<16xi32>
        %reduce_max3A_1028 = arith.xori %gather3A_1023, %reduce_max3A_1027 : vector<16xi32>
        %reduce_max3A_1029 = tpu.scan <max>, %reduce_max3A_1028 masked %reduce_max3A_1025 : vector<16xi32>, vector<16xi1> -> vector<16xi32>
        %reduce_max3A_1030 = arith.xori %reduce_max3A_1029, %reduce_max3A_1027 : vector<16xi32>
        %reduce_max3A_1031 = vector.extract %reduce_max3A_1030[15] : i32 from vector<16xi32>
        %shift_right_arithmetic3A_1032 = arith.constant 7 : i32
        %shift_right_arithmetic3A_1033 = arith.shrsi %reduce_max3A_1031, %shift_right_arithmetic3A_1032 : i32
        %mul3A_1034 = arith.constant 128 : i32
        %mul3A_1035 = arith.muli %shift_right_arithmetic3A_1033, %mul3A_1034 : i32
        %multiple_of3A_1036 = tpu.assume_multiple %mul3A_1035, 128 : i32
        %dma_start3A_1037 = arith.constant 128 : i32
        %dma_start3A_1038 = arith.constant 0 : i32
        %dma_start3A_1039 = tpu.memref_slice %arg6[%dma_start3A_1037, %dma_start3A_1038] : memref<512x128xf32, #tpu.memory_space<vmem>> -> memref<64x128xf32, #tpu.memory_space<vmem>>
        %dma_start3A_1040 = arith.constant 0 : i32
        %dma_start3A_1041 = tpu.memref_slice %arg3[%dma_start3A_1040, %multiple_of3A_1036] : memref<64x1000000xf32, #tpu.memory_space<hbm>> -> memref<64x128xf32, #tpu.memory_space<hbm>>
        %dma_start3A_1042 = arith.constant 128 : i32
        %dma_start3A_1043 = arith.constant 0 : i32
        %dma_start3A_1044 = tpu.memref_slice %arg6[%dma_start3A_1042, %dma_start3A_1043] : memref<512x128xf32, #tpu.memory_space<vmem>> -> memref<64x128xf32, #tpu.memory_space<vmem>>
        %dma_start3A_1045 = arith.constant 0 : i32
        %dma_start3A_1046 = tpu.memref_slice %arg3[%dma_start3A_1045, %multiple_of3A_1036] : memref<64x1000000xf32, #tpu.memory_space<hbm>> -> memref<64x128xf32, #tpu.memory_space<hbm>>
        tpu.enqueue_dma source(%dma_start3A_1046 : memref<64x128xf32, #tpu.memory_space<hbm>>) target(%dma_start3A_1044 : memref<64x128xf32, #tpu.memory_space<vmem>>) target_semaphore(%arg10 : memref<!tpu.dma_semaphore, #tpu.memory_space<semaphore_mem>>)
      } else {
      }
      %mul3A_560 = arith.constant 8 : i32
      %mul3A_561 = arith.muli %add3A_295, %mul3A_560 : i32
      %add3A_562 = arith.constant 3 : i32
      %add3A_563 = arith.addi %mul3A_561, %add3A_562 : i32
      %dma_wait3A_564 = arith.constant 192 : i32
      %dma_wait3A_565 = arith.constant 0 : i32
      %dma_wait3A_566 = tpu.memref_slice %arg6[%dma_wait3A_564, %dma_wait3A_565] : memref<512x128xf32, #tpu.memory_space<vmem>> -> memref<64x128xf32, #tpu.memory_space<vmem>>
      %dma_wait3A_567 = arith.constant 0 : i32
      %dma_wait3A_568 = arith.constant 0 : i32
      %dma_wait3A_569 = tpu.memref_slice %arg3[%dma_wait3A_567, %dma_wait3A_568] : memref<64x1000000xf32, #tpu.memory_space<hbm>> -> memref<64x128xf32, #tpu.memory_space<hbm>>
      %dma_wait3A_570 = arith.constant 192 : i32
      %dma_wait3A_571 = arith.constant 0 : i32
      %dma_wait3A_572 = tpu.memref_slice %arg6[%dma_wait3A_570, %dma_wait3A_571] : memref<512x128xf32, #tpu.memory_space<vmem>> -> memref<64x128xf32, #tpu.memory_space<vmem>>
      %dma_wait3A_573 = arith.constant 0 : i32
      %dma_wait3A_574 = arith.constant 0 : i32
      %dma_wait3A_575 = tpu.memref_slice %arg3[%dma_wait3A_573, %dma_wait3A_574] : memref<64x1000000xf32, #tpu.memory_space<hbm>> -> memref<64x128xf32, #tpu.memory_space<hbm>>
      tpu.wait_dma2 semaphore(%arg11 : memref<!tpu.dma_semaphore, #tpu.memory_space<semaphore_mem>>) src(%dma_wait3A_575 : memref<64x128xf32, #tpu.memory_space<hbm>>) dst(%dma_wait3A_572 : memref<64x128xf32, #tpu.memory_space<vmem>>)
      %shift_right_arithmetic3A_576 = arith.constant 4 : i32
      %shift_right_arithmetic3A_577 = arith.shrsi %add3A_563, %shift_right_arithmetic3A_576 : i32
      %shift_left3A_578 = arith.constant 4 : i32
      %shift_left3A_579 = arith.shli %shift_right_arithmetic3A_577, %shift_left3A_578 : i32
      %get3A_580 = arith.index_cast %shift_left3A_579 : i32 to index
      %get3A_581 = tpu.vector_load %arg5[%get3A_580] {strides = array<i32>} : memref<512xi32, #tpu.memory_space<vmem>>, vector<16xi32>,
      %and3A_582 = arith.constant 15 : i32
      %and3A_583 = arith.andi %add3A_563, %and3A_582 : i32
      %broadcast_in_dim3A_584 = vector.broadcast %and3A_583 : i32 to vector<16xi32>
      %reshape3A_585 = vector.shape_cast %broadcast_in_dim3A_584 : vector<16xi32> to vector<16x1xi32>
      %gather3A_586 = vector.shape_cast %reshape3A_585 : vector<16x1xi32> to vector<16xi32>
      %gather3A_587 = tpu.dynamic_gather %get3A_581[%gather3A_586] in [0] : vector<16xi32>, vector<16xi32> -> vector<16xi32>
      %reduce_max3A_588 = arith.constant true
      %reduce_max3A_589 = vector.broadcast %reduce_max3A_588 : i1 to vector<16xi1>
      %reduce_max3A_590 = arith.constant -2147483648 : i32
      %reduce_max3A_591 = vector.broadcast %reduce_max3A_590 : i32 to vector<16xi32>
      %reduce_max3A_592 = arith.xori %gather3A_587, %reduce_max3A_591 : vector<16xi32>
      %reduce_max3A_593 = tpu.scan <max>, %reduce_max3A_592 masked %reduce_max3A_589 : vector<16xi32>, vector<16xi1> -> vector<16xi32>
      %reduce_max3A_594 = arith.xori %reduce_max3A_593, %reduce_max3A_591 : vector<16xi32>
      %reduce_max3A_595 = vector.extract %reduce_max3A_594[15] : i32 from vector<16xi32>
      %and3A_596 = arith.constant 127 : i32
      %and3A_597 = arith.andi %reduce_max3A_595, %and3A_596 : i32
      %broadcast_in_dim3A_598 = vector.broadcast %and3A_597 : i32 to vector<16xi32>
      %shift_right_arithmetic3A_599 = arith.constant 1 : i32
      %shift_right_arithmetic3A_600 = arith.shrsi %add3A_563, %shift_right_arithmetic3A_599 : i32
      %sub3A_601 = arith.constant 128 : i32
      %sub3A_602 = arith.subi %shift_right_arithmetic3A_600, %sub3A_601 : i32
      %and3A_603 = arith.constant 1 : i32
      %and3A_604 = arith.andi %add3A_563, %and3A_603 : i32
      %mul3A_605 = arith.constant 64 : i32
      %mul3A_606 = arith.muli %and3A_604, %mul3A_605 : i32
      %add3A_607 = arith.constant 192 : i32
      %add3A_608 = vector.broadcast %add3A_607 : i32 to vector<16xi32>
      %add3A_609 = arith.addi %add3A_608, %iota3A : vector<16xi32>
      %gather3A_610 = tpu.vector_load_idx %arg6[%add3A_609, %broadcast_in_dim3A_598] : memref<512x128xf32, #tpu.memory_space<vmem>>[vector<16xi32>, vector<16xi32>], vector<16xf32>,
      %add3A_611 = arith.constant 0 : i32
      %add3A_612 = arith.addi %mul3A_606, %add3A_611 : i32
      %swap3A_613 = arith.index_cast %sub3A_602 : i32 to index
      %swap3A_614 = arith.index_cast %add3A_612 : i32 to index
      %swap3A_615 = tpu.vector_load %arg7[%swap3A_613, %swap3A_614] {strides = array<i32>} : memref<128x128xf32, #tpu.memory_space<vmem>>, vector<16xf32>,
      tpu.vector_store %arg7[%swap3A_613, %swap3A_614], %gather3A_610 {strides = array<i32>} : memref<128x128xf32, #tpu.memory_space<vmem>>, vector<16xf32>,
      %add3A_616 = arith.constant 208 : i32
      %add3A_617 = vector.broadcast %add3A_616 : i32 to vector<16xi32>
      %add3A_618 = arith.addi %add3A_617, %iota3A : vector<16xi32>
      %gather3A_619 = tpu.vector_load_idx %arg6[%add3A_618, %broadcast_in_dim3A_598] : memref<512x128xf32, #tpu.memory_space<vmem>>[vector<16xi32>, vector<16xi32>], vector<16xf32>,
      %add3A_620 = arith.constant 16 : i32
      %add3A_621 = arith.addi %mul3A_606, %add3A_620 : i32
      %swap3A_622 = arith.index_cast %sub3A_602 : i32 to index
      %swap3A_623 = arith.index_cast %add3A_621 : i32 to index
      %swap3A_624 = tpu.vector_load %arg7[%swap3A_622, %swap3A_623] {strides = array<i32>} : memref<128x128xf32, #tpu.memory_space<vmem>>, vector<16xf32>,
      tpu.vector_store %arg7[%swap3A_622, %swap3A_623], %gather3A_619 {strides = array<i32>} : memref<128x128xf32, #tpu.memory_space<vmem>>, vector<16xf32>,
      %add3A_625 = arith.constant 224 : i32
      %add3A_626 = vector.broadcast %add3A_625 : i32 to vector<16xi32>
      %add3A_627 = arith.addi %add3A_626, %iota3A : vector<16xi32>
      %gather3A_628 = tpu.vector_load_idx %arg6[%add3A_627, %broadcast_in_dim3A_598] : memref<512x128xf32, #tpu.memory_space<vmem>>[vector<16xi32>, vector<16xi32>], vector<16xf32>,
      %add3A_629 = arith.constant 32 : i32
      %add3A_630 = arith.addi %mul3A_606, %add3A_629 : i32
      %swap3A_631 = arith.index_cast %sub3A_602 : i32 to index
      %swap3A_632 = arith.index_cast %add3A_630 : i32 to index
      %swap3A_633 = tpu.vector_load %arg7[%swap3A_631, %swap3A_632] {strides = array<i32>} : memref<128x128xf32, #tpu.memory_space<vmem>>, vector<16xf32>,
      tpu.vector_store %arg7[%swap3A_631, %swap3A_632], %gather3A_628 {strides = array<i32>} : memref<128x128xf32, #tpu.memory_space<vmem>>, vector<16xf32>,
      %add3A_634 = arith.constant 240 : i32
      %add3A_635 = vector.broadcast %add3A_634 : i32 to vector<16xi32>
      %add3A_636 = arith.addi %add3A_635, %iota3A : vector<16xi32>
      %gather3A_637 = tpu.vector_load_idx %arg6[%add3A_636, %broadcast_in_dim3A_598] : memref<512x128xf32, #tpu.memory_space<vmem>>[vector<16xi32>, vector<16xi32>], vector<16xf32>,
      %add3A_638 = arith.constant 48 : i32
      %add3A_639 = arith.addi %mul3A_606, %add3A_638 : i32
      %swap3A_640 = arith.index_cast %sub3A_602 : i32 to index
      %swap3A_641 = arith.index_cast %add3A_639 : i32 to index
      %swap3A_642 = tpu.vector_load %arg7[%swap3A_640, %swap3A_641] {strides = array<i32>} : memref<128x128xf32, #tpu.memory_space<vmem>>, vector<16xf32>,
      tpu.vector_store %arg7[%swap3A_640, %swap3A_641], %gather3A_637 {strides = array<i32>} : memref<128x128xf32, #tpu.memory_space<vmem>>, vector<16xf32>,
      %add3A_643 = arith.constant 8 : i32
      %add3A_644 = arith.addi %add3A_563, %add3A_643 : i32
      %lt3A_645 = arith.constant 512 : i32
      %lt3A_646 = arith.cmpi slt, %add3A_644, %lt3A_645 : i32
      %convert_element_type3A_647 = arith.extui %lt3A_646 : i1 to i32
      %cond3A_648 = arith.constant 0 : i32
      %cond3A_649 = arith.cmpi ne, %convert_element_type3A_647, %cond3A_648 : i32
      scf.if %cond3A_649 {
        %add3A_1010 = arith.constant 8 : i32
        %add3A_1011 = arith.addi %add3A_563, %add3A_1010 : i32
        %shift_right_arithmetic3A_1012 = arith.constant 4 : i32
        %shift_right_arithmetic3A_1013 = arith.shrsi %add3A_1011, %shift_right_arithmetic3A_1012 : i32
        %shift_left3A_1014 = arith.constant 4 : i32
        %shift_left3A_1015 = arith.shli %shift_right_arithmetic3A_1013, %shift_left3A_1014 : i32
        %get3A_1016 = arith.index_cast %shift_left3A_1015 : i32 to index
        %get3A_1017 = tpu.vector_load %arg5[%get3A_1016] {strides = array<i32>} : memref<512xi32, #tpu.memory_space<vmem>>, vector<16xi32>,
        %and3A_1018 = arith.constant 15 : i32
        %and3A_1019 = arith.andi %add3A_1011, %and3A_1018 : i32
        %broadcast_in_dim3A_1020 = vector.broadcast %and3A_1019 : i32 to vector<16xi32>
        %reshape3A_1021 = vector.shape_cast %broadcast_in_dim3A_1020 : vector<16xi32> to vector<16x1xi32>
        %gather3A_1022 = vector.shape_cast %reshape3A_1021 : vector<16x1xi32> to vector<16xi32>
        %gather3A_1023 = tpu.dynamic_gather %get3A_1017[%gather3A_1022] in [0] : vector<16xi32>, vector<16xi32> -> vector<16xi32>
        %reduce_max3A_1024 = arith.constant true
        %reduce_max3A_1025 = vector.broadcast %reduce_max3A_1024 : i1 to vector<16xi1>
        %reduce_max3A_1026 = arith.constant -2147483648 : i32
        %reduce_max3A_1027 = vector.broadcast %reduce_max3A_1026 : i32 to vector<16xi32>
        %reduce_max3A_1028 = arith.xori %gather3A_1023, %reduce_max3A_1027 : vector<16xi32>
        %reduce_max3A_1029 = tpu.scan <max>, %reduce_max3A_1028 masked %reduce_max3A_1025 : vector<16xi32>, vector<16xi1> -> vector<16xi32>
        %reduce_max3A_1030 = arith.xori %reduce_max3A_1029, %reduce_max3A_1027 : vector<16xi32>
        %reduce_max3A_1031 = vector.extract %reduce_max3A_1030[15] : i32 from vector<16xi32>
        %shift_right_arithmetic3A_1032 = arith.constant 7 : i32
        %shift_right_arithmetic3A_1033 = arith.shrsi %reduce_max3A_1031, %shift_right_arithmetic3A_1032 : i32
        %mul3A_1034 = arith.constant 128 : i32
        %mul3A_1035 = arith.muli %shift_right_arithmetic3A_1033, %mul3A_1034 : i32
        %multiple_of3A_1036 = tpu.assume_multiple %mul3A_1035, 128 : i32
        %dma_start3A_1037 = arith.constant 192 : i32
        %dma_start3A_1038 = arith.constant 0 : i32
        %dma_start3A_1039 = tpu.memref_slice %arg6[%dma_start3A_1037, %dma_start3A_1038] : memref<512x128xf32, #tpu.memory_space<vmem>> -> memref<64x128xf32, #tpu.memory_space<vmem>>
        %dma_start3A_1040 = arith.constant 0 : i32
        %dma_start3A_1041 = tpu.memref_slice %arg3[%dma_start3A_1040, %multiple_of3A_1036] : memref<64x1000000xf32, #tpu.memory_space<hbm>> -> memref<64x128xf32, #tpu.memory_space<hbm>>
        %dma_start3A_1042 = arith.constant 192 : i32
        %dma_start3A_1043 = arith.constant 0 : i32
        %dma_start3A_1044 = tpu.memref_slice %arg6[%dma_start3A_1042, %dma_start3A_1043] : memref<512x128xf32, #tpu.memory_space<vmem>> -> memref<64x128xf32, #tpu.memory_space<vmem>>
        %dma_start3A_1045 = arith.constant 0 : i32
        %dma_start3A_1046 = tpu.memref_slice %arg3[%dma_start3A_1045, %multiple_of3A_1036] : memref<64x1000000xf32, #tpu.memory_space<hbm>> -> memref<64x128xf32, #tpu.memory_space<hbm>>
        tpu.enqueue_dma source(%dma_start3A_1046 : memref<64x128xf32, #tpu.memory_space<hbm>>) target(%dma_start3A_1044 : memref<64x128xf32, #tpu.memory_space<vmem>>) target_semaphore(%arg11 : memref<!tpu.dma_semaphore, #tpu.memory_space<semaphore_mem>>)
      } else {
      }
      %mul3A_650 = arith.constant 8 : i32
      %mul3A_651 = arith.muli %add3A_295, %mul3A_650 : i32
      %add3A_652 = arith.constant 4 : i32
      %add3A_653 = arith.addi %mul3A_651, %add3A_652 : i32
      %dma_wait3A_654 = arith.constant 256 : i32
      %dma_wait3A_655 = arith.constant 0 : i32
      %dma_wait3A_656 = tpu.memref_slice %arg6[%dma_wait3A_654, %dma_wait3A_655] : memref<512x128xf32, #tpu.memory_space<vmem>> -> memref<64x128xf32, #tpu.memory_space<vmem>>
      %dma_wait3A_657 = arith.constant 0 : i32
      %dma_wait3A_658 = arith.constant 0 : i32
      %dma_wait3A_659 = tpu.memref_slice %arg3[%dma_wait3A_657, %dma_wait3A_658] : memref<64x1000000xf32, #tpu.memory_space<hbm>> -> memref<64x128xf32, #tpu.memory_space<hbm>>
      %dma_wait3A_660 = arith.constant 256 : i32
      %dma_wait3A_661 = arith.constant 0 : i32
      %dma_wait3A_662 = tpu.memref_slice %arg6[%dma_wait3A_660, %dma_wait3A_661] : memref<512x128xf32, #tpu.memory_space<vmem>> -> memref<64x128xf32, #tpu.memory_space<vmem>>
      %dma_wait3A_663 = arith.constant 0 : i32
      %dma_wait3A_664 = arith.constant 0 : i32
      %dma_wait3A_665 = tpu.memref_slice %arg3[%dma_wait3A_663, %dma_wait3A_664] : memref<64x1000000xf32, #tpu.memory_space<hbm>> -> memref<64x128xf32, #tpu.memory_space<hbm>>
      tpu.wait_dma2 semaphore(%arg12 : memref<!tpu.dma_semaphore, #tpu.memory_space<semaphore_mem>>) src(%dma_wait3A_665 : memref<64x128xf32, #tpu.memory_space<hbm>>) dst(%dma_wait3A_662 : memref<64x128xf32, #tpu.memory_space<vmem>>)
      %shift_right_arithmetic3A_666 = arith.constant 4 : i32
      %shift_right_arithmetic3A_667 = arith.shrsi %add3A_653, %shift_right_arithmetic3A_666 : i32
      %shift_left3A_668 = arith.constant 4 : i32
      %shift_left3A_669 = arith.shli %shift_right_arithmetic3A_667, %shift_left3A_668 : i32
      %get3A_670 = arith.index_cast %shift_left3A_669 : i32 to index
      %get3A_671 = tpu.vector_load %arg5[%get3A_670] {strides = array<i32>} : memref<512xi32, #tpu.memory_space<vmem>>, vector<16xi32>,
      %and3A_672 = arith.constant 15 : i32
      %and3A_673 = arith.andi %add3A_653, %and3A_672 : i32
      %broadcast_in_dim3A_674 = vector.broadcast %and3A_673 : i32 to vector<16xi32>
      %reshape3A_675 = vector.shape_cast %broadcast_in_dim3A_674 : vector<16xi32> to vector<16x1xi32>
      %gather3A_676 = vector.shape_cast %reshape3A_675 : vector<16x1xi32> to vector<16xi32>
      %gather3A_677 = tpu.dynamic_gather %get3A_671[%gather3A_676] in [0] : vector<16xi32>, vector<16xi32> -> vector<16xi32>
      %reduce_max3A_678 = arith.constant true
      %reduce_max3A_679 = vector.broadcast %reduce_max3A_678 : i1 to vector<16xi1>
      %reduce_max3A_680 = arith.constant -2147483648 : i32
      %reduce_max3A_681 = vector.broadcast %reduce_max3A_680 : i32 to vector<16xi32>
      %reduce_max3A_682 = arith.xori %gather3A_677, %reduce_max3A_681 : vector<16xi32>
      %reduce_max3A_683 = tpu.scan <max>, %reduce_max3A_682 masked %reduce_max3A_679 : vector<16xi32>, vector<16xi1> -> vector<16xi32>
      %reduce_max3A_684 = arith.xori %reduce_max3A_683, %reduce_max3A_681 : vector<16xi32>
      %reduce_max3A_685 = vector.extract %reduce_max3A_684[15] : i32 from vector<16xi32>
      %and3A_686 = arith.constant 127 : i32
      %and3A_687 = arith.andi %reduce_max3A_685, %and3A_686 : i32
      %broadcast_in_dim3A_688 = vector.broadcast %and3A_687 : i32 to vector<16xi32>
      %shift_right_arithmetic3A_689 = arith.constant 1 : i32
      %shift_right_arithmetic3A_690 = arith.shrsi %add3A_653, %shift_right_arithmetic3A_689 : i32
      %sub3A_691 = arith.constant 128 : i32
      %sub3A_692 = arith.subi %shift_right_arithmetic3A_690, %sub3A_691 : i32
      %and3A_693 = arith.constant 1 : i32
      %and3A_694 = arith.andi %add3A_653, %and3A_693 : i32
      %mul3A_695 = arith.constant 64 : i32
      %mul3A_696 = arith.muli %and3A_694, %mul3A_695 : i32
      %add3A_697 = arith.constant 256 : i32
      %add3A_698 = vector.broadcast %add3A_697 : i32 to vector<16xi32>
      %add3A_699 = arith.addi %add3A_698, %iota3A : vector<16xi32>
      %gather3A_700 = tpu.vector_load_idx %arg6[%add3A_699, %broadcast_in_dim3A_688] : memref<512x128xf32, #tpu.memory_space<vmem>>[vector<16xi32>, vector<16xi32>], vector<16xf32>,
      %add3A_701 = arith.constant 0 : i32
      %add3A_702 = arith.addi %mul3A_696, %add3A_701 : i32
      %swap3A_703 = arith.index_cast %sub3A_692 : i32 to index
      %swap3A_704 = arith.index_cast %add3A_702 : i32 to index
      %swap3A_705 = tpu.vector_load %arg7[%swap3A_703, %swap3A_704] {strides = array<i32>} : memref<128x128xf32, #tpu.memory_space<vmem>>, vector<16xf32>,
      tpu.vector_store %arg7[%swap3A_703, %swap3A_704], %gather3A_700 {strides = array<i32>} : memref<128x128xf32, #tpu.memory_space<vmem>>, vector<16xf32>,
      %add3A_706 = arith.constant 272 : i32
      %add3A_707 = vector.broadcast %add3A_706 : i32 to vector<16xi32>
      %add3A_708 = arith.addi %add3A_707, %iota3A : vector<16xi32>
      %gather3A_709 = tpu.vector_load_idx %arg6[%add3A_708, %broadcast_in_dim3A_688] : memref<512x128xf32, #tpu.memory_space<vmem>>[vector<16xi32>, vector<16xi32>], vector<16xf32>,
      %add3A_710 = arith.constant 16 : i32
      %add3A_711 = arith.addi %mul3A_696, %add3A_710 : i32
      %swap3A_712 = arith.index_cast %sub3A_692 : i32 to index
      %swap3A_713 = arith.index_cast %add3A_711 : i32 to index
      %swap3A_714 = tpu.vector_load %arg7[%swap3A_712, %swap3A_713] {strides = array<i32>} : memref<128x128xf32, #tpu.memory_space<vmem>>, vector<16xf32>,
      tpu.vector_store %arg7[%swap3A_712, %swap3A_713], %gather3A_709 {strides = array<i32>} : memref<128x128xf32, #tpu.memory_space<vmem>>, vector<16xf32>,
      %add3A_715 = arith.constant 288 : i32
      %add3A_716 = vector.broadcast %add3A_715 : i32 to vector<16xi32>
      %add3A_717 = arith.addi %add3A_716, %iota3A : vector<16xi32>
      %gather3A_718 = tpu.vector_load_idx %arg6[%add3A_717, %broadcast_in_dim3A_688] : memref<512x128xf32, #tpu.memory_space<vmem>>[vector<16xi32>, vector<16xi32>], vector<16xf32>,
      %add3A_719 = arith.constant 32 : i32
      %add3A_720 = arith.addi %mul3A_696, %add3A_719 : i32
      %swap3A_721 = arith.index_cast %sub3A_692 : i32 to index
      %swap3A_722 = arith.index_cast %add3A_720 : i32 to index
      %swap3A_723 = tpu.vector_load %arg7[%swap3A_721, %swap3A_722] {strides = array<i32>} : memref<128x128xf32, #tpu.memory_space<vmem>>, vector<16xf32>,
      tpu.vector_store %arg7[%swap3A_721, %swap3A_722], %gather3A_718 {strides = array<i32>} : memref<128x128xf32, #tpu.memory_space<vmem>>, vector<16xf32>,
      %add3A_724 = arith.constant 304 : i32
      %add3A_725 = vector.broadcast %add3A_724 : i32 to vector<16xi32>
      %add3A_726 = arith.addi %add3A_725, %iota3A : vector<16xi32>
      %gather3A_727 = tpu.vector_load_idx %arg6[%add3A_726, %broadcast_in_dim3A_688] : memref<512x128xf32, #tpu.memory_space<vmem>>[vector<16xi32>, vector<16xi32>], vector<16xf32>,
      %add3A_728 = arith.constant 48 : i32
      %add3A_729 = arith.addi %mul3A_696, %add3A_728 : i32
      %swap3A_730 = arith.index_cast %sub3A_692 : i32 to index
      %swap3A_731 = arith.index_cast %add3A_729 : i32 to index
      %swap3A_732 = tpu.vector_load %arg7[%swap3A_730, %swap3A_731] {strides = array<i32>} : memref<128x128xf32, #tpu.memory_space<vmem>>, vector<16xf32>,
      tpu.vector_store %arg7[%swap3A_730, %swap3A_731], %gather3A_727 {strides = array<i32>} : memref<128x128xf32, #tpu.memory_space<vmem>>, vector<16xf32>,
      %add3A_733 = arith.constant 8 : i32
      %add3A_734 = arith.addi %add3A_653, %add3A_733 : i32
      %lt3A_735 = arith.constant 512 : i32
      %lt3A_736 = arith.cmpi slt, %add3A_734, %lt3A_735 : i32
      %convert_element_type3A_737 = arith.extui %lt3A_736 : i1 to i32
      %cond3A_738 = arith.constant 0 : i32
      %cond3A_739 = arith.cmpi ne, %convert_element_type3A_737, %cond3A_738 : i32
      scf.if %cond3A_739 {
        %add3A_1010 = arith.constant 8 : i32
        %add3A_1011 = arith.addi %add3A_653, %add3A_1010 : i32
        %shift_right_arithmetic3A_1012 = arith.constant 4 : i32
        %shift_right_arithmetic3A_1013 = arith.shrsi %add3A_1011, %shift_right_arithmetic3A_1012 : i32
        %shift_left3A_1014 = arith.constant 4 : i32
        %shift_left3A_1015 = arith.shli %shift_right_arithmetic3A_1013, %shift_left3A_1014 : i32
        %get3A_1016 = arith.index_cast %shift_left3A_1015 : i32 to index
        %get3A_1017 = tpu.vector_load %arg5[%get3A_1016] {strides = array<i32>} : memref<512xi32, #tpu.memory_space<vmem>>, vector<16xi32>,
        %and3A_1018 = arith.constant 15 : i32
        %and3A_1019 = arith.andi %add3A_1011, %and3A_1018 : i32
        %broadcast_in_dim3A_1020 = vector.broadcast %and3A_1019 : i32 to vector<16xi32>
        %reshape3A_1021 = vector.shape_cast %broadcast_in_dim3A_1020 : vector<16xi32> to vector<16x1xi32>
        %gather3A_1022 = vector.shape_cast %reshape3A_1021 : vector<16x1xi32> to vector<16xi32>
        %gather3A_1023 = tpu.dynamic_gather %get3A_1017[%gather3A_1022] in [0] : vector<16xi32>, vector<16xi32> -> vector<16xi32>
        %reduce_max3A_1024 = arith.constant true
        %reduce_max3A_1025 = vector.broadcast %reduce_max3A_1024 : i1 to vector<16xi1>
        %reduce_max3A_1026 = arith.constant -2147483648 : i32
        %reduce_max3A_1027 = vector.broadcast %reduce_max3A_1026 : i32 to vector<16xi32>
        %reduce_max3A_1028 = arith.xori %gather3A_1023, %reduce_max3A_1027 : vector<16xi32>
        %reduce_max3A_1029 = tpu.scan <max>, %reduce_max3A_1028 masked %reduce_max3A_1025 : vector<16xi32>, vector<16xi1> -> vector<16xi32>
        %reduce_max3A_1030 = arith.xori %reduce_max3A_1029, %reduce_max3A_1027 : vector<16xi32>
        %reduce_max3A_1031 = vector.extract %reduce_max3A_1030[15] : i32 from vector<16xi32>
        %shift_right_arithmetic3A_1032 = arith.constant 7 : i32
        %shift_right_arithmetic3A_1033 = arith.shrsi %reduce_max3A_1031, %shift_right_arithmetic3A_1032 : i32
        %mul3A_1034 = arith.constant 128 : i32
        %mul3A_1035 = arith.muli %shift_right_arithmetic3A_1033, %mul3A_1034 : i32
        %multiple_of3A_1036 = tpu.assume_multiple %mul3A_1035, 128 : i32
        %dma_start3A_1037 = arith.constant 256 : i32
        %dma_start3A_1038 = arith.constant 0 : i32
        %dma_start3A_1039 = tpu.memref_slice %arg6[%dma_start3A_1037, %dma_start3A_1038] : memref<512x128xf32, #tpu.memory_space<vmem>> -> memref<64x128xf32, #tpu.memory_space<vmem>>
        %dma_start3A_1040 = arith.constant 0 : i32
        %dma_start3A_1041 = tpu.memref_slice %arg3[%dma_start3A_1040, %multiple_of3A_1036] : memref<64x1000000xf32, #tpu.memory_space<hbm>> -> memref<64x128xf32, #tpu.memory_space<hbm>>
        %dma_start3A_1042 = arith.constant 256 : i32
        %dma_start3A_1043 = arith.constant 0 : i32
        %dma_start3A_1044 = tpu.memref_slice %arg6[%dma_start3A_1042, %dma_start3A_1043] : memref<512x128xf32, #tpu.memory_space<vmem>> -> memref<64x128xf32, #tpu.memory_space<vmem>>
        %dma_start3A_1045 = arith.constant 0 : i32
        %dma_start3A_1046 = tpu.memref_slice %arg3[%dma_start3A_1045, %multiple_of3A_1036] : memref<64x1000000xf32, #tpu.memory_space<hbm>> -> memref<64x128xf32, #tpu.memory_space<hbm>>
        tpu.enqueue_dma source(%dma_start3A_1046 : memref<64x128xf32, #tpu.memory_space<hbm>>) target(%dma_start3A_1044 : memref<64x128xf32, #tpu.memory_space<vmem>>) target_semaphore(%arg12 : memref<!tpu.dma_semaphore, #tpu.memory_space<semaphore_mem>>)
      } else {
      }
      %mul3A_740 = arith.constant 8 : i32
      %mul3A_741 = arith.muli %add3A_295, %mul3A_740 : i32
      %add3A_742 = arith.constant 5 : i32
      %add3A_743 = arith.addi %mul3A_741, %add3A_742 : i32
      %dma_wait3A_744 = arith.constant 320 : i32
      %dma_wait3A_745 = arith.constant 0 : i32
      %dma_wait3A_746 = tpu.memref_slice %arg6[%dma_wait3A_744, %dma_wait3A_745] : memref<512x128xf32, #tpu.memory_space<vmem>> -> memref<64x128xf32, #tpu.memory_space<vmem>>
      %dma_wait3A_747 = arith.constant 0 : i32
      %dma_wait3A_748 = arith.constant 0 : i32
      %dma_wait3A_749 = tpu.memref_slice %arg3[%dma_wait3A_747, %dma_wait3A_748] : memref<64x1000000xf32, #tpu.memory_space<hbm>> -> memref<64x128xf32, #tpu.memory_space<hbm>>
      %dma_wait3A_750 = arith.constant 320 : i32
      %dma_wait3A_751 = arith.constant 0 : i32
      %dma_wait3A_752 = tpu.memref_slice %arg6[%dma_wait3A_750, %dma_wait3A_751] : memref<512x128xf32, #tpu.memory_space<vmem>> -> memref<64x128xf32, #tpu.memory_space<vmem>>
      %dma_wait3A_753 = arith.constant 0 : i32
      %dma_wait3A_754 = arith.constant 0 : i32
      %dma_wait3A_755 = tpu.memref_slice %arg3[%dma_wait3A_753, %dma_wait3A_754] : memref<64x1000000xf32, #tpu.memory_space<hbm>> -> memref<64x128xf32, #tpu.memory_space<hbm>>
      tpu.wait_dma2 semaphore(%arg13 : memref<!tpu.dma_semaphore, #tpu.memory_space<semaphore_mem>>) src(%dma_wait3A_755 : memref<64x128xf32, #tpu.memory_space<hbm>>) dst(%dma_wait3A_752 : memref<64x128xf32, #tpu.memory_space<vmem>>)
      %shift_right_arithmetic3A_756 = arith.constant 4 : i32
      %shift_right_arithmetic3A_757 = arith.shrsi %add3A_743, %shift_right_arithmetic3A_756 : i32
      %shift_left3A_758 = arith.constant 4 : i32
      %shift_left3A_759 = arith.shli %shift_right_arithmetic3A_757, %shift_left3A_758 : i32
      %get3A_760 = arith.index_cast %shift_left3A_759 : i32 to index
      %get3A_761 = tpu.vector_load %arg5[%get3A_760] {strides = array<i32>} : memref<512xi32, #tpu.memory_space<vmem>>, vector<16xi32>,
      %and3A_762 = arith.constant 15 : i32
      %and3A_763 = arith.andi %add3A_743, %and3A_762 : i32
      %broadcast_in_dim3A_764 = vector.broadcast %and3A_763 : i32 to vector<16xi32>
      %reshape3A_765 = vector.shape_cast %broadcast_in_dim3A_764 : vector<16xi32> to vector<16x1xi32>
      %gather3A_766 = vector.shape_cast %reshape3A_765 : vector<16x1xi32> to vector<16xi32>
      %gather3A_767 = tpu.dynamic_gather %get3A_761[%gather3A_766] in [0] : vector<16xi32>, vector<16xi32> -> vector<16xi32>
      %reduce_max3A_768 = arith.constant true
      %reduce_max3A_769 = vector.broadcast %reduce_max3A_768 : i1 to vector<16xi1>
      %reduce_max3A_770 = arith.constant -2147483648 : i32
      %reduce_max3A_771 = vector.broadcast %reduce_max3A_770 : i32 to vector<16xi32>
      %reduce_max3A_772 = arith.xori %gather3A_767, %reduce_max3A_771 : vector<16xi32>
      %reduce_max3A_773 = tpu.scan <max>, %reduce_max3A_772 masked %reduce_max3A_769 : vector<16xi32>, vector<16xi1> -> vector<16xi32>
      %reduce_max3A_774 = arith.xori %reduce_max3A_773, %reduce_max3A_771 : vector<16xi32>
      %reduce_max3A_775 = vector.extract %reduce_max3A_774[15] : i32 from vector<16xi32>
      %and3A_776 = arith.constant 127 : i32
      %and3A_777 = arith.andi %reduce_max3A_775, %and3A_776 : i32
      %broadcast_in_dim3A_778 = vector.broadcast %and3A_777 : i32 to vector<16xi32>
      %shift_right_arithmetic3A_779 = arith.constant 1 : i32
      %shift_right_arithmetic3A_780 = arith.shrsi %add3A_743, %shift_right_arithmetic3A_779 : i32
      %sub3A_781 = arith.constant 128 : i32
      %sub3A_782 = arith.subi %shift_right_arithmetic3A_780, %sub3A_781 : i32
      %and3A_783 = arith.constant 1 : i32
      %and3A_784 = arith.andi %add3A_743, %and3A_783 : i32
      %mul3A_785 = arith.constant 64 : i32
      %mul3A_786 = arith.muli %and3A_784, %mul3A_785 : i32
      %add3A_787 = arith.constant 320 : i32
      %add3A_788 = vector.broadcast %add3A_787 : i32 to vector<16xi32>
      %add3A_789 = arith.addi %add3A_788, %iota3A : vector<16xi32>
      %gather3A_790 = tpu.vector_load_idx %arg6[%add3A_789, %broadcast_in_dim3A_778] : memref<512x128xf32, #tpu.memory_space<vmem>>[vector<16xi32>, vector<16xi32>], vector<16xf32>,
      %add3A_791 = arith.constant 0 : i32
      %add3A_792 = arith.addi %mul3A_786, %add3A_791 : i32
      %swap3A_793 = arith.index_cast %sub3A_782 : i32 to index
      %swap3A_794 = arith.index_cast %add3A_792 : i32 to index
      %swap3A_795 = tpu.vector_load %arg7[%swap3A_793, %swap3A_794] {strides = array<i32>} : memref<128x128xf32, #tpu.memory_space<vmem>>, vector<16xf32>,
      tpu.vector_store %arg7[%swap3A_793, %swap3A_794], %gather3A_790 {strides = array<i32>} : memref<128x128xf32, #tpu.memory_space<vmem>>, vector<16xf32>,
      %add3A_796 = arith.constant 336 : i32
      %add3A_797 = vector.broadcast %add3A_796 : i32 to vector<16xi32>
      %add3A_798 = arith.addi %add3A_797, %iota3A : vector<16xi32>
      %gather3A_799 = tpu.vector_load_idx %arg6[%add3A_798, %broadcast_in_dim3A_778] : memref<512x128xf32, #tpu.memory_space<vmem>>[vector<16xi32>, vector<16xi32>], vector<16xf32>,
      %add3A_800 = arith.constant 16 : i32
      %add3A_801 = arith.addi %mul3A_786, %add3A_800 : i32
      %swap3A_802 = arith.index_cast %sub3A_782 : i32 to index
      %swap3A_803 = arith.index_cast %add3A_801 : i32 to index
      %swap3A_804 = tpu.vector_load %arg7[%swap3A_802, %swap3A_803] {strides = array<i32>} : memref<128x128xf32, #tpu.memory_space<vmem>>, vector<16xf32>,
      tpu.vector_store %arg7[%swap3A_802, %swap3A_803], %gather3A_799 {strides = array<i32>} : memref<128x128xf32, #tpu.memory_space<vmem>>, vector<16xf32>,
      %add3A_805 = arith.constant 352 : i32
      %add3A_806 = vector.broadcast %add3A_805 : i32 to vector<16xi32>
      %add3A_807 = arith.addi %add3A_806, %iota3A : vector<16xi32>
      %gather3A_808 = tpu.vector_load_idx %arg6[%add3A_807, %broadcast_in_dim3A_778] : memref<512x128xf32, #tpu.memory_space<vmem>>[vector<16xi32>, vector<16xi32>], vector<16xf32>,
      %add3A_809 = arith.constant 32 : i32
      %add3A_810 = arith.addi %mul3A_786, %add3A_809 : i32
      %swap3A_811 = arith.index_cast %sub3A_782 : i32 to index
      %swap3A_812 = arith.index_cast %add3A_810 : i32 to index
      %swap3A_813 = tpu.vector_load %arg7[%swap3A_811, %swap3A_812] {strides = array<i32>} : memref<128x128xf32, #tpu.memory_space<vmem>>, vector<16xf32>,
      tpu.vector_store %arg7[%swap3A_811, %swap3A_812], %gather3A_808 {strides = array<i32>} : memref<128x128xf32, #tpu.memory_space<vmem>>, vector<16xf32>,
      %add3A_814 = arith.constant 368 : i32
      %add3A_815 = vector.broadcast %add3A_814 : i32 to vector<16xi32>
      %add3A_816 = arith.addi %add3A_815, %iota3A : vector<16xi32>
      %gather3A_817 = tpu.vector_load_idx %arg6[%add3A_816, %broadcast_in_dim3A_778] : memref<512x128xf32, #tpu.memory_space<vmem>>[vector<16xi32>, vector<16xi32>], vector<16xf32>,
      %add3A_818 = arith.constant 48 : i32
      %add3A_819 = arith.addi %mul3A_786, %add3A_818 : i32
      %swap3A_820 = arith.index_cast %sub3A_782 : i32 to index
      %swap3A_821 = arith.index_cast %add3A_819 : i32 to index
      %swap3A_822 = tpu.vector_load %arg7[%swap3A_820, %swap3A_821] {strides = array<i32>} : memref<128x128xf32, #tpu.memory_space<vmem>>, vector<16xf32>,
      tpu.vector_store %arg7[%swap3A_820, %swap3A_821], %gather3A_817 {strides = array<i32>} : memref<128x128xf32, #tpu.memory_space<vmem>>, vector<16xf32>,
      %add3A_823 = arith.constant 8 : i32
      %add3A_824 = arith.addi %add3A_743, %add3A_823 : i32
      %lt3A_825 = arith.constant 512 : i32
      %lt3A_826 = arith.cmpi slt, %add3A_824, %lt3A_825 : i32
      %convert_element_type3A_827 = arith.extui %lt3A_826 : i1 to i32
      %cond3A_828 = arith.constant 0 : i32
      %cond3A_829 = arith.cmpi ne, %convert_element_type3A_827, %cond3A_828 : i32
      scf.if %cond3A_829 {
        %add3A_1010 = arith.constant 8 : i32
        %add3A_1011 = arith.addi %add3A_743, %add3A_1010 : i32
        %shift_right_arithmetic3A_1012 = arith.constant 4 : i32
        %shift_right_arithmetic3A_1013 = arith.shrsi %add3A_1011, %shift_right_arithmetic3A_1012 : i32
        %shift_left3A_1014 = arith.constant 4 : i32
        %shift_left3A_1015 = arith.shli %shift_right_arithmetic3A_1013, %shift_left3A_1014 : i32
        %get3A_1016 = arith.index_cast %shift_left3A_1015 : i32 to index
        %get3A_1017 = tpu.vector_load %arg5[%get3A_1016] {strides = array<i32>} : memref<512xi32, #tpu.memory_space<vmem>>, vector<16xi32>,
        %and3A_1018 = arith.constant 15 : i32
        %and3A_1019 = arith.andi %add3A_1011, %and3A_1018 : i32
        %broadcast_in_dim3A_1020 = vector.broadcast %and3A_1019 : i32 to vector<16xi32>
        %reshape3A_1021 = vector.shape_cast %broadcast_in_dim3A_1020 : vector<16xi32> to vector<16x1xi32>
        %gather3A_1022 = vector.shape_cast %reshape3A_1021 : vector<16x1xi32> to vector<16xi32>
        %gather3A_1023 = tpu.dynamic_gather %get3A_1017[%gather3A_1022] in [0] : vector<16xi32>, vector<16xi32> -> vector<16xi32>
        %reduce_max3A_1024 = arith.constant true
        %reduce_max3A_1025 = vector.broadcast %reduce_max3A_1024 : i1 to vector<16xi1>
        %reduce_max3A_1026 = arith.constant -2147483648 : i32
        %reduce_max3A_1027 = vector.broadcast %reduce_max3A_1026 : i32 to vector<16xi32>
        %reduce_max3A_1028 = arith.xori %gather3A_1023, %reduce_max3A_1027 : vector<16xi32>
        %reduce_max3A_1029 = tpu.scan <max>, %reduce_max3A_1028 masked %reduce_max3A_1025 : vector<16xi32>, vector<16xi1> -> vector<16xi32>
        %reduce_max3A_1030 = arith.xori %reduce_max3A_1029, %reduce_max3A_1027 : vector<16xi32>
        %reduce_max3A_1031 = vector.extract %reduce_max3A_1030[15] : i32 from vector<16xi32>
        %shift_right_arithmetic3A_1032 = arith.constant 7 : i32
        %shift_right_arithmetic3A_1033 = arith.shrsi %reduce_max3A_1031, %shift_right_arithmetic3A_1032 : i32
        %mul3A_1034 = arith.constant 128 : i32
        %mul3A_1035 = arith.muli %shift_right_arithmetic3A_1033, %mul3A_1034 : i32
        %multiple_of3A_1036 = tpu.assume_multiple %mul3A_1035, 128 : i32
        %dma_start3A_1037 = arith.constant 320 : i32
        %dma_start3A_1038 = arith.constant 0 : i32
        %dma_start3A_1039 = tpu.memref_slice %arg6[%dma_start3A_1037, %dma_start3A_1038] : memref<512x128xf32, #tpu.memory_space<vmem>> -> memref<64x128xf32, #tpu.memory_space<vmem>>
        %dma_start3A_1040 = arith.constant 0 : i32
        %dma_start3A_1041 = tpu.memref_slice %arg3[%dma_start3A_1040, %multiple_of3A_1036] : memref<64x1000000xf32, #tpu.memory_space<hbm>> -> memref<64x128xf32, #tpu.memory_space<hbm>>
        %dma_start3A_1042 = arith.constant 320 : i32
        %dma_start3A_1043 = arith.constant 0 : i32
        %dma_start3A_1044 = tpu.memref_slice %arg6[%dma_start3A_1042, %dma_start3A_1043] : memref<512x128xf32, #tpu.memory_space<vmem>> -> memref<64x128xf32, #tpu.memory_space<vmem>>
        %dma_start3A_1045 = arith.constant 0 : i32
        %dma_start3A_1046 = tpu.memref_slice %arg3[%dma_start3A_1045, %multiple_of3A_1036] : memref<64x1000000xf32, #tpu.memory_space<hbm>> -> memref<64x128xf32, #tpu.memory_space<hbm>>
        tpu.enqueue_dma source(%dma_start3A_1046 : memref<64x128xf32, #tpu.memory_space<hbm>>) target(%dma_start3A_1044 : memref<64x128xf32, #tpu.memory_space<vmem>>) target_semaphore(%arg13 : memref<!tpu.dma_semaphore, #tpu.memory_space<semaphore_mem>>)
      } else {
      }
      %mul3A_830 = arith.constant 8 : i32
      %mul3A_831 = arith.muli %add3A_295, %mul3A_830 : i32
      %add3A_832 = arith.constant 6 : i32
      %add3A_833 = arith.addi %mul3A_831, %add3A_832 : i32
      %dma_wait3A_834 = arith.constant 384 : i32
      %dma_wait3A_835 = arith.constant 0 : i32
      %dma_wait3A_836 = tpu.memref_slice %arg6[%dma_wait3A_834, %dma_wait3A_835] : memref<512x128xf32, #tpu.memory_space<vmem>> -> memref<64x128xf32, #tpu.memory_space<vmem>>
      %dma_wait3A_837 = arith.constant 0 : i32
      %dma_wait3A_838 = arith.constant 0 : i32
      %dma_wait3A_839 = tpu.memref_slice %arg3[%dma_wait3A_837, %dma_wait3A_838] : memref<64x1000000xf32, #tpu.memory_space<hbm>> -> memref<64x128xf32, #tpu.memory_space<hbm>>
      %dma_wait3A_840 = arith.constant 384 : i32
      %dma_wait3A_841 = arith.constant 0 : i32
      %dma_wait3A_842 = tpu.memref_slice %arg6[%dma_wait3A_840, %dma_wait3A_841] : memref<512x128xf32, #tpu.memory_space<vmem>> -> memref<64x128xf32, #tpu.memory_space<vmem>>
      %dma_wait3A_843 = arith.constant 0 : i32
      %dma_wait3A_844 = arith.constant 0 : i32
      %dma_wait3A_845 = tpu.memref_slice %arg3[%dma_wait3A_843, %dma_wait3A_844] : memref<64x1000000xf32, #tpu.memory_space<hbm>> -> memref<64x128xf32, #tpu.memory_space<hbm>>
      tpu.wait_dma2 semaphore(%arg14 : memref<!tpu.dma_semaphore, #tpu.memory_space<semaphore_mem>>) src(%dma_wait3A_845 : memref<64x128xf32, #tpu.memory_space<hbm>>) dst(%dma_wait3A_842 : memref<64x128xf32, #tpu.memory_space<vmem>>)
      %shift_right_arithmetic3A_846 = arith.constant 4 : i32
      %shift_right_arithmetic3A_847 = arith.shrsi %add3A_833, %shift_right_arithmetic3A_846 : i32
      %shift_left3A_848 = arith.constant 4 : i32
      %shift_left3A_849 = arith.shli %shift_right_arithmetic3A_847, %shift_left3A_848 : i32
      %get3A_850 = arith.index_cast %shift_left3A_849 : i32 to index
      %get3A_851 = tpu.vector_load %arg5[%get3A_850] {strides = array<i32>} : memref<512xi32, #tpu.memory_space<vmem>>, vector<16xi32>,
      %and3A_852 = arith.constant 15 : i32
      %and3A_853 = arith.andi %add3A_833, %and3A_852 : i32
      %broadcast_in_dim3A_854 = vector.broadcast %and3A_853 : i32 to vector<16xi32>
      %reshape3A_855 = vector.shape_cast %broadcast_in_dim3A_854 : vector<16xi32> to vector<16x1xi32>
      %gather3A_856 = vector.shape_cast %reshape3A_855 : vector<16x1xi32> to vector<16xi32>
      %gather3A_857 = tpu.dynamic_gather %get3A_851[%gather3A_856] in [0] : vector<16xi32>, vector<16xi32> -> vector<16xi32>
      %reduce_max3A_858 = arith.constant true
      %reduce_max3A_859 = vector.broadcast %reduce_max3A_858 : i1 to vector<16xi1>
      %reduce_max3A_860 = arith.constant -2147483648 : i32
      %reduce_max3A_861 = vector.broadcast %reduce_max3A_860 : i32 to vector<16xi32>
      %reduce_max3A_862 = arith.xori %gather3A_857, %reduce_max3A_861 : vector<16xi32>
      %reduce_max3A_863 = tpu.scan <max>, %reduce_max3A_862 masked %reduce_max3A_859 : vector<16xi32>, vector<16xi1> -> vector<16xi32>
      %reduce_max3A_864 = arith.xori %reduce_max3A_863, %reduce_max3A_861 : vector<16xi32>
      %reduce_max3A_865 = vector.extract %reduce_max3A_864[15] : i32 from vector<16xi32>
      %and3A_866 = arith.constant 127 : i32
      %and3A_867 = arith.andi %reduce_max3A_865, %and3A_866 : i32
      %broadcast_in_dim3A_868 = vector.broadcast %and3A_867 : i32 to vector<16xi32>
      %shift_right_arithmetic3A_869 = arith.constant 1 : i32
      %shift_right_arithmetic3A_870 = arith.shrsi %add3A_833, %shift_right_arithmetic3A_869 : i32
      %sub3A_871 = arith.constant 128 : i32
      %sub3A_872 = arith.subi %shift_right_arithmetic3A_870, %sub3A_871 : i32
      %and3A_873 = arith.constant 1 : i32
      %and3A_874 = arith.andi %add3A_833, %and3A_873 : i32
      %mul3A_875 = arith.constant 64 : i32
      %mul3A_876 = arith.muli %and3A_874, %mul3A_875 : i32
      %add3A_877 = arith.constant 384 : i32
      %add3A_878 = vector.broadcast %add3A_877 : i32 to vector<16xi32>
      %add3A_879 = arith.addi %add3A_878, %iota3A : vector<16xi32>
      %gather3A_880 = tpu.vector_load_idx %arg6[%add3A_879, %broadcast_in_dim3A_868] : memref<512x128xf32, #tpu.memory_space<vmem>>[vector<16xi32>, vector<16xi32>], vector<16xf32>,
      %add3A_881 = arith.constant 0 : i32
      %add3A_882 = arith.addi %mul3A_876, %add3A_881 : i32
      %swap3A_883 = arith.index_cast %sub3A_872 : i32 to index
      %swap3A_884 = arith.index_cast %add3A_882 : i32 to index
      %swap3A_885 = tpu.vector_load %arg7[%swap3A_883, %swap3A_884] {strides = array<i32>} : memref<128x128xf32, #tpu.memory_space<vmem>>, vector<16xf32>,
      tpu.vector_store %arg7[%swap3A_883, %swap3A_884], %gather3A_880 {strides = array<i32>} : memref<128x128xf32, #tpu.memory_space<vmem>>, vector<16xf32>,
      %add3A_886 = arith.constant 400 : i32
      %add3A_887 = vector.broadcast %add3A_886 : i32 to vector<16xi32>
      %add3A_888 = arith.addi %add3A_887, %iota3A : vector<16xi32>
      %gather3A_889 = tpu.vector_load_idx %arg6[%add3A_888, %broadcast_in_dim3A_868] : memref<512x128xf32, #tpu.memory_space<vmem>>[vector<16xi32>, vector<16xi32>], vector<16xf32>,
      %add3A_890 = arith.constant 16 : i32
      %add3A_891 = arith.addi %mul3A_876, %add3A_890 : i32
      %swap3A_892 = arith.index_cast %sub3A_872 : i32 to index
      %swap3A_893 = arith.index_cast %add3A_891 : i32 to index
      %swap3A_894 = tpu.vector_load %arg7[%swap3A_892, %swap3A_893] {strides = array<i32>} : memref<128x128xf32, #tpu.memory_space<vmem>>, vector<16xf32>,
      tpu.vector_store %arg7[%swap3A_892, %swap3A_893], %gather3A_889 {strides = array<i32>} : memref<128x128xf32, #tpu.memory_space<vmem>>, vector<16xf32>,
      %add3A_895 = arith.constant 416 : i32
      %add3A_896 = vector.broadcast %add3A_895 : i32 to vector<16xi32>
      %add3A_897 = arith.addi %add3A_896, %iota3A : vector<16xi32>
      %gather3A_898 = tpu.vector_load_idx %arg6[%add3A_897, %broadcast_in_dim3A_868] : memref<512x128xf32, #tpu.memory_space<vmem>>[vector<16xi32>, vector<16xi32>], vector<16xf32>,
      %add3A_899 = arith.constant 32 : i32
      %add3A_900 = arith.addi %mul3A_876, %add3A_899 : i32
      %swap3A_901 = arith.index_cast %sub3A_872 : i32 to index
      %swap3A_902 = arith.index_cast %add3A_900 : i32 to index
      %swap3A_903 = tpu.vector_load %arg7[%swap3A_901, %swap3A_902] {strides = array<i32>} : memref<128x128xf32, #tpu.memory_space<vmem>>, vector<16xf32>,
      tpu.vector_store %arg7[%swap3A_901, %swap3A_902], %gather3A_898 {strides = array<i32>} : memref<128x128xf32, #tpu.memory_space<vmem>>, vector<16xf32>,
      %add3A_904 = arith.constant 432 : i32
      %add3A_905 = vector.broadcast %add3A_904 : i32 to vector<16xi32>
      %add3A_906 = arith.addi %add3A_905, %iota3A : vector<16xi32>
      %gather3A_907 = tpu.vector_load_idx %arg6[%add3A_906, %broadcast_in_dim3A_868] : memref<512x128xf32, #tpu.memory_space<vmem>>[vector<16xi32>, vector<16xi32>], vector<16xf32>,
      %add3A_908 = arith.constant 48 : i32
      %add3A_909 = arith.addi %mul3A_876, %add3A_908 : i32
      %swap3A_910 = arith.index_cast %sub3A_872 : i32 to index
      %swap3A_911 = arith.index_cast %add3A_909 : i32 to index
      %swap3A_912 = tpu.vector_load %arg7[%swap3A_910, %swap3A_911] {strides = array<i32>} : memref<128x128xf32, #tpu.memory_space<vmem>>, vector<16xf32>,
      tpu.vector_store %arg7[%swap3A_910, %swap3A_911], %gather3A_907 {strides = array<i32>} : memref<128x128xf32, #tpu.memory_space<vmem>>, vector<16xf32>,
      %add3A_913 = arith.constant 8 : i32
      %add3A_914 = arith.addi %add3A_833, %add3A_913 : i32
      %lt3A_915 = arith.constant 512 : i32
      %lt3A_916 = arith.cmpi slt, %add3A_914, %lt3A_915 : i32
      %convert_element_type3A_917 = arith.extui %lt3A_916 : i1 to i32
      %cond3A_918 = arith.constant 0 : i32
      %cond3A_919 = arith.cmpi ne, %convert_element_type3A_917, %cond3A_918 : i32
      scf.if %cond3A_919 {
        %add3A_1010 = arith.constant 8 : i32
        %add3A_1011 = arith.addi %add3A_833, %add3A_1010 : i32
        %shift_right_arithmetic3A_1012 = arith.constant 4 : i32
        %shift_right_arithmetic3A_1013 = arith.shrsi %add3A_1011, %shift_right_arithmetic3A_1012 : i32
        %shift_left3A_1014 = arith.constant 4 : i32
        %shift_left3A_1015 = arith.shli %shift_right_arithmetic3A_1013, %shift_left3A_1014 : i32
        %get3A_1016 = arith.index_cast %shift_left3A_1015 : i32 to index
        %get3A_1017 = tpu.vector_load %arg5[%get3A_1016] {strides = array<i32>} : memref<512xi32, #tpu.memory_space<vmem>>, vector<16xi32>,
        %and3A_1018 = arith.constant 15 : i32
        %and3A_1019 = arith.andi %add3A_1011, %and3A_1018 : i32
        %broadcast_in_dim3A_1020 = vector.broadcast %and3A_1019 : i32 to vector<16xi32>
        %reshape3A_1021 = vector.shape_cast %broadcast_in_dim3A_1020 : vector<16xi32> to vector<16x1xi32>
        %gather3A_1022 = vector.shape_cast %reshape3A_1021 : vector<16x1xi32> to vector<16xi32>
        %gather3A_1023 = tpu.dynamic_gather %get3A_1017[%gather3A_1022] in [0] : vector<16xi32>, vector<16xi32> -> vector<16xi32>
        %reduce_max3A_1024 = arith.constant true
        %reduce_max3A_1025 = vector.broadcast %reduce_max3A_1024 : i1 to vector<16xi1>
        %reduce_max3A_1026 = arith.constant -2147483648 : i32
        %reduce_max3A_1027 = vector.broadcast %reduce_max3A_1026 : i32 to vector<16xi32>
        %reduce_max3A_1028 = arith.xori %gather3A_1023, %reduce_max3A_1027 : vector<16xi32>
        %reduce_max3A_1029 = tpu.scan <max>, %reduce_max3A_1028 masked %reduce_max3A_1025 : vector<16xi32>, vector<16xi1> -> vector<16xi32>
        %reduce_max3A_1030 = arith.xori %reduce_max3A_1029, %reduce_max3A_1027 : vector<16xi32>
        %reduce_max3A_1031 = vector.extract %reduce_max3A_1030[15] : i32 from vector<16xi32>
        %shift_right_arithmetic3A_1032 = arith.constant 7 : i32
        %shift_right_arithmetic3A_1033 = arith.shrsi %reduce_max3A_1031, %shift_right_arithmetic3A_1032 : i32
        %mul3A_1034 = arith.constant 128 : i32
        %mul3A_1035 = arith.muli %shift_right_arithmetic3A_1033, %mul3A_1034 : i32
        %multiple_of3A_1036 = tpu.assume_multiple %mul3A_1035, 128 : i32
        %dma_start3A_1037 = arith.constant 384 : i32
        %dma_start3A_1038 = arith.constant 0 : i32
        %dma_start3A_1039 = tpu.memref_slice %arg6[%dma_start3A_1037, %dma_start3A_1038] : memref<512x128xf32, #tpu.memory_space<vmem>> -> memref<64x128xf32, #tpu.memory_space<vmem>>
        %dma_start3A_1040 = arith.constant 0 : i32
        %dma_start3A_1041 = tpu.memref_slice %arg3[%dma_start3A_1040, %multiple_of3A_1036] : memref<64x1000000xf32, #tpu.memory_space<hbm>> -> memref<64x128xf32, #tpu.memory_space<hbm>>
        %dma_start3A_1042 = arith.constant 384 : i32
        %dma_start3A_1043 = arith.constant 0 : i32
        %dma_start3A_1044 = tpu.memref_slice %arg6[%dma_start3A_1042, %dma_start3A_1043] : memref<512x128xf32, #tpu.memory_space<vmem>> -> memref<64x128xf32, #tpu.memory_space<vmem>>
        %dma_start3A_1045 = arith.constant 0 : i32
        %dma_start3A_1046 = tpu.memref_slice %arg3[%dma_start3A_1045, %multiple_of3A_1036] : memref<64x1000000xf32, #tpu.memory_space<hbm>> -> memref<64x128xf32, #tpu.memory_space<hbm>>
        tpu.enqueue_dma source(%dma_start3A_1046 : memref<64x128xf32, #tpu.memory_space<hbm>>) target(%dma_start3A_1044 : memref<64x128xf32, #tpu.memory_space<vmem>>) target_semaphore(%arg14 : memref<!tpu.dma_semaphore, #tpu.memory_space<semaphore_mem>>)
      } else {
      }
      %mul3A_920 = arith.constant 8 : i32
      %mul3A_921 = arith.muli %add3A_295, %mul3A_920 : i32
      %add3A_922 = arith.constant 7 : i32
      %add3A_923 = arith.addi %mul3A_921, %add3A_922 : i32
      %dma_wait3A_924 = arith.constant 448 : i32
      %dma_wait3A_925 = arith.constant 0 : i32
      %dma_wait3A_926 = tpu.memref_slice %arg6[%dma_wait3A_924, %dma_wait3A_925] : memref<512x128xf32, #tpu.memory_space<vmem>> -> memref<64x128xf32, #tpu.memory_space<vmem>>
      %dma_wait3A_927 = arith.constant 0 : i32
      %dma_wait3A_928 = arith.constant 0 : i32
      %dma_wait3A_929 = tpu.memref_slice %arg3[%dma_wait3A_927, %dma_wait3A_928] : memref<64x1000000xf32, #tpu.memory_space<hbm>> -> memref<64x128xf32, #tpu.memory_space<hbm>>
      %dma_wait3A_930 = arith.constant 448 : i32
      %dma_wait3A_931 = arith.constant 0 : i32
      %dma_wait3A_932 = tpu.memref_slice %arg6[%dma_wait3A_930, %dma_wait3A_931] : memref<512x128xf32, #tpu.memory_space<vmem>> -> memref<64x128xf32, #tpu.memory_space<vmem>>
      %dma_wait3A_933 = arith.constant 0 : i32
      %dma_wait3A_934 = arith.constant 0 : i32
      %dma_wait3A_935 = tpu.memref_slice %arg3[%dma_wait3A_933, %dma_wait3A_934] : memref<64x1000000xf32, #tpu.memory_space<hbm>> -> memref<64x128xf32, #tpu.memory_space<hbm>>
      tpu.wait_dma2 semaphore(%arg15 : memref<!tpu.dma_semaphore, #tpu.memory_space<semaphore_mem>>) src(%dma_wait3A_935 : memref<64x128xf32, #tpu.memory_space<hbm>>) dst(%dma_wait3A_932 : memref<64x128xf32, #tpu.memory_space<vmem>>)
      %shift_right_arithmetic3A_936 = arith.constant 4 : i32
      %shift_right_arithmetic3A_937 = arith.shrsi %add3A_923, %shift_right_arithmetic3A_936 : i32
      %shift_left3A_938 = arith.constant 4 : i32
      %shift_left3A_939 = arith.shli %shift_right_arithmetic3A_937, %shift_left3A_938 : i32
      %get3A_940 = arith.index_cast %shift_left3A_939 : i32 to index
      %get3A_941 = tpu.vector_load %arg5[%get3A_940] {strides = array<i32>} : memref<512xi32, #tpu.memory_space<vmem>>, vector<16xi32>,
      %and3A_942 = arith.constant 15 : i32
      %and3A_943 = arith.andi %add3A_923, %and3A_942 : i32
      %broadcast_in_dim3A_944 = vector.broadcast %and3A_943 : i32 to vector<16xi32>
      %reshape3A_945 = vector.shape_cast %broadcast_in_dim3A_944 : vector<16xi32> to vector<16x1xi32>
      %gather3A_946 = vector.shape_cast %reshape3A_945 : vector<16x1xi32> to vector<16xi32>
      %gather3A_947 = tpu.dynamic_gather %get3A_941[%gather3A_946] in [0] : vector<16xi32>, vector<16xi32> -> vector<16xi32>
      %reduce_max3A_948 = arith.constant true
      %reduce_max3A_949 = vector.broadcast %reduce_max3A_948 : i1 to vector<16xi1>
      %reduce_max3A_950 = arith.constant -2147483648 : i32
      %reduce_max3A_951 = vector.broadcast %reduce_max3A_950 : i32 to vector<16xi32>
      %reduce_max3A_952 = arith.xori %gather3A_947, %reduce_max3A_951 : vector<16xi32>
      %reduce_max3A_953 = tpu.scan <max>, %reduce_max3A_952 masked %reduce_max3A_949 : vector<16xi32>, vector<16xi1> -> vector<16xi32>
      %reduce_max3A_954 = arith.xori %reduce_max3A_953, %reduce_max3A_951 : vector<16xi32>
      %reduce_max3A_955 = vector.extract %reduce_max3A_954[15] : i32 from vector<16xi32>
      %and3A_956 = arith.constant 127 : i32
      %and3A_957 = arith.andi %reduce_max3A_955, %and3A_956 : i32
      %broadcast_in_dim3A_958 = vector.broadcast %and3A_957 : i32 to vector<16xi32>
      %shift_right_arithmetic3A_959 = arith.constant 1 : i32
      %shift_right_arithmetic3A_960 = arith.shrsi %add3A_923, %shift_right_arithmetic3A_959 : i32
      %sub3A_961 = arith.constant 128 : i32
      %sub3A_962 = arith.subi %shift_right_arithmetic3A_960, %sub3A_961 : i32
      %and3A_963 = arith.constant 1 : i32
      %and3A_964 = arith.andi %add3A_923, %and3A_963 : i32
      %mul3A_965 = arith.constant 64 : i32
      %mul3A_966 = arith.muli %and3A_964, %mul3A_965 : i32
      %add3A_967 = arith.constant 448 : i32
      %add3A_968 = vector.broadcast %add3A_967 : i32 to vector<16xi32>
      %add3A_969 = arith.addi %add3A_968, %iota3A : vector<16xi32>
      %gather3A_970 = tpu.vector_load_idx %arg6[%add3A_969, %broadcast_in_dim3A_958] : memref<512x128xf32, #tpu.memory_space<vmem>>[vector<16xi32>, vector<16xi32>], vector<16xf32>,
      %add3A_971 = arith.constant 0 : i32
      %add3A_972 = arith.addi %mul3A_966, %add3A_971 : i32
      %swap3A_973 = arith.index_cast %sub3A_962 : i32 to index
      %swap3A_974 = arith.index_cast %add3A_972 : i32 to index
      %swap3A_975 = tpu.vector_load %arg7[%swap3A_973, %swap3A_974] {strides = array<i32>} : memref<128x128xf32, #tpu.memory_space<vmem>>, vector<16xf32>,
      tpu.vector_store %arg7[%swap3A_973, %swap3A_974], %gather3A_970 {strides = array<i32>} : memref<128x128xf32, #tpu.memory_space<vmem>>, vector<16xf32>,
      %add3A_976 = arith.constant 464 : i32
      %add3A_977 = vector.broadcast %add3A_976 : i32 to vector<16xi32>
      %add3A_978 = arith.addi %add3A_977, %iota3A : vector<16xi32>
      %gather3A_979 = tpu.vector_load_idx %arg6[%add3A_978, %broadcast_in_dim3A_958] : memref<512x128xf32, #tpu.memory_space<vmem>>[vector<16xi32>, vector<16xi32>], vector<16xf32>,
      %add3A_980 = arith.constant 16 : i32
      %add3A_981 = arith.addi %mul3A_966, %add3A_980 : i32
      %swap3A_982 = arith.index_cast %sub3A_962 : i32 to index
      %swap3A_983 = arith.index_cast %add3A_981 : i32 to index
      %swap3A_984 = tpu.vector_load %arg7[%swap3A_982, %swap3A_983] {strides = array<i32>} : memref<128x128xf32, #tpu.memory_space<vmem>>, vector<16xf32>,
      tpu.vector_store %arg7[%swap3A_982, %swap3A_983], %gather3A_979 {strides = array<i32>} : memref<128x128xf32, #tpu.memory_space<vmem>>, vector<16xf32>,
      %add3A_985 = arith.constant 480 : i32
      %add3A_986 = vector.broadcast %add3A_985 : i32 to vector<16xi32>
      %add3A_987 = arith.addi %add3A_986, %iota3A : vector<16xi32>
      %gather3A_988 = tpu.vector_load_idx %arg6[%add3A_987, %broadcast_in_dim3A_958] : memref<512x128xf32, #tpu.memory_space<vmem>>[vector<16xi32>, vector<16xi32>], vector<16xf32>,
      %add3A_989 = arith.constant 32 : i32
      %add3A_990 = arith.addi %mul3A_966, %add3A_989 : i32
      %swap3A_991 = arith.index_cast %sub3A_962 : i32 to index
      %swap3A_992 = arith.index_cast %add3A_990 : i32 to index
      %swap3A_993 = tpu.vector_load %arg7[%swap3A_991, %swap3A_992] {strides = array<i32>} : memref<128x128xf32, #tpu.memory_space<vmem>>, vector<16xf32>,
      tpu.vector_store %arg7[%swap3A_991, %swap3A_992], %gather3A_988 {strides = array<i32>} : memref<128x128xf32, #tpu.memory_space<vmem>>, vector<16xf32>,
      %add3A_994 = arith.constant 496 : i32
      %add3A_995 = vector.broadcast %add3A_994 : i32 to vector<16xi32>
      %add3A_996 = arith.addi %add3A_995, %iota3A : vector<16xi32>
      %gather3A_997 = tpu.vector_load_idx %arg6[%add3A_996, %broadcast_in_dim3A_958] : memref<512x128xf32, #tpu.memory_space<vmem>>[vector<16xi32>, vector<16xi32>], vector<16xf32>,
      %add3A_998 = arith.constant 48 : i32
      %add3A_999 = arith.addi %mul3A_966, %add3A_998 : i32
      %swap3A_1000 = arith.index_cast %sub3A_962 : i32 to index
      %swap3A_1001 = arith.index_cast %add3A_999 : i32 to index
      %swap3A_1002 = tpu.vector_load %arg7[%swap3A_1000, %swap3A_1001] {strides = array<i32>} : memref<128x128xf32, #tpu.memory_space<vmem>>, vector<16xf32>,
      tpu.vector_store %arg7[%swap3A_1000, %swap3A_1001], %gather3A_997 {strides = array<i32>} : memref<128x128xf32, #tpu.memory_space<vmem>>, vector<16xf32>,
      %add3A_1003 = arith.constant 8 : i32
      %add3A_1004 = arith.addi %add3A_923, %add3A_1003 : i32
      %lt3A_1005 = arith.constant 512 : i32
      %lt3A_1006 = arith.cmpi slt, %add3A_1004, %lt3A_1005 : i32
      %convert_element_type3A_1007 = arith.extui %lt3A_1006 : i1 to i32
      %cond3A_1008 = arith.constant 0 : i32
      %cond3A_1009 = arith.cmpi ne, %convert_element_type3A_1007, %cond3A_1008 : i32
      scf.if %cond3A_1009 {
        %add3A_1010 = arith.constant 8 : i32
        %add3A_1011 = arith.addi %add3A_923, %add3A_1010 : i32
        %shift_right_arithmetic3A_1012 = arith.constant 4 : i32
        %shift_right_arithmetic3A_1013 = arith.shrsi %add3A_1011, %shift_right_arithmetic3A_1012 : i32
        %shift_left3A_1014 = arith.constant 4 : i32
        %shift_left3A_1015 = arith.shli %shift_right_arithmetic3A_1013, %shift_left3A_1014 : i32
        %get3A_1016 = arith.index_cast %shift_left3A_1015 : i32 to index
        %get3A_1017 = tpu.vector_load %arg5[%get3A_1016] {strides = array<i32>} : memref<512xi32, #tpu.memory_space<vmem>>, vector<16xi32>,
        %and3A_1018 = arith.constant 15 : i32
        %and3A_1019 = arith.andi %add3A_1011, %and3A_1018 : i32
        %broadcast_in_dim3A_1020 = vector.broadcast %and3A_1019 : i32 to vector<16xi32>
        %reshape3A_1021 = vector.shape_cast %broadcast_in_dim3A_1020 : vector<16xi32> to vector<16x1xi32>
        %gather3A_1022 = vector.shape_cast %reshape3A_1021 : vector<16x1xi32> to vector<16xi32>
        %gather3A_1023 = tpu.dynamic_gather %get3A_1017[%gather3A_1022] in [0] : vector<16xi32>, vector<16xi32> -> vector<16xi32>
        %reduce_max3A_1024 = arith.constant true
        %reduce_max3A_1025 = vector.broadcast %reduce_max3A_1024 : i1 to vector<16xi1>
        %reduce_max3A_1026 = arith.constant -2147483648 : i32
        %reduce_max3A_1027 = vector.broadcast %reduce_max3A_1026 : i32 to vector<16xi32>
        %reduce_max3A_1028 = arith.xori %gather3A_1023, %reduce_max3A_1027 : vector<16xi32>
        %reduce_max3A_1029 = tpu.scan <max>, %reduce_max3A_1028 masked %reduce_max3A_1025 : vector<16xi32>, vector<16xi1> -> vector<16xi32>
        %reduce_max3A_1030 = arith.xori %reduce_max3A_1029, %reduce_max3A_1027 : vector<16xi32>
        %reduce_max3A_1031 = vector.extract %reduce_max3A_1030[15] : i32 from vector<16xi32>
        %shift_right_arithmetic3A_1032 = arith.constant 7 : i32
        %shift_right_arithmetic3A_1033 = arith.shrsi %reduce_max3A_1031, %shift_right_arithmetic3A_1032 : i32
        %mul3A_1034 = arith.constant 128 : i32
        %mul3A_1035 = arith.muli %shift_right_arithmetic3A_1033, %mul3A_1034 : i32
        %multiple_of3A_1036 = tpu.assume_multiple %mul3A_1035, 128 : i32
        %dma_start3A_1037 = arith.constant 448 : i32
        %dma_start3A_1038 = arith.constant 0 : i32
        %dma_start3A_1039 = tpu.memref_slice %arg6[%dma_start3A_1037, %dma_start3A_1038] : memref<512x128xf32, #tpu.memory_space<vmem>> -> memref<64x128xf32, #tpu.memory_space<vmem>>
        %dma_start3A_1040 = arith.constant 0 : i32
        %dma_start3A_1041 = tpu.memref_slice %arg3[%dma_start3A_1040, %multiple_of3A_1036] : memref<64x1000000xf32, #tpu.memory_space<hbm>> -> memref<64x128xf32, #tpu.memory_space<hbm>>
        %dma_start3A_1042 = arith.constant 448 : i32
        %dma_start3A_1043 = arith.constant 0 : i32
        %dma_start3A_1044 = tpu.memref_slice %arg6[%dma_start3A_1042, %dma_start3A_1043] : memref<512x128xf32, #tpu.memory_space<vmem>> -> memref<64x128xf32, #tpu.memory_space<vmem>>
        %dma_start3A_1045 = arith.constant 0 : i32
        %dma_start3A_1046 = tpu.memref_slice %arg3[%dma_start3A_1045, %multiple_of3A_1036] : memref<64x1000000xf32, #tpu.memory_space<hbm>> -> memref<64x128xf32, #tpu.memory_space<hbm>>
        tpu.enqueue_dma source(%dma_start3A_1046 : memref<64x128xf32, #tpu.memory_space<hbm>>) target(%dma_start3A_1044 : memref<64x128xf32, #tpu.memory_space<vmem>>) target_semaphore(%arg15 : memref<!tpu.dma_semaphore, #tpu.memory_space<semaphore_mem>>)
      } else {
      }
    }
    %scan3A_265 = arith.constant 32 : i32
    %jit3A_266 = arith.constant 2 : i32
    %div3A_267 = arith.divsi %multiple_of3A, %jit3A_266 : i32
    %sign3A_268 = arith.constant 0 : i32
    %sign3A_269 = arith.cmpi sgt, %multiple_of3A, %sign3A_268 : i32
    %sign3A_270 = arith.extui %sign3A_269 : i1 to i32
    %sign3A_271 = arith.constant 0 : i32
    %sign3A_272 = arith.cmpi slt, %multiple_of3A, %sign3A_271 : i32
    %sign3A_273 = arith.extui %sign3A_272 : i1 to i32
    %sign3A_274 = arith.subi %sign3A_270, %sign3A_273 : i32
    %sign3A_275 = arith.constant 0 : i32
    %sign3A_276 = arith.cmpi sgt, %jit3A_266, %sign3A_275 : i32
    %sign3A_277 = arith.extui %sign3A_276 : i1 to i32
    %sign3A_278 = arith.constant 0 : i32
    %sign3A_279 = arith.cmpi slt, %jit3A_266, %sign3A_278 : i32
    %sign3A_280 = arith.extui %sign3A_279 : i1 to i32
    %sign3A_281 = arith.subi %sign3A_277, %sign3A_280 : i32
    %ne3A_282 = arith.cmpi ne, %sign3A_274, %sign3A_281 : i32
    %rem3A_283 = arith.remsi %multiple_of3A, %jit3A_266 : i32
    %ne3A_284 = arith.constant 0 : i32
    %ne3A_285 = arith.cmpi ne, %rem3A_283, %ne3A_284 : i32
    %and3A_286 = arith.andi %ne3A_282, %ne3A_285 : i1
    %sub3A_287 = arith.constant 1 : i32
    %sub3A_288 = arith.subi %div3A_267, %sub3A_287 : i32
    %select_n3A_289 = arith.select %and3A_286, %sub3A_288, %div3A_267 : i32
    %add3A_290 = arith.constant 128 : i32
    %add3A_291 = arith.addi %select_n3A_289, %add3A_290 : i32
    %multiple_of3A_292 = tpu.assume_multiple %add3A_291, 128 : i32
    "tpu.region"() ({
      %run_scoped3A = tpu.sem_alloc : memref<!tpu.dma_semaphore, #tpu.memory_space<semaphore_mem>>
      %dma_start3A_293 = arith.constant 0 : i32
      %dma_start3A_294 = tpu.memref_slice %arg4[%multiple_of3A_292, %dma_start3A_293] : memref<8192x128xf32, #tpu.memory_space<hbm>> -> memref<128x128xf32, #tpu.memory_space<hbm>>
      %dma_start3A_295 = arith.constant 0 : i32
      %dma_start3A_296 = tpu.memref_slice %arg4[%multiple_of3A_292, %dma_start3A_295] : memref<8192x128xf32, #tpu.memory_space<hbm>> -> memref<128x128xf32, #tpu.memory_space<hbm>>
      tpu.enqueue_dma source(%arg7 : memref<128x128xf32, #tpu.memory_space<vmem>>) target(%dma_start3A_296 : memref<128x128xf32, #tpu.memory_space<hbm>>) target_semaphore(%run_scoped3A : memref<!tpu.dma_semaphore, #tpu.memory_space<semaphore_mem>>)
      %dma_wait3A = arith.constant 0 : i32
      %dma_wait3A_297 = tpu.memref_slice %arg4[%multiple_of3A_292, %dma_wait3A] : memref<8192x128xf32, #tpu.memory_space<hbm>> -> memref<128x128xf32, #tpu.memory_space<hbm>>
      %dma_wait3A_298 = arith.constant 0 : i32
      %dma_wait3A_299 = tpu.memref_slice %arg4[%multiple_of3A_292, %dma_wait3A_298] : memref<8192x128xf32, #tpu.memory_space<hbm>> -> memref<128x128xf32, #tpu.memory_space<hbm>>
      tpu.wait_dma2 semaphore(%run_scoped3A : memref<!tpu.dma_semaphore, #tpu.memory_space<semaphore_mem>>) src(%arg7 : memref<128x128xf32, #tpu.memory_space<vmem>>) dst(%dma_wait3A_299 : memref<128x128xf32, #tpu.memory_space<hbm>>)
      tpu.yield
    }) : () -> ()
    return
  }
}

</mosaic_0001>

<sc_bundles>
// kernel: kernel.3.cloned.1.call-start
scs
__scs_entry_jumppad:
0x0: {  	(pc) =	sbr.rel $0x88, $3  }
0x1: {  	(tag) =	ssettag $0x0;
	lr =	simm.s32 $0x1  }
0x2: {  	[smem:$0x3F9F] =	sst lr;
	_ =	strace $0xD0000000  }
0x3: {  	_ = 	snop  }
0x4: {  	_ = 	snop  }
0x5: {  	_ = 	snop  }
0x6: {  	_ = 	snop  }
0x7: {  	_ = 	snop  }
__scs_overlays_trampoline_lowered:
0x8: {  	[smem:$0x3FAE] =	sst s0  }
0x9: {  	[smem:$0x3FAF] =	sst s1  }
0xa: {  	[smem:$0x3FB0] =	sst s2  }
0xb: {  	[smem:$0x3FB1] =	sst s3  }
0xc: {  	[smem:$0x3FB2] =	sst s4  }
0xd: {  	[smem:$0x3FB3] =	sst s5  }
0xe: {  	[smem:$0x3FB4] =	sst s6  }
0xf: {  	[smem:$0x3FB5] =	sst s7  }
0x10: {  	[smem:$0x3FB6] =	sst s8  }
0x11: {  	[smem:$0x3FB7] =	sst s9;
	s0 =	simm.s32 @!p0 $0x0  }
0x12: {  	s1 =	sld [smem:$0x3F9D];
	s0 =	simm.s32 @p0 $0x1  }
0x13: {  	[smem:$0x3FB8] =	sst s0;
	s0 =	simm.s32 @!p1 $0x0  }
0x14: {  	s2 =	sld [smem:$0x3F9C];
	s0 =	simm.s32 @p1 $0x1  }
0x15: {  	[smem:$0x3FB9] =	sst s0;
	s0 =	simm.s32 @!p2 $0x0  }
0x16: {  	s3 =	sld [smem:$0x3FDB];
	s0 =	simm.s32 @p2 $0x1  }
0x17: {  	s4 =	simm.s32 $0x1BF5;
	[smem:$0x3FBB] =	sst s0  }
0x18: {  	s0 =	sld [smem:$0x3F9E];
	_ =	swait.ge [sflag:s4], $0x0  }
0x19: {  	s7 =	sld [smem:$0x3F9F]  }
0x1a: {  	s8 =	sadd.s32 $0xFFFFE003, lr  }
0x1b: {  	s9 =	sadd.s32 $0xFFFFFEF7, lr;
	s5 =	simm.s32 $0xFFFFFFFF;
	p2 =	slt.u32 s8, $0xFFFFF086  }
0x1c: {  	p1 =	slt.u32 s9, $0xF7A;
	s5 =	simm.s32 @!p2 $0x0  }
0x1d: {  	s5 =	simm.s32 @p1 $0x1;
	p0 =	seq.s32 s7, s2  }
0x1e: {  	s7 =	smul.u32 @!p0 $0xF7A, s2;
	p2 =	seq.s32 @!p0 s5, $0x0  }
0x1f: {  	s9 =	smul.u32 $0xF7A, s1;
	s8 =	simm.s32 @!p0 $0x1BF5;
	p2 =	por !p2, p0  }
0x20: {  	[sflag:s8] =	ssyncset.s32 @!p0 $0xFFFFF086;
	s6 =	sadd.s32 @!p0 s3, s7;
	s7 =	simm.s32 @!p0 $0x108  }
0x21: {  	s3 =	sadd.s32 s3, s9;
	s6 =	sadd.s32 @!p0 $0x88, s6;
	s7 =	simm.s32 @p2 $0x1082  }
0x22: {  	[simem:s7], [sflag:s8] =	dma.local @!p0 [hbm:s6], $0xF7A  }
0x23: {  	s9 =	sor.u32 $0xD0000000, s2;
	s6 =	simm.s32 $0x108;
	_ =	swait.ge @!p0 [sflag:s8], $0x0  }
0x24: {  	s3 =	sadd.s32 $0x88, s3;
	s6 =	simm.s32 @!p1 $0x1082;
	[sflag:s4] =	ssyncset.s32 $0xFFFFF086  }
0x25: {  	[simem:s6], [sflag:s4] =	dma.local [hbm:s3], $0xF7A  }
0x26: {  	[smem:$0x3F9F] =	sst s1;
	(tag) =	ssettag s2;
	_ =	strace s9  }
0x27: {  	s1 =	sld [smem:$0x3FAF]  }
0x28: {  	s2 =	sld [smem:$0x3FB0]  }
0x29: {  	s4 =	sld [smem:$0x3FB2]  }
0x2a: {  	p0 =	seq.s32 s5, $0x0;
	s5 =	sld [smem:$0x3FB3]  }
0x2b: {  	s6 =	sld [smem:$0x3FB4]  }
0x2c: {  	s7 =	sld [smem:$0x3FB5]  }
0x2d: {  	s3 =	simm.s32 $0x108;
	s8 =	sld [smem:$0x3FB6]  }
0x2e: {  	s3 =	simm.s32 @!p0 $0x1082;
	s9 =	sld [smem:$0x3FB7]  }
0x2f: {  	lr =	sadd.s32 s0, s3;
	s0 =	sld [smem:$0x3FAE]  }
0x30: {  	s3 =	sld [smem:$0x3FB1]  }
0x31: {  	[smem:$0x3FBA] =	sst s10  }
0x32: {  	s10 =	sld [smem:$0x3FB8];
	_ =	sdelay $0x3  }
0x33: {  	p0 =	seq.s32 s10, $0x1;
	s10 =	sld [smem:$0x3FBA];
	_ =	sdelay $0x3  }
0x34: {  	[smem:$0x3FBA] =	sst s10  }
0x35: {  	s10 =	sld [smem:$0x3FB9];
	_ =	sdelay $0x3  }
0x36: {  	p1 =	seq.s32 s10, $0x1;
	s10 =	sld [smem:$0x3FBA];
	_ =	sdelay $0x3  }
0x37: {  	[smem:$0x3FBA] =	sst s10  }
0x38: {  	s10 =	sld [smem:$0x3FBB]  }
0x39: {  	_ = 	snop;
	(pc) =	sbr.ind lr, $3  }
0x3a: {  	_ = 	snop  }
0x3b: {  	_ = 	snop  }
0x3c: {  	p2 =	seq.s32 s10, $0x1;
	s10 =	sld [smem:$0x3FBA]  }
0x3d: {  	_ =	shalt  }
0x3e: {  	_ =	shalt  }
0x3f: {  	_ =	shalt  }
0x40: {  	_ =	shalt  }
0x41: {  	_ =	shalt  }
0x42: {  	_ =	shalt  }
0x43: {  	_ =	shalt  }
0x44: {  	_ =	shalt  }
0x45: {  	_ =	shalt  }
0x46: {  	_ =	shalt  }
0x47: {  	_ =	shalt  }
0x48: {  	_ =	shalt  }
0x49: {  	_ =	shalt  }
0x4a: {  	_ =	shalt  }
0x4b: {  	_ =	shalt  }
0x4c: {  	_ =	shalt  }
0x4d: {  	_ =	shalt  }
0x4e: {  	_ =	shalt  }
0x4f: {  	_ =	shalt  }
0x50: {  	_ =	shalt  }
0x51: {  	_ =	shalt  }
0x52: {  	_ =	shalt  }
0x53: {  	_ =	shalt  }
0x54: {  	_ =	shalt  }
0x55: {  	_ =	shalt  }
0x56: {  	_ =	shalt  }
0x57: {  	_ =	shalt  }
0x58: {  	_ =	shalt  }
0x59: {  	_ =	shalt  }
0x5a: {  	_ =	shalt  }
0x5b: {  	_ =	shalt  }
0x5c: {  	_ =	shalt  }
0x5d: {  	_ =	shalt  }
0x5e: {  	_ =	shalt  }
0x5f: {  	_ =	shalt  }
0x60: {  	_ =	shalt  }
0x61: {  	_ =	shalt  }
0x62: {  	_ =	shalt  }
0x63: {  	_ =	shalt  }
0x64: {  	_ =	shalt  }
0x65: {  	_ =	shalt  }
0x66: {  	_ =	shalt  }
0x67: {  	_ =	shalt  }
0x68: {  	_ =	shalt  }
0x69: {  	_ =	shalt  }
0x6a: {  	_ =	shalt  }
0x6b: {  	_ =	shalt  }
0x6c: {  	_ =	shalt  }
0x6d: {  	_ =	shalt  }
0x6e: {  	_ =	shalt  }
0x6f: {  	_ =	shalt  }
0x70: {  	_ =	shalt  }
0x71: {  	_ =	shalt  }
0x72: {  	_ =	shalt  }
0x73: {  	_ =	shalt  }
0x74: {  	_ =	shalt  }
0x75: {  	_ =	shalt  }
0x76: {  	_ =	shalt  }
0x77: {  	_ =	shalt  }
0x78: {  	_ =	shalt  }
0x79: {  	_ =	shalt  }
0x7a: {  	_ =	shalt  }
0x7b: {  	_ =	shalt  }
0x7c: {  	_ =	shalt  }
0x7d: {  	_ =	shalt  }
0x7e: {  	_ =	shalt  }
0x7f: {  	_ =	shalt  }
0x80: {  	_ =	shalt  }
0x81: {  	_ =	shalt  }
0x82: {  	_ =	shalt  }
0x83: {  	_ =	shalt  }
0x84: {  	_ =	shalt  }
0x85: {  	_ =	shalt  }
0x86: {  	_ =	shalt  }
0x87: {  	_ =	shalt  }
.Lfunc_end0:
.L_simem_size_0:
called_computation_lowered:
.L_overlay_start_0:
0x88: {  	s2 =	sld [smem:$0x3FD9]  }
0x89: {  	s3 =	sld [smem:$0x3FFE];
	_ =	sdelay $0x1  }
0x8a: {  	s1 =	srdreg.scid  }
0x8b: {  	s0 =	sand.u32 $0x1, s1  }
0x8c: {  	s18 =	sshll.u32 s0, $0xA;
	s2 =	sadd.s32 s3, s2  }
0x8d: {  	s2 =	sadd.s32 s2, s18  }
0x8e: {  	[smem:$0x3FC6] =	sst s2  }
0x8f: {  	_ = 	snop  }
0x90: {  	s2 =	sld [smem:$0x3FC9]  }
0x91: {  	s19 =	sld [smem:$0x3FC8]  }
0x92: {  	s4 =	sld [smem:$0x3FD0];
	(tm) =	ssettm $0x1  }
0x93: {  	s5 =	sld [smem:$0x3FFB];
	_ =	sdelay $0x3  }
0x94: {  	_ =	strace s5  }
0x95: {  	s5 =	sld [smem:$0x3FFC];
	_ =	sdelay $0x3  }
0x96: {  	_ =	strace s5  }
0x97: {  	s5 =	sld [smem:$0x3FFD];
	_ =	sdelay $0x3  }
0x98: {  	_ =	strace s5  }
0x99: {  	_ =	strace $0x8FFFFFFF  }
0x9a: {  	s20 =	sld [smem:$0x3FDB];
	_ =	sdelay $0x1  }
0x9b: {  	s6 =	simm.s32 $_scs_section_size  }
0x9c: {  	s7 =	simm.s32 $_size__tile_overlayer_lowered;
	s8 =	simm.s32 $_tile_overlayer_lowered  }
0x9d: {  	s23 =	simm.s32 $0x1BFF;
	s22 =	sshll.u32 s8, $0x1;
	s5 =	sadd.s32 s6, s20  }
0x9e: {  	s9 =	simm.s32 $0x0;
	s21 =	sshll.u32 s7, $0x1;
	s7 =	sadd.s32 s22, s5  }
0x9f: {  	[timem:s9], [sflag:s23] =	dma.local [hbm:s7], s21  }
0xa0: {  	_ =	swait.ge [sflag:s23], s21  }
0xa1: {  	s6 =	ssub.s32 $0x0, s21;
	[sflag:s23] =	ssyncset.done $0x0  }
0xa2: {  	[sflag:s23] =	ssyncadd.s32 s6;
	_ =	sdelay $0x1  }
0xa3: {  	s24 =	simm.s32 $0x1B8B  }
0xa4: {  	_ =	swait.ge [sflag:s24], $0x1  }
0xa5: {  	[sflag:s24] =	ssyncset.done $0x0  }
0xa6: {  	s25 =	simm.s32 $0x1B8E;
	[sflag:s24] =	ssyncadd.s32 $0xFFFFFFFF  }
0xa7: {  	s26 =	simm.s32 $execute0_lowered;
	[smem:$0x3FD2] =	sst s25  }
0xa8: {  	s6 =	sshll.u32 s26, $0x1;
	_ =	strace $0x80000046;
	[dreg:$0x1] =	wrdreg $0xFFFFFFFF  }
0xa9: {  	s28 =	simm.s32 $_size_execute0_lowered;
	s5 =	sadd.s32 s5, s6;
	[dreg:$0x0] =	wrdreg $0x0  }
0xaa: {  	s6 =	sshll.u32 s28, $0x1;
	[dreg:$0x2] =	wrdreg s5  }
0xab: {  	[dreg:$0x3] =	wrdreg s6  }
0xac: {  	[dreg:$0x4] =	wrdreg $0xC0  }
0xad: {  	_ =	task [dreg:s9], $0x5FFFF  }
0xae: {  	[dreg:$0x1] =	wrdreg $0xFFFFFFFF  }
0xaf: {  	[dreg:$0x0] =	wrdreg $0x60  }
0xb0: {  	[dreg:$0x2] =	wrdreg s2  }
0xb1: {  	[dreg:$0x3] =	wrdreg s19  }
0xb2: {  	[dreg:$0x4] =	wrdreg s4  }
0xb3: {  	[dreg:$0x5] =	wrdreg $0x9  }
0xb4: {  	_ =	task.clear_ibuf [dreg:s9], $0x6FFFF;
	_ =	strace $0x90000046  }
0xb5: {  	s29 =	simm.s32 $0x9;
	_ =	strace $0x80000048  }
0xb6: {  	_ =	swait.ge [sflag:s29], $0x1  }
0xb7: {  	[sflag:s29] =	ssyncadd.s32 $0xFFFFFFFF  }
0xb8: {  	_ =	strace $0x90000048  }
0xb9: {  	_ =	sfence  }
0xba: {  	s30 =	sld [smem:$0x0];
	_ =	sdelay $0x2  }
0xbb: {  	s31 =	sshll.u32 s1, $0xD;
	s1 =	sshrl.u32 s1, $0x2  }
0xbc: {  	s3 =	sand.u32 $0x4000, s31;
	s1 =	sadd.s32 s1, s30  }
0xbd: {  	s0 =	sor.u32 s3, s0;
	s1 =	sshll.u32 s1, $0x11  }
0xbe: {  	s0 =	sor.u32 s1, s0  }
0xbf: {  	s0 =	sadd.s32 $0x8F2B, s0  }
0xc0: {  	[sflag:s0] =	ssyncadd.remote.s32 $0x1  }
0xc1: {  	_ =	sfence.sel $0xFFFF  }
0xc2: {  	[dreg:$0x0] =	wrdreg $0xFFFFFFFF;
	(pc) =	sbr.abs _section_cstart, $3  }
0xc3: {  	[dreg:$0x1] =	wrdreg $0xFFFFFFFF  }
0xc4: {  	_ =	task.clear_ibuf [dreg:s9], $0x2FFFF;
	_ =	strace $0x9FFFFFFF  }
0xc5: {  	(tm) =	ssettm $0x7FFFFFFF  }
tec
execute0_lowered:
.L_overlay_start_1:
0x0: {  	(tag) =	ssettag $0x1  }
0x1: {  	s0 =	rddreg [dreg:$0x0]  }
0x2: {  	s1 =	rddreg [dreg:$0x1]  }
0x3: {  	s2 =	rddreg [dreg:$0x2]  }
0x4: {  	s3 =	srdreg.scid;
	s5 =	stileid.u32  }
0x5: {  	v0 =	vimm.s32 $0x0;
	v3 =	vlaneseq.u32;
	s9 =	simm.s32 $0x400;
	s10 =	simm.s32 $0x7A1400;
	s11 =	simm.s32 $0x200  }
0x6: {  	v1 =	vimm.s32 $0x1;
	v2 =	vimm.s32 $0x2;
	s12 =	simm.s32 $0x2200;
	s13 =	simm.s32 $0x4200;
	s14 =	simm.s32 $0x6200;
	v3 =	vmul.u32 $0x80, v3  }
0x7: {  	v4 =	vimm.s32 $0x3;
	v5 =	vimm.s32 $0x4;
	v6 =	vimm.s32 $0x5;
	s15 =	simm.s32 $0x8200;
	s16 =	simm.s32 $0xA200;
	s17 =	simm.s32 $0xC200  }
0x8: {  	v7 =	vimm.s32 $0x6;
	v8 =	vimm.s32 $0x7;
	s18 =	simm.s32 $0xE200;
	s19 =	simm.s32 $0x1;
	s20 =	simm.s32 $0x2;
	v9 =	vor.u32 $0x800, v3  }
0x9: {  	s21 =	simm.s32 $0x3;
	s22 =	simm.s32 $0x4;
	s23 =	simm.s32 $0x5;
	v10 =	vor.u32 $0x1000, v3;
	v11 =	vor.u32 $0x1800, v3;
	v12 =	vor.u32 $0x2000, v3  }
0xa: {  	s24 =	simm.s32 $0x6;
	s25 =	simm.s32 $0x7;
	s4 =	sand.u32 $0x1, s3;
	v13 =	vor.u32 $0x2800, v3;
	v14 =	vor.u32 $0x3000, v3;
	v15 =	vor.u32 $0x3800, v3  }
0xb: {  	s3 =	simm.s32 $0x0;
	s5 =	sshll.u32 s5, $0xA;
	s6 =	sshll.u32 s4, $0x9;
	v16 =	vor.u32 $0x4000, v3;
	v17 =	vor.u32 $0x4800, v3;
	v18 =	vor.u32 $0x5000, v3  }
0xc: {  	[smem:$0x7FF] =	sst s3;
	s4 =	ssub.s32 $0x2, s4;
	s5 =	sor.u32 s6, s5;
	v19 =	vor.u32 $0x5800, v3;
	v20 =	vor.u32 $0x6000, v3;
	v21 =	vor.u32 $0x6800, v3  }
0xd: {  	_ =	strace $0x80000047;
	v22 =	vor.u32 $0x7000, v3;
	v23 =	vor.u32 $0x7800, v3;
	v24 =	vor.u32 $0x8000, v3;
	s7 =	sshll.u32 s5, $0x3;
	s5 =	sshrl.u32 s5, $0x3  }
.Ltmp0:
0xe: {  	s26 =	sshrl.u32 s4, $0x1;
	v25 =	vor.u32 $0x8800, v3;
	v26 =	vor.u32 $0x9000, v3;
	v27 =	vor.u32 $0x9800, v3;
	s0 =	sadd.s32 s0, s5;
	(pc) =	sbr.rel .LBB2_1-.Ltmp0, $4  }
0xf: {  	v28 =	vor.u32 $0xA000, v3;
	v29 =	vor.u32 $0xA800, v3;
	v30 =	vor.u32 $0xB000, v3;
	s8 =	ssub.s32 s4, s26;
	s2 =	sadd.s32 s2, s7;
	[dreg:$0x5] =	wrdreg s0  }
0x10: {  	s28 =	simm.s32 $0x10200;
	v31 =	vor.u32 $0xB800, v3;
	v32 =	vor.u32 $0xC000, v3;
	v33 =	vor.u32 $0xC800, v3;
	s31 =	smax.u32 s8, $0x1;
	[dreg:$0x4] =	wrdreg s2  }
0x11: {  	s29 =	simm.s32 $0x0;
	v34 =	vor.u32 $0xD000, v3;
	v35 =	vor.u32 $0xD800, v3;
	v36 =	vor.u32 $0xE000, v3;
	s30 =	sadd.s32 $0x800, s2;
	[dreg:$0x7] =	wrdreg s31  }
0x12: {  	v37 =	vor.u32 $0xE800, v3;
	v38 =	vor.u32 $0xF000, v3;
	v39 =	vor.u32 $0xF800, v3;
	s26 =	simm.s32 $0x8;
	s7 =	simm.s32 $0x9;
	[dreg:$0x6] =	wrdreg s30  }
.LBB2_6:
0x13: {  	s0 =	rddreg [dreg:$0x6]  }
0x14: {  	[hbm4b:s0+s3] =	stream.linear.scatter [tilespmem:s28], [sflag:$0x9], $0x4000, $0x38;
	[tilespmem:$0x14200] =	vst v63  }
0x15: {  	_ =	swait.ge [sflag:s7], $0x4000  }
0x16: {  	s29 =	sadd.s32 $0x1, s29;
	s31 =	rddreg [dreg:$0x7]  }
0x17: {  	p0 =	sne.s32 s29, s31  }
.Ltmp1:
0x18: {  	_ = 	snop;
	(pc) =	sbr.rel @!p0 .LBB2_7-.Ltmp1, $3  }
0x19: {  	_ =	sdelay $0x1  }
0x1a: {  	[sflag:s7] =	ssyncset.done $0x0  }
0x1b: {  	[sflag:s7] =	ssyncadd.s32 $0xFFFFC000  }
.LBB2_1:
0x1c: {  	s0 =	rddreg [dreg:$0x5]  }
0x1d: {  	[tilespmem:s3], [sflag:$0x9] =	stream.linear.gather [hbm4b:s0+s3], $0x200, $0x38;
	[tilespmem:$0x14200] =	vst v63  }
0x1e: {  	_ =	swait.ge [sflag:s7], $0x200  }
0x1f: {  	[sflag:s7] =	ssyncset.done $0x0  }
0x20: {  	[sflag:s7] =	ssyncadd.s32 $0xFFFFFE00  }
0x21: {  	v40 =	vld [tilespmem:$0x0];
	_ =	sdelay $0x4  }
0x22: {  	v40 =	vperm.xlane v40, v0;
	_ =	sdelay $0x1  }
0x23: {  	v40 =	vxor.u32 $0x80000000, v40  }
0x24: {  	(xrf0) =	vmax.scan.msk.u32 $0xffff, v40;
	_ =	sdelay $0x5  }
0x25: {  	v40, _, _ =	vpop (xrf0)  }
0x26: {  	(v2sf) =	vpush v40, $0xF;
	_ =	sdelay $0xe  }
0x27: {  	s5 =	spop (v2sf)  }
0x28: {  	s0 =	sand.u32 $0x1FFFFF80, s5  }
0x29: {  	s0 =	sadd.s32 s1, s0  }
0x2a: {  	[tilespmem:s11], [sflag:$0x1] =	stream.strided.gather [hbm4b:s0+s9], $0x2000, s10, s9, $0x38;
	[tilespmem:$0x14200] =	vst v63  }
0x2b: {  	v57 =	vld [tilespmem:$0x0];
	_ =	sdelay $0x4  }
0x2c: {  	v40 =	vperm.xlane v57, v1;
	_ =	sdelay $0x1  }
0x2d: {  	v40 =	vxor.u32 $0x80000000, v40  }
0x2e: {  	(xrf0) =	vmax.scan.msk.u32 $0xffff, v40;
	_ =	sdelay $0x5  }
0x2f: {  	v40, _, _ =	vpop (xrf0)  }
0x30: {  	(v2sf) =	vpush v40, $0xF;
	_ =	sdelay $0xe  }
0x31: {  	s6 =	spop (v2sf)  }
0x32: {  	s0 =	sand.u32 $0x1FFFFF80, s6  }
0x33: {  	s0 =	sadd.s32 s1, s0  }
0x34: {  	[tilespmem:s12], [sflag:$0x2] =	stream.strided.gather [hbm4b:s0+s9], $0x2000, s10, s9, $0x38;
	[tilespmem:$0x14200] =	vst v63  }
0x35: {  	v58 =	vld [tilespmem:$0x0];
	_ =	sdelay $0x4  }
0x36: {  	v40 =	vperm.xlane v58, v2;
	_ =	sdelay $0x1  }
0x37: {  	v40 =	vxor.u32 $0x80000000, v40  }
0x38: {  	(xrf0) =	vmax.scan.msk.u32 $0xffff, v40;
	_ =	sdelay $0x5  }
0x39: {  	v40, _, _ =	vpop (xrf0)  }
0x3a: {  	(v2sf) =	vpush v40, $0xF;
	_ =	sdelay $0xe  }
0x3b: {  	s8 =	spop (v2sf)  }
0x3c: {  	s0 =	sand.u32 $0x1FFFFF80, s8  }
0x3d: {  	s0 =	sadd.s32 s1, s0  }
0x3e: {  	[tilespmem:s13], [sflag:$0x3] =	stream.strided.gather [hbm4b:s0+s9], $0x2000, s10, s9, $0x38;
	[tilespmem:$0x14200] =	vst v63  }
0x3f: {  	v59 =	vld [tilespmem:$0x0];
	_ =	sdelay $0x4  }
0x40: {  	v40 =	vperm.xlane v59, v4;
	_ =	sdelay $0x1  }
0x41: {  	v40 =	vxor.u32 $0x80000000, v40  }
0x42: {  	(xrf0) =	vmax.scan.msk.u32 $0xffff, v40;
	_ =	sdelay $0x5  }
0x43: {  	v40, _, _ =	vpop (xrf0)  }
0x44: {  	(v2sf) =	vpush v40, $0xF;
	_ =	sdelay $0xe  }
0x45: {  	s2 =	spop (v2sf)  }
0x46: {  	s0 =	sand.u32 $0x1FFFFF80, s2  }
0x47: {  	s0 =	sadd.s32 s1, s0  }
0x48: {  	[tilespmem:s14], [sflag:$0x4] =	stream.strided.gather [hbm4b:s0+s9], $0x2000, s10, s9, $0x38;
	[tilespmem:$0x14200] =	vst v63  }
0x49: {  	v60 =	vld [tilespmem:$0x0];
	_ =	sdelay $0x4  }
0x4a: {  	v40 =	vperm.xlane v60, v5;
	_ =	sdelay $0x1  }
0x4b: {  	v40 =	vxor.u32 $0x80000000, v40  }
0x4c: {  	(xrf0) =	vmax.scan.msk.u32 $0xffff, v40;
	_ =	sdelay $0x5  }
0x4d: {  	v40, _, _ =	vpop (xrf0)  }
0x4e: {  	(v2sf) =	vpush v40, $0xF;
	_ =	sdelay $0xe  }
0x4f: {  	s4 =	spop (v2sf)  }
0x50: {  	s0 =	sand.u32 $0x1FFFFF80, s4  }
0x51: {  	s0 =	sadd.s32 s1, s0  }
0x52: {  	[tilespmem:s15], [sflag:$0x5] =	stream.strided.gather [hbm4b:s0+s9], $0x2000, s10, s9, $0x38;
	[tilespmem:$0x14200] =	vst v63  }
0x53: {  	v61 =	vld [tilespmem:$0x0];
	_ =	sdelay $0x4  }
0x54: {  	v40 =	vperm.xlane v61, v6;
	_ =	sdelay $0x1  }
0x55: {  	v40 =	vxor.u32 $0x80000000, v40  }
0x56: {  	(xrf0) =	vmax.scan.msk.u32 $0xffff, v40;
	_ =	sdelay $0x5  }
0x57: {  	v40, _, _ =	vpop (xrf0)  }
0x58: {  	(v2sf) =	vpush v40, $0xF;
	_ =	sdelay $0xe  }
0x59: {  	s5 =	spop (v2sf)  }
0x5a: {  	s0 =	sand.u32 $0x1FFFFF80, s5  }
0x5b: {  	s0 =	sadd.s32 s1, s0  }
0x5c: {  	[tilespmem:s16], [sflag:$0x6] =	stream.strided.gather [hbm4b:s0+s9], $0x2000, s10, s9, $0x38;
	[tilespmem:$0x14200] =	vst v63  }
0x5d: {  	v62 =	vld [tilespmem:$0x0];
	_ =	sdelay $0x4  }
0x5e: {  	v40 =	vperm.xlane v62, v7;
	_ =	sdelay $0x1  }
0x5f: {  	v40 =	vxor.u32 $0x80000000, v40  }
0x60: {  	(xrf0) =	vmax.scan.msk.u32 $0xffff, v40;
	_ =	sdelay $0x5  }
0x61: {  	v40, _, _ =	vpop (xrf0)  }
0x62: {  	(v2sf) =	vpush v40, $0xF;
	_ =	sdelay $0xe  }
0x63: {  	s6 =	spop (v2sf)  }
0x64: {  	s0 =	sand.u32 $0x1FFFFF80, s6  }
0x65: {  	s0 =	sadd.s32 s1, s0  }
0x66: {  	[tilespmem:s17], [sflag:$0x7] =	stream.strided.gather [hbm4b:s0+s9], $0x2000, s10, s9, $0x38;
	[tilespmem:$0x14200] =	vst v63  }
0x67: {  	v63 =	vld [tilespmem:$0x0];
	_ =	sdelay $0x4  }
0x68: {  	v40 =	vperm.xlane v63, v8;
	_ =	sdelay $0x1  }
0x69: {  	v40 =	vxor.u32 $0x80000000, v40  }
0x6a: {  	(xrf0) =	vmax.scan.msk.u32 $0xffff, v40;
	_ =	sdelay $0x5  }
0x6b: {  	v40, _, _ =	vpop (xrf0)  }
0x6c: {  	(v2sf) =	vpush v40, $0xF;
	_ =	sdelay $0xe  }
0x6d: {  	s8 =	spop (v2sf)  }
0x6e: {  	s0 =	sand.u32 $0x1FFFFF80, s8  }
0x6f: {  	s0 =	sadd.s32 s1, s0  }
0x70: {  	[tilespmem:s18], [sflag:$0x8] =	stream.strided.gather [hbm4b:s0+s9], $0x2000, s10, s9, $0x38;
	[tilespmem:$0x14200] =	vst v63  }
0x71: {  	s30 =	simm.s32 $0x1C0;
	s31 =	simm.s32 $0x10300;
	s0 =	simm.s32 $0x0  }
.LBB2_2:
0x72: {  	_ =	swait.ge [sflag:s19], $0x2000  }
0x73: {  	[sflag:s19] =	ssyncset.done $0x0  }
0x74: {  	s5 =	sand.u32 $0xF0, s0;
	[sflag:s19] =	ssyncadd.s32 $0xFFFFE000  }
0x75: {  	v40 =	vld [tilespmem:s5+$0x0];
	_ =	sdelay $0x2  }
0x76: {  	s6 =	sand.u32 $0x8, s0  }
0x77: {  	v41 =	vmov s6  }
0x78: {  	v40 =	vperm.xlane v40, v41;
	_ =	sdelay $0x1  }
0x79: {  	v40 =	vxor.u32 $0x80000000, v40  }
0x7a: {  	(xrf0) =	vmax.scan.msk.u32 $0xffff, v40;
	_ =	sdelay $0x5  }
0x7b: {  	v40, _, _ =	vpop (xrf0)  }
0x7c: {  	(v2sf) =	vpush v40, $0xF;
	_ =	sdelay $0xe  }
0x7d: {  	s2 =	spop (v2sf)  }
0x7e: {  	s2 =	sand.u32 $0x7F, s2  }
0x7f: {  	v50 =	vor.u32 s2, v3;
	_ =	sdelay $0x4  }
0x80: {  	v40 =	vld.idx.msk [tilespmem:v50+s11+$0x0], $0xffff  }
0x81: {  	v51 =	vor.u32 s2, v9;
	_ =	sdelay $0x3  }
0x82: {  	[tilespmem:s31+$0xFFFFFF00] =	vst v40  }
0x83: {  	v40 =	vld.idx.msk [tilespmem:v51+s11+$0x0], $0xffff  }
0x84: {  	v52 =	vor.u32 s2, v10;
	_ =	sdelay $0x3  }
0x85: {  	[tilespmem:s31+$0xFFFFFF10] =	vst v40  }
0x86: {  	v40 =	vld.idx.msk [tilespmem:v52+s11+$0x0], $0xffff  }
0x87: {  	v53 =	vor.u32 s2, v11;
	_ =	sdelay $0x3  }
0x88: {  	[tilespmem:s31+$0xFFFFFF20] =	vst v40  }
0x89: {  	v40 =	vld.idx.msk [tilespmem:v53+s11+$0x0], $0xffff;
	_ =	sdelay $0x3  }
0x8a: {  	s2 =	sadd.s32 $0x8, s0  }
0x8b: {  	s8 =	sand.u32 $0x1F0, s2;
	[tilespmem:s31+$0xFFFFFF30] =	vst v40  }
0x8c: {  	v40 =	vld [tilespmem:s8+$0x0];
	_ =	sdelay $0x2  }
0x8d: {  	s4 =	sand.u32 $0x8, s2  }
0x8e: {  	v54 =	vmov s4  }
0x8f: {  	v40 =	vperm.xlane v40, v54;
	_ =	sdelay $0x1  }
0x90: {  	v40 =	vxor.u32 $0x80000000, v40  }
0x91: {  	(xrf0) =	vmax.scan.msk.u32 $0xffff, v40;
	_ =	sdelay $0x5  }
0x92: {  	v40, _, _ =	vpop (xrf0)  }
0x93: {  	(v2sf) =	vpush v40, $0xF;
	_ =	sdelay $0xe  }
0x94: {  	s4 =	spop (v2sf)  }
0x95: {  	s8 =	sand.u32 $0x1FFFFF80, s4  }
0x96: {  	s8 =	sadd.s32 s1, s8  }
0x97: {  	[tilespmem:s11], [sflag:$0x1] =	stream.strided.gather [hbm4b:s8+s9], $0x2000, s10, s9, $0x38;
	[tilespmem:$0x14200] =	vst v63  }
0x98: {  	_ =	swait.ge [sflag:s20], $0x2000  }
0x99: {  	[sflag:s20] =	ssyncset.done $0x0  }
0x9a: {  	[sflag:s20] =	ssyncadd.s32 $0xFFFFE000  }
0x9b: {  	v55 =	vld [tilespmem:s5+$0x0];
	_ =	sdelay $0x2  }
0x9c: {  	s6 =	sor.u32 $0x1, s6  }
0x9d: {  	v56 =	vmov s6  }
0x9e: {  	v40 =	vperm.xlane v55, v56;
	_ =	sdelay $0x1  }
0x9f: {  	v40 =	vxor.u32 $0x80000000, v40  }
0xa0: {  	(xrf0) =	vmax.scan.msk.u32 $0xffff, v40;
	_ =	sdelay $0x5  }
0xa1: {  	v40, _, _ =	vpop (xrf0)  }
0xa2: {  	(v2sf) =	vpush v40, $0xF;
	_ =	sdelay $0xe  }
0xa3: {  	s8 =	spop (v2sf)  }
0xa4: {  	s6 =	sand.u32 $0x7F, s8  }
0xa5: {  	v57 =	vor.u32 s6, v12;
	_ =	sdelay $0x4  }
0xa6: {  	v40 =	vld.idx.msk [tilespmem:v57+s11+$0x0], $0xffff  }
0xa7: {  	v58 =	vor.u32 s6, v13;
	_ =	sdelay $0x3  }
0xa8: {  	[tilespmem:s31+$0xFFFFFF40] =	vst v40  }
0xa9: {  	v40 =	vld.idx.msk [tilespmem:v58+s11+$0x0], $0xffff  }
0xaa: {  	v59 =	vor.u32 s6, v14;
	_ =	sdelay $0x3  }
0xab: {  	[tilespmem:s31+$0xFFFFFF50] =	vst v40  }
0xac: {  	v40 =	vld.idx.msk [tilespmem:v59+s11+$0x0], $0xffff  }
0xad: {  	v60 =	vor.u32 s6, v15;
	_ =	sdelay $0x3  }
0xae: {  	[tilespmem:s31+$0xFFFFFF60] =	vst v40  }
0xaf: {  	v40 =	vld.idx.msk [tilespmem:v60+s11+$0x0], $0xffff;
	_ =	sdelay $0x3  }
0xb0: {  	s6 =	sadd.s32 $0x9, s0  }
0xb1: {  	s4 =	sand.u32 $0x1F0, s6;
	[tilespmem:s31+$0xFFFFFF70] =	vst v40  }
0xb2: {  	v40 =	vld [tilespmem:s4+$0x0];
	_ =	sdelay $0x2  }
0xb3: {  	s6 =	sand.u32 $0x9, s6  }
0xb4: {  	v61 =	vmov s6  }
0xb5: {  	v40 =	vperm.xlane v40, v61;
	_ =	sdelay $0x1  }
0xb6: {  	v40 =	vxor.u32 $0x80000000, v40  }
0xb7: {  	(xrf0) =	vmax.scan.msk.u32 $0xffff, v40;
	_ =	sdelay $0x5  }
0xb8: {  	v40, _, _ =	vpop (xrf0)  }
0xb9: {  	(v2sf) =	vpush v40, $0xF;
	_ =	sdelay $0xe  }
0xba: {  	s8 =	spop (v2sf)  }
0xbb: {  	s6 =	sand.u32 $0x1FFFFF80, s8  }
0xbc: {  	s6 =	sadd.s32 s1, s6  }
0xbd: {  	[tilespmem:s12], [sflag:$0x2] =	stream.strided.gather [hbm4b:s6+s9], $0x2000, s10, s9, $0x38;
	[tilespmem:$0x14200] =	vst v63  }
0xbe: {  	_ =	swait.ge [sflag:s21], $0x2000  }
0xbf: {  	[sflag:s21] =	ssyncset.done $0x0  }
0xc0: {  	[sflag:s21] =	ssyncadd.s32 $0xFFFFE000  }
0xc1: {  	v62 =	vld [tilespmem:s5+$0x0];
	_ =	sdelay $0x1  }
0xc2: {  	s4 =	sadd.s32 $0x2, s0  }
0xc3: {  	s6 =	sand.u32 $0xA, s4  }
0xc4: {  	v63 =	vmov s6  }
0xc5: {  	v40 =	vperm.xlane v62, v63;
	_ =	sdelay $0x1  }
0xc6: {  	v40 =	vxor.u32 $0x80000000, v40  }
0xc7: {  	(xrf0) =	vmax.scan.msk.u32 $0xffff, v40;
	_ =	sdelay $0x5  }
0xc8: {  	v40, _, _ =	vpop (xrf0)  }
0xc9: {  	(v2sf) =	vpush v40, $0xF;
	_ =	sdelay $0xe  }
0xca: {  	s8 =	spop (v2sf)  }
0xcb: {  	s6 =	sand.u32 $0x7F, s8  }
0xcc: {  	v44 =	vor.u32 s6, v16;
	_ =	sdelay $0x4  }
0xcd: {  	v40 =	vld.idx.msk [tilespmem:v44+s11+$0x0], $0xffff  }
0xce: {  	v45 =	vor.u32 s6, v17;
	_ =	sdelay $0x3  }
0xcf: {  	[tilespmem:s31+$0xFFFFFF80] =	vst v40  }
0xd0: {  	v40 =	vld.idx.msk [tilespmem:v45+s11+$0x0], $0xffff  }
0xd1: {  	v46 =	vor.u32 s6, v18;
	_ =	sdelay $0x3  }
0xd2: {  	[tilespmem:s31+$0xFFFFFF90] =	vst v40  }
0xd3: {  	v40 =	vld.idx.msk [tilespmem:v46+s11+$0x0], $0xffff  }
0xd4: {  	v47 =	vor.u32 s6, v19;
	_ =	sdelay $0x3  }
0xd5: {  	[tilespmem:s31+$0xFFFFFFA0] =	vst v40  }
0xd6: {  	v40 =	vld.idx.msk [tilespmem:v47+s11+$0x0], $0xffff;
	_ =	sdelay $0x3  }
0xd7: {  	s6 =	sadd.s32 $0xA, s0  }
0xd8: {  	s4 =	sand.u32 $0x1F0, s6;
	[tilespmem:s31+$0xFFFFFFB0] =	vst v40  }
0xd9: {  	v40 =	vld [tilespmem:s4+$0x0];
	_ =	sdelay $0x2  }
0xda: {  	s6 =	sand.u32 $0xA, s6  }
0xdb: {  	v48 =	vmov s6  }
0xdc: {  	v40 =	vperm.xlane v40, v48;
	_ =	sdelay $0x1  }
0xdd: {  	v40 =	vxor.u32 $0x80000000, v40  }
0xde: {  	(xrf0) =	vmax.scan.msk.u32 $0xffff, v40;
	_ =	sdelay $0x5  }
0xdf: {  	v40, _, _ =	vpop (xrf0)  }
0xe0: {  	(v2sf) =	vpush v40, $0xF;
	_ =	sdelay $0xe  }
0xe1: {  	s4 =	spop (v2sf)  }
0xe2: {  	s6 =	sand.u32 $0x1FFFFF80, s4  }
0xe3: {  	s6 =	sadd.s32 s1, s6  }
0xe4: {  	[tilespmem:s13], [sflag:$0x3] =	stream.strided.gather [hbm4b:s6+s9], $0x2000, s10, s9, $0x38;
	[tilespmem:$0x14200] =	vst v63  }
0xe5: {  	_ =	swait.ge [sflag:s22], $0x2000  }
0xe6: {  	[sflag:s22] =	ssyncset.done $0x0  }
0xe7: {  	[sflag:s22] =	ssyncadd.s32 $0xFFFFE000  }
0xe8: {  	v49 =	vld [tilespmem:s5+$0x0];
	_ =	sdelay $0x1  }
0xe9: {  	s8 =	sadd.s32 $0x3, s0  }
0xea: {  	s6 =	sand.u32 $0xB, s8  }
0xeb: {  	v50 =	vmov s6  }
0xec: {  	v40 =	vperm.xlane v49, v50;
	_ =	sdelay $0x1  }
0xed: {  	v40 =	vxor.u32 $0x80000000, v40  }
0xee: {  	(xrf0) =	vmax.scan.msk.u32 $0xffff, v40;
	_ =	sdelay $0x5  }
0xef: {  	v40, _, _ =	vpop (xrf0)  }
0xf0: {  	(v2sf) =	vpush v40, $0xF;
	_ =	sdelay $0xe  }
0xf1: {  	s4 =	spop (v2sf)  }
0xf2: {  	s6 =	sand.u32 $0x7F, s4  }
0xf3: {  	v51 =	vor.u32 s6, v20;
	_ =	sdelay $0x4  }
0xf4: {  	v40 =	vld.idx.msk [tilespmem:v51+s11+$0x0], $0xffff  }
0xf5: {  	v52 =	vor.u32 s6, v21;
	_ =	sdelay $0x3  }
0xf6: {  	[tilespmem:s31+$0xFFFFFFC0] =	vst v40  }
0xf7: {  	v40 =	vld.idx.msk [tilespmem:v52+s11+$0x0], $0xffff  }
0xf8: {  	v53 =	vor.u32 s6, v22;
	_ =	sdelay $0x1  }
0xf9: {  	s8 =	sadd.s32 $0xFFFFFF00, s30  }
0xfa: {  	s4 =	sor.u32 $0x50, s8  }
0xfb: {  	[tilespmem:s4+$0x10200] =	vst v40  }
0xfc: {  	v40 =	vld.idx.msk [tilespmem:v53+s11+$0x0], $0xffff  }
0xfd: {  	v54 =	vor.u32 s6, v23;
	_ =	sdelay $0x2  }
0xfe: {  	s6 =	sor.u32 $0x60, s8  }
0xff: {  	[tilespmem:s6+$0x10200] =	vst v40  }
0x100: {  	v40 =	vld.idx.msk [tilespmem:v54+s11+$0x0], $0xffff;
	_ =	sdelay $0x3  }
0x101: {  	s8 =	sor.u32 $0x70, s8;
	s6 =	sadd.s32 $0xB, s0  }
0x102: {  	[tilespmem:s8+$0x10200] =	vst v40;
	s8 =	sand.u32 $0x1F0, s6  }
0x103: {  	v40 =	vld [tilespmem:s8+$0x0];
	_ =	sdelay $0x2  }
0x104: {  	s8 =	sand.u32 $0xB, s6  }
0x105: {  	v55 =	vmov s8  }
0x106: {  	v40 =	vperm.xlane v40, v55;
	_ =	sdelay $0x1  }
0x107: {  	v40 =	vxor.u32 $0x80000000, v40  }
0x108: {  	(xrf0) =	vmax.scan.msk.u32 $0xffff, v40;
	_ =	sdelay $0x5  }
0x109: {  	v40, _, _ =	vpop (xrf0)  }
0x10a: {  	(v2sf) =	vpush v40, $0xF;
	_ =	sdelay $0xe  }
0x10b: {  	s6 =	spop (v2sf)  }
0x10c: {  	s4 =	sand.u32 $0x1FFFFF80, s6  }
0x10d: {  	s4 =	sadd.s32 s1, s4  }
0x10e: {  	[tilespmem:s14], [sflag:$0x4] =	stream.strided.gather [hbm4b:s4+s9], $0x2000, s10, s9, $0x38;
	[tilespmem:$0x14200] =	vst v63  }
0x10f: {  	_ =	swait.ge [sflag:s23], $0x2000  }
0x110: {  	[sflag:s23] =	ssyncset.done $0x0  }
0x111: {  	[sflag:s23] =	ssyncadd.s32 $0xFFFFE000  }
0x112: {  	v56 =	vld [tilespmem:s5+$0x0];
	_ =	sdelay $0x1  }
0x113: {  	s8 =	sadd.s32 $0x4, s0  }
0x114: {  	s4 =	sand.u32 $0xC, s8  }
0x115: {  	v57 =	vmov s4  }
0x116: {  	v40 =	vperm.xlane v56, v57;
	_ =	sdelay $0x1  }
0x117: {  	v40 =	vxor.u32 $0x80000000, v40  }
0x118: {  	(xrf0) =	vmax.scan.msk.u32 $0xffff, v40;
	_ =	sdelay $0x5  }
0x119: {  	v40, _, _ =	vpop (xrf0)  }
0x11a: {  	(v2sf) =	vpush v40, $0xF;
	_ =	sdelay $0xe  }
0x11b: {  	s6 =	spop (v2sf)  }
0x11c: {  	s4 =	sand.u32 $0x7F, s6  }
0x11d: {  	v58 =	vor.u32 s4, v24;
	_ =	sdelay $0x4  }
0x11e: {  	v40 =	vld.idx.msk [tilespmem:v58+s11+$0x0], $0xffff  }
0x11f: {  	v59 =	vor.u32 s4, v25;
	_ =	sdelay $0x3  }
0x120: {  	[tilespmem:s31+$0x0] =	vst v40  }
0x121: {  	v40 =	vld.idx.msk [tilespmem:v59+s11+$0x0], $0xffff  }
0x122: {  	v60 =	vor.u32 s4, v26;
	_ =	sdelay $0x3  }
0x123: {  	[tilespmem:s31+$0x10] =	vst v40  }
0x124: {  	v40 =	vld.idx.msk [tilespmem:v60+s11+$0x0], $0xffff  }
0x125: {  	v61 =	vor.u32 s4, v27;
	_ =	sdelay $0x3  }
0x126: {  	[tilespmem:s31+$0x20] =	vst v40  }
0x127: {  	v40 =	vld.idx.msk [tilespmem:v61+s11+$0x0], $0xffff;
	_ =	sdelay $0x3  }
0x128: {  	s4 =	sadd.s32 $0xC, s0  }
0x129: {  	s8 =	sand.u32 $0x1F0, s4;
	[tilespmem:s31+$0x30] =	vst v40  }
0x12a: {  	v40 =	vld [tilespmem:s8+$0x0];
	_ =	sdelay $0x2  }
0x12b: {  	s4 =	sand.u32 $0xC, s4  }
0x12c: {  	v62 =	vmov s4  }
0x12d: {  	v40 =	vperm.xlane v40, v62;
	_ =	sdelay $0x1  }
0x12e: {  	v40 =	vxor.u32 $0x80000000, v40  }
0x12f: {  	(xrf0) =	vmax.scan.msk.u32 $0xffff, v40;
	_ =	sdelay $0x5  }
0x130: {  	v40, _, _ =	vpop (xrf0)  }
0x131: {  	(v2sf) =	vpush v40, $0xF;
	_ =	sdelay $0xe  }
0x132: {  	s6 =	spop (v2sf)  }
0x133: {  	s4 =	sand.u32 $0x1FFFFF80, s6  }
0x134: {  	s4 =	sadd.s32 s1, s4  }
0x135: {  	[tilespmem:s15], [sflag:$0x5] =	stream.strided.gather [hbm4b:s4+s9], $0x2000, s10, s9, $0x38;
	[tilespmem:$0x14200] =	vst v63  }
0x136: {  	_ =	swait.ge [sflag:s24], $0x2000  }
0x137: {  	[sflag:s24] =	ssyncset.done $0x0  }
0x138: {  	[sflag:s24] =	ssyncadd.s32 $0xFFFFE000  }
0x139: {  	v63 =	vld [tilespmem:s5+$0x0];
	_ =	sdelay $0x1  }
0x13a: {  	s8 =	sadd.s32 $0x5, s0  }
0x13b: {  	s4 =	sand.u32 $0xD, s8  }
0x13c: {  	v44 =	vmov s4  }
0x13d: {  	v40 =	vperm.xlane v63, v44;
	_ =	sdelay $0x1  }
0x13e: {  	v40 =	vxor.u32 $0x80000000, v40  }
0x13f: {  	(xrf0) =	vmax.scan.msk.u32 $0xffff, v40;
	_ =	sdelay $0x5  }
0x140: {  	v40, _, _ =	vpop (xrf0)  }
0x141: {  	(v2sf) =	vpush v40, $0xF;
	_ =	sdelay $0xe  }
0x142: {  	s6 =	spop (v2sf)  }
0x143: {  	s4 =	sand.u32 $0x7F, s6  }
0x144: {  	v45 =	vor.u32 s4, v28;
	_ =	sdelay $0x4  }
0x145: {  	v40 =	vld.idx.msk [tilespmem:v45+s11+$0x0], $0xffff  }
0x146: {  	v46 =	vor.u32 s4, v29;
	_ =	sdelay $0x3  }
0x147: {  	[tilespmem:s31+$0x40] =	vst v40  }
0x148: {  	v40 =	vld.idx.msk [tilespmem:v46+s11+$0x0], $0xffff  }
0x149: {  	v47 =	vor.u32 s4, v30;
	_ =	sdelay $0x1  }
0x14a: {  	s6 =	sadd.s32 $0xFFFFFF80, s30  }
0x14b: {  	s8 =	sor.u32 $0x50, s6  }
0x14c: {  	[tilespmem:s8+$0x10200] =	vst v40  }
0x14d: {  	v40 =	vld.idx.msk [tilespmem:v47+s11+$0x0], $0xffff  }
0x14e: {  	v48 =	vor.u32 s4, v31;
	_ =	sdelay $0x2  }
0x14f: {  	s8 =	sor.u32 $0x60, s6  }
0x150: {  	[tilespmem:s8+$0x10200] =	vst v40  }
0x151: {  	v40 =	vld.idx.msk [tilespmem:v48+s11+$0x0], $0xffff;
	_ =	sdelay $0x3  }
0x152: {  	s8 =	sor.u32 $0x70, s6;
	s6 =	sadd.s32 $0xD, s0  }
0x153: {  	[tilespmem:s8+$0x10200] =	vst v40;
	s8 =	sand.u32 $0x1F0, s6  }
0x154: {  	v40 =	vld [tilespmem:s8+$0x0];
	_ =	sdelay $0x2  }
0x155: {  	s8 =	sand.u32 $0xD, s6  }
0x156: {  	v49 =	vmov s8  }
0x157: {  	v40 =	vperm.xlane v40, v49;
	_ =	sdelay $0x1  }
0x158: {  	v40 =	vxor.u32 $0x80000000, v40  }
0x159: {  	(xrf0) =	vmax.scan.msk.u32 $0xffff, v40;
	_ =	sdelay $0x5  }
0x15a: {  	v40, _, _ =	vpop (xrf0)  }
0x15b: {  	(v2sf) =	vpush v40, $0xF;
	_ =	sdelay $0xe  }
0x15c: {  	s6 =	spop (v2sf)  }
0x15d: {  	s4 =	sand.u32 $0x1FFFFF80, s6  }
0x15e: {  	s4 =	sadd.s32 s1, s4  }
0x15f: {  	[tilespmem:s16], [sflag:$0x6] =	stream.strided.gather [hbm4b:s4+s9], $0x2000, s10, s9, $0x38;
	[tilespmem:$0x14200] =	vst v63  }
0x160: {  	_ =	swait.ge [sflag:s25], $0x2000  }
0x161: {  	[sflag:s25] =	ssyncset.done $0x0  }
0x162: {  	[sflag:s25] =	ssyncadd.s32 $0xFFFFE000  }
0x163: {  	v50 =	vld [tilespmem:s5+$0x0];
	_ =	sdelay $0x1  }
0x164: {  	s8 =	sadd.s32 $0x6, s0  }
0x165: {  	s4 =	sand.u32 $0xE, s8  }
0x166: {  	v51 =	vmov s4  }
0x167: {  	v40 =	vperm.xlane v50, v51;
	_ =	sdelay $0x1  }
0x168: {  	v40 =	vxor.u32 $0x80000000, v40  }
0x169: {  	(xrf0) =	vmax.scan.msk.u32 $0xffff, v40;
	_ =	sdelay $0x5  }
0x16a: {  	v40, _, _ =	vpop (xrf0)  }
0x16b: {  	(v2sf) =	vpush v40, $0xF;
	_ =	sdelay $0xe  }
0x16c: {  	s6 =	spop (v2sf)  }
0x16d: {  	s4 =	sand.u32 $0x7F, s6  }
0x16e: {  	v52 =	vor.u32 s4, v32;
	_ =	sdelay $0x4  }
0x16f: {  	v40 =	vld.idx.msk [tilespmem:v52+s11+$0x0], $0xffff  }
0x170: {  	v53 =	vor.u32 s4, v33;
	_ =	sdelay $0x3  }
0x171: {  	[tilespmem:s31+$0x80] =	vst v40  }
0x172: {  	v40 =	vld.idx.msk [tilespmem:v53+s11+$0x0], $0xffff  }
0x173: {  	v54 =	vor.u32 s4, v34;
	_ =	sdelay $0x3  }
0x174: {  	[tilespmem:s31+$0x90] =	vst v40  }
0x175: {  	v40 =	vld.idx.msk [tilespmem:v54+s11+$0x0], $0xffff  }
0x176: {  	v55 =	vor.u32 s4, v35;
	_ =	sdelay $0x3  }
0x177: {  	[tilespmem:s31+$0xA0] =	vst v40  }
0x178: {  	v40 =	vld.idx.msk [tilespmem:v55+s11+$0x0], $0xffff;
	_ =	sdelay $0x3  }
0x179: {  	s4 =	sadd.s32 $0xE, s0  }
0x17a: {  	s8 =	sand.u32 $0x1F0, s4;
	[tilespmem:s31+$0xB0] =	vst v40  }
0x17b: {  	v40 =	vld [tilespmem:s8+$0x0];
	_ =	sdelay $0x2  }
0x17c: {  	s4 =	sand.u32 $0xE, s4  }
0x17d: {  	v56 =	vmov s4  }
0x17e: {  	v40 =	vperm.xlane v40, v56;
	_ =	sdelay $0x1  }
0x17f: {  	v40 =	vxor.u32 $0x80000000, v40  }
0x180: {  	(xrf0) =	vmax.scan.msk.u32 $0xffff, v40;
	_ =	sdelay $0x5  }
0x181: {  	v40, _, _ =	vpop (xrf0)  }
0x182: {  	(v2sf) =	vpush v40, $0xF;
	_ =	sdelay $0xe  }
0x183: {  	s8 =	spop (v2sf)  }
0x184: {  	s4 =	sand.u32 $0x1FFFFF80, s8  }
0x185: {  	s4 =	sadd.s32 s1, s4  }
0x186: {  	[tilespmem:s17], [sflag:$0x7] =	stream.strided.gather [hbm4b:s4+s9], $0x2000, s10, s9, $0x38;
	[tilespmem:$0x14200] =	vst v63  }
0x187: {  	_ =	swait.ge [sflag:s26], $0x2000  }
0x188: {  	[sflag:s26] =	ssyncset.done $0x0  }
0x189: {  	[sflag:s26] =	ssyncadd.s32 $0xFFFFE000  }
0x18a: {  	v57 =	vld [tilespmem:s5+$0x0];
	_ =	sdelay $0x2  }
0x18b: {  	s5 =	sadd.s32 $0x7, s0  }
0x18c: {  	v58 =	vmov s5  }
0x18d: {  	v40 =	vperm.xlane v57, v58;
	_ =	sdelay $0x1  }
0x18e: {  	v40 =	vxor.u32 $0x80000000, v40  }
0x18f: {  	(xrf0) =	vmax.scan.msk.u32 $0xffff, v40;
	_ =	sdelay $0x5  }
0x190: {  	v40, _, _ =	vpop (xrf0)  }
0x191: {  	(v2sf) =	vpush v40, $0xF;
	_ =	sdelay $0xe  }
0x192: {  	s6 =	spop (v2sf)  }
0x193: {  	s4 =	sand.u32 $0x7F, s6  }
0x194: {  	v59 =	vor.u32 s4, v36;
	_ =	sdelay $0x4  }
0x195: {  	v40 =	vld.idx.msk [tilespmem:v59+s11+$0x0], $0xffff  }
0x196: {  	v60 =	vor.u32 s4, v37;
	_ =	sdelay $0x3  }
0x197: {  	[tilespmem:s31+$0xC0] =	vst v40  }
0x198: {  	v40 =	vld.idx.msk [tilespmem:v60+s11+$0x0], $0xffff  }
0x199: {  	v61 =	vor.u32 s4, v38;
	_ =	sdelay $0x2  }
0x19a: {  	s8 =	sor.u32 $0x50, s30  }
0x19b: {  	[tilespmem:s8+$0x10200] =	vst v40  }
0x19c: {  	v40 =	vld.idx.msk [tilespmem:v61+s11+$0x0], $0xffff  }
0x19d: {  	v62 =	vor.u32 s4, v39;
	_ =	sdelay $0x2  }
0x19e: {  	s5 =	sor.u32 $0x60, s30  }
0x19f: {  	[tilespmem:s5+$0x10200] =	vst v40  }
0x1a0: {  	v40 =	vld.idx.msk [tilespmem:v62+s11+$0x0], $0xffff;
	_ =	sdelay $0x3  }
0x1a1: {  	s6 =	sor.u32 $0x70, s30;
	s8 =	sadd.s32 $0xF, s0  }
0x1a2: {  	[tilespmem:s6+$0x10200] =	vst v40;
	s6 =	sand.u32 $0x1F0, s8  }
0x1a3: {  	v40 =	vld [tilespmem:s6+$0x0];
	_ =	sdelay $0x3  }
0x1a4: {  	v63 =	vmov s8  }
0x1a5: {  	v40 =	vperm.xlane v40, v63;
	_ =	sdelay $0x1  }
0x1a6: {  	v40 =	vxor.u32 $0x80000000, v40  }
0x1a7: {  	(xrf0) =	vmax.scan.msk.u32 $0xffff, v40;
	_ =	sdelay $0x5  }
0x1a8: {  	v40, _, _ =	vpop (xrf0)  }
0x1a9: {  	(v2sf) =	vpush v40, $0xF;
	_ =	sdelay $0xc  }
0x1aa: {  	p0 =	sne.s32 s0, $0xF8  }
.Ltmp2:
0x1ab: {  	_ = 	snop;
	(pc) =	sbr.rel @p0 .LBB2_2-.Ltmp2, $4  }
0x1ac: {  	s8 =	spop (v2sf)  }
0x1ad: {  	s30 =	sadd.s32 $0x200, s30;
	s4 =	sand.u32 $0x1FFFFF80, s8  }
0x1ae: {  	s31 =	sadd.s32 $0x200, s31;
	s0 =	smov.u32 s2;
	s4 =	sadd.s32 s1, s4  }
0x1af: {  	[tilespmem:s18], [sflag:$0x8] =	stream.strided.gather [hbm4b:s4+s9], $0x2000, s10, s9, $0x38;
	[tilespmem:$0x14200] =	vst v63  }
0x1b0: {  	s0 =	rddreg [dreg:$0x4]  }
0x1b1: {  	[hbm4b:s0+s3] =	stream.linear.scatter [tilespmem:s28], [sflag:$0x9], $0x4000, $0x38;
	[tilespmem:$0x14200] =	vst v63  }
0x1b2: {  	_ =	swait.ge [sflag:s7], $0x4000  }
0x1b3: {  	[sflag:s7] =	ssyncset.done $0x0  }
0x1b4: {  	s30 =	simm.s32 $0x100;
	s31 =	simm.s32 $0x10300;
	[sflag:s7] =	ssyncadd.s32 $0xFFFFC000  }
.LBB2_4:
0x1b5: {  	s0 =	sadd.s32 $0xFFFFFF00, s30;
	_ =	swait.ge [sflag:s19], $0x2000  }
0x1b6: {  	s2 =	sand.u32 $0x180, s30;
	[sflag:s19] =	ssyncset.done $0x0;
	s4 =	sand.u32 $0x70, s0  }
0x1b7: {  	[sflag:s19] =	ssyncadd.s32 $0xFFFFE000;
	s2 =	sor.u32 s4, s2  }
0x1b8: {  	v40 =	vld [tilespmem:s2+$0x0];
	_ =	sdelay $0x2  }
0x1b9: {  	s0 =	sand.u32 $0x8, s0  }
0x1ba: {  	v41 =	vmov s0  }
0x1bb: {  	v40 =	vperm.xlane v40, v41;
	_ =	sdelay $0x1  }
0x1bc: {  	v40 =	vxor.u32 $0x80000000, v40  }
0x1bd: {  	(xrf0) =	vmax.scan.msk.u32 $0xffff, v40;
	_ =	sdelay $0x5  }
0x1be: {  	v40, _, _ =	vpop (xrf0)  }
0x1bf: {  	(v2sf) =	vpush v40, $0xF;
	_ =	sdelay $0xe  }
0x1c0: {  	s5 =	spop (v2sf)  }
0x1c1: {  	s0 =	sand.u32 $0x7F, s5  }
0x1c2: {  	v58 =	vor.u32 s0, v3;
	_ =	sdelay $0x4  }
0x1c3: {  	v40 =	vld.idx.msk [tilespmem:v58+s11+$0x0], $0xffff  }
0x1c4: {  	v59 =	vor.u32 s0, v9;
	_ =	sdelay $0x3  }
0x1c5: {  	[tilespmem:s31+$0xFFFFFF00] =	vst v40  }
0x1c6: {  	v40 =	vld.idx.msk [tilespmem:v59+s11+$0x0], $0xffff  }
0x1c7: {  	v60 =	vor.u32 s0, v10;
	_ =	sdelay $0x3  }
0x1c8: {  	[tilespmem:s31+$0xFFFFFF10] =	vst v40  }
0x1c9: {  	v40 =	vld.idx.msk [tilespmem:v60+s11+$0x0], $0xffff  }
0x1ca: {  	v61 =	vor.u32 s0, v11;
	_ =	sdelay $0x3  }
0x1cb: {  	[tilespmem:s31+$0xFFFFFF20] =	vst v40  }
0x1cc: {  	v40 =	vld.idx.msk [tilespmem:v61+s11+$0x0], $0xffff;
	_ =	sdelay $0x2  }
0x1cd: {  	p0 =	seq.s32 s30, $0x1F8  }
0x1ce: {  	s0 =	sadd.s32 @!p0 $0x8, s30  }
0x1cf: {  	s2 =	sand.u32 @!p0 $0x3F0, s0;
	[tilespmem:s31+$0xFFFFFF30] =	vst v40  }
0x1d0: {  	v40 =	vld @!p0 [tilespmem:s2+$0x0];
	_ =	sdelay $0x2  }
0x1d1: {  	s0 =	sand.u32 @!p0 $0x8, s0  }
0x1d2: {  	v41 =	vmov @!p0 s0  }
0x1d3: {  	v40 =	vperm.xlane @!p0 v40, v41;
	_ =	sdelay $0x1  }
0x1d4: {  	v40 =	vxor.u32 @!p0 $0x80000000, v40  }
0x1d5: {  	(xrf0) =	vmax.scan.msk.u32 @!p0 $0xffff, v40;
	_ =	sdelay $0x5  }
0x1d6: {  	v40, _, _ =	vpop @!p0 (xrf0)  }
0x1d7: {  	(v2sf) =	vpush @!p0 v40, $0xF;
	_ =	sdelay $0xe  }
0x1d8: {  	s0 =	spop @!p0 (v2sf)  }
0x1d9: {  	s5 =	simm.s32 @!p0 $0x200;
	s0 =	sand.u32 @!p0 $0x1FFFFF80, s0  }
0x1da: {  	s2 =	simm.s32 @!p0 $0x7A1400;
	s4 =	sadd.s32 @!p0 s1, s0;
	s0 =	simm.s32 @!p0 $0x400  }
0x1db: {  	[tilespmem:s5], [sflag:$0x1] =	stream.strided.gather @!p0 [hbm4b:s4+s0], $0x2000, s2, s0, $0x38;
	[tilespmem:$0x14200] =	vst v63  }
0x1dc: {  	_ =	swait.ge [sflag:s20], $0x2000  }
0x1dd: {  	s6 =	sadd.s32 $0x1, s30;
	[sflag:s20] =	ssyncset.done $0x0  }
0x1de: {  	s8 =	sand.u32 $0x1F0, s6;
	[sflag:s20] =	ssyncadd.s32 $0xFFFFE000  }
0x1df: {  	v62 =	vld [tilespmem:s8+$0x0];
	_ =	sdelay $0x2  }
0x1e0: {  	s4 =	sand.u32 $0x9, s6  }
0x1e1: {  	v63 =	vmov s4  }
0x1e2: {  	v40 =	vperm.xlane v62, v63;
	_ =	sdelay $0x1  }
0x1e3: {  	v40 =	vxor.u32 $0x80000000, v40  }
0x1e4: {  	(xrf0) =	vmax.scan.msk.u32 $0xffff, v40;
	_ =	sdelay $0x5  }
0x1e5: {  	v40, _, _ =	vpop (xrf0)  }
0x1e6: {  	(v2sf) =	vpush v40, $0xF;
	_ =	sdelay $0xe  }
0x1e7: {  	s5 =	spop (v2sf)  }
0x1e8: {  	s4 =	sand.u32 $0x7F, s5  }
0x1e9: {  	v44 =	vor.u32 s4, v12;
	_ =	sdelay $0x4  }
0x1ea: {  	v40 =	vld.idx.msk [tilespmem:v44+s11+$0x0], $0xffff  }
0x1eb: {  	v45 =	vor.u32 s4, v13;
	_ =	sdelay $0x3  }
0x1ec: {  	[tilespmem:s31+$0xFFFFFF40] =	vst v40  }
0x1ed: {  	v40 =	vld.idx.msk [tilespmem:v45+s11+$0x0], $0xffff  }
0x1ee: {  	v46 =	vor.u32 s4, v14;
	_ =	sdelay $0x3  }
0x1ef: {  	[tilespmem:s31+$0xFFFFFF50] =	vst v40  }
0x1f0: {  	v40 =	vld.idx.msk [tilespmem:v46+s11+$0x0], $0xffff  }
0x1f1: {  	v47 =	vor.u32 s4, v15;
	_ =	sdelay $0x3  }
0x1f2: {  	[tilespmem:s31+$0xFFFFFF60] =	vst v40  }
0x1f3: {  	v40 =	vld.idx.msk [tilespmem:v47+s11+$0x0], $0xffff;
	_ =	sdelay $0x3  }
0x1f4: {  	s4 =	sadd.s32 @!p0 $0x9, s30  }
0x1f5: {  	s5 =	sand.u32 @!p0 $0x3F0, s4;
	[tilespmem:s31+$0xFFFFFF70] =	vst v40  }
0x1f6: {  	v40 =	vld @!p0 [tilespmem:s5+$0x0];
	_ =	sdelay $0x2  }
0x1f7: {  	s4 =	sand.u32 @!p0 $0x9, s4  }
0x1f8: {  	v41 =	vmov @!p0 s4  }
0x1f9: {  	v40 =	vperm.xlane @!p0 v40, v41;
	_ =	sdelay $0x1  }
0x1fa: {  	v40 =	vxor.u32 @!p0 $0x80000000, v40  }
0x1fb: {  	(xrf0) =	vmax.scan.msk.u32 @!p0 $0xffff, v40;
	_ =	sdelay $0x5  }
0x1fc: {  	v40, _, _ =	vpop @!p0 (xrf0)  }
0x1fd: {  	(v2sf) =	vpush @!p0 v40, $0xF;
	_ =	sdelay $0xe  }
0x1fe: {  	s4 =	spop @!p0 (v2sf)  }
0x1ff: {  	s4 =	sand.u32 @!p0 $0x1FFFFF80, s4  }
0x200: {  	s5 =	simm.s32 @!p0 $0x2200;
	s4 =	sadd.s32 @!p0 s1, s4  }
0x201: {  	[tilespmem:s5], [sflag:$0x2] =	stream.strided.gather @!p0 [hbm4b:s4+s0], $0x2000, s2, s0, $0x38;
	[tilespmem:$0x14200] =	vst v63  }
0x202: {  	_ =	swait.ge [sflag:s21], $0x2000  }
0x203: {  	s6 =	sadd.s32 $0x2, s30;
	[sflag:s21] =	ssyncset.done $0x0  }
0x204: {  	s8 =	sand.u32 $0x1F0, s6;
	[sflag:s21] =	ssyncadd.s32 $0xFFFFE000  }
0x205: {  	v48 =	vld [tilespmem:s8+$0x0];
	_ =	sdelay $0x2  }
0x206: {  	s4 =	sand.u32 $0xA, s6  }
0x207: {  	v49 =	vmov s4  }
0x208: {  	v40 =	vperm.xlane v48, v49;
	_ =	sdelay $0x1  }
0x209: {  	v40 =	vxor.u32 $0x80000000, v40  }
0x20a: {  	(xrf0) =	vmax.scan.msk.u32 $0xffff, v40;
	_ =	sdelay $0x5  }
0x20b: {  	v40, _, _ =	vpop (xrf0)  }
0x20c: {  	(v2sf) =	vpush v40, $0xF;
	_ =	sdelay $0xe  }
0x20d: {  	s5 =	spop (v2sf)  }
0x20e: {  	s4 =	sand.u32 $0x7F, s5  }
0x20f: {  	v50 =	vor.u32 s4, v16;
	_ =	sdelay $0x4  }
0x210: {  	v40 =	vld.idx.msk [tilespmem:v50+s11+$0x0], $0xffff  }
0x211: {  	v51 =	vor.u32 s4, v17;
	_ =	sdelay $0x3  }
0x212: {  	[tilespmem:s31+$0xFFFFFF80] =	vst v40  }
0x213: {  	v40 =	vld.idx.msk [tilespmem:v51+s11+$0x0], $0xffff  }
0x214: {  	v52 =	vor.u32 s4, v18;
	_ =	sdelay $0x3  }
0x215: {  	[tilespmem:s31+$0xFFFFFF90] =	vst v40  }
0x216: {  	v40 =	vld.idx.msk [tilespmem:v52+s11+$0x0], $0xffff  }
0x217: {  	v53 =	vor.u32 s4, v19;
	_ =	sdelay $0x3  }
0x218: {  	[tilespmem:s31+$0xFFFFFFA0] =	vst v40  }
0x219: {  	v40 =	vld.idx.msk [tilespmem:v53+s11+$0x0], $0xffff;
	_ =	sdelay $0x3  }
0x21a: {  	s4 =	sadd.s32 @!p0 $0xA, s30  }
0x21b: {  	s5 =	sand.u32 @!p0 $0x3F0, s4;
	[tilespmem:s31+$0xFFFFFFB0] =	vst v40  }
0x21c: {  	v40 =	vld @!p0 [tilespmem:s5+$0x0];
	_ =	sdelay $0x2  }
0x21d: {  	s4 =	sand.u32 @!p0 $0xA, s4  }
0x21e: {  	v41 =	vmov @!p0 s4  }
0x21f: {  	v40 =	vperm.xlane @!p0 v40, v41;
	_ =	sdelay $0x1  }
0x220: {  	v40 =	vxor.u32 @!p0 $0x80000000, v40  }
0x221: {  	(xrf0) =	vmax.scan.msk.u32 @!p0 $0xffff, v40;
	_ =	sdelay $0x5  }
0x222: {  	v40, _, _ =	vpop @!p0 (xrf0)  }
0x223: {  	(v2sf) =	vpush @!p0 v40, $0xF;
	_ =	sdelay $0xe  }
0x224: {  	s4 =	spop @!p0 (v2sf)  }
0x225: {  	s4 =	sand.u32 @!p0 $0x1FFFFF80, s4  }
0x226: {  	s5 =	simm.s32 @!p0 $0x4200;
	s4 =	sadd.s32 @!p0 s1, s4  }
0x227: {  	[tilespmem:s5], [sflag:$0x3] =	stream.strided.gather @!p0 [hbm4b:s4+s0], $0x2000, s2, s0, $0x38;
	[tilespmem:$0x14200] =	vst v63  }
0x228: {  	_ =	swait.ge [sflag:s22], $0x2000  }
0x229: {  	s6 =	sadd.s32 $0x3, s30;
	[sflag:s22] =	ssyncset.done $0x0  }
0x22a: {  	s8 =	sand.u32 $0x1F0, s6;
	[sflag:s22] =	ssyncadd.s32 $0xFFFFE000  }
0x22b: {  	v54 =	vld [tilespmem:s8+$0x0];
	_ =	sdelay $0x2  }
0x22c: {  	s4 =	sand.u32 $0xB, s6  }
0x22d: {  	v55 =	vmov s4  }
0x22e: {  	v40 =	vperm.xlane v54, v55;
	_ =	sdelay $0x1  }
0x22f: {  	v40 =	vxor.u32 $0x80000000, v40  }
0x230: {  	(xrf0) =	vmax.scan.msk.u32 $0xffff, v40;
	_ =	sdelay $0x5  }
0x231: {  	v40, _, _ =	vpop (xrf0)  }
0x232: {  	(v2sf) =	vpush v40, $0xF;
	_ =	sdelay $0xe  }
0x233: {  	s5 =	spop (v2sf)  }
0x234: {  	s4 =	sand.u32 $0x7F, s5  }
0x235: {  	v56 =	vor.u32 s4, v20;
	_ =	sdelay $0x4  }
0x236: {  	v40 =	vld.idx.msk [tilespmem:v56+s11+$0x0], $0xffff  }
0x237: {  	v57 =	vor.u32 s4, v21;
	_ =	sdelay $0x3  }
0x238: {  	[tilespmem:s31+$0xFFFFFFC0] =	vst v40  }
0x239: {  	v40 =	vld.idx.msk [tilespmem:v57+s11+$0x0], $0xffff  }
0x23a: {  	v58 =	vor.u32 s4, v22;
	_ =	sdelay $0x3  }
0x23b: {  	[tilespmem:s31+$0xFFFFFFD0] =	vst v40  }
0x23c: {  	v40 =	vld.idx.msk [tilespmem:v58+s11+$0x0], $0xffff  }
0x23d: {  	v59 =	vor.u32 s4, v23;
	_ =	sdelay $0x3  }
0x23e: {  	[tilespmem:s31+$0xFFFFFFE0] =	vst v40  }
0x23f: {  	v40 =	vld.idx.msk [tilespmem:v59+s11+$0x0], $0xffff;
	_ =	sdelay $0x3  }
0x240: {  	s4 =	sadd.s32 @!p0 $0xB, s30  }
0x241: {  	s5 =	sand.u32 @!p0 $0x3F0, s4;
	[tilespmem:s31+$0xFFFFFFF0] =	vst v40  }
0x242: {  	v40 =	vld @!p0 [tilespmem:s5+$0x0];
	_ =	sdelay $0x2  }
0x243: {  	s4 =	sand.u32 @!p0 $0xB, s4  }
0x244: {  	v41 =	vmov @!p0 s4  }
0x245: {  	v40 =	vperm.xlane @!p0 v40, v41;
	_ =	sdelay $0x1  }
0x246: {  	v40 =	vxor.u32 @!p0 $0x80000000, v40  }
0x247: {  	(xrf0) =	vmax.scan.msk.u32 @!p0 $0xffff, v40;
	_ =	sdelay $0x5  }
0x248: {  	v40, _, _ =	vpop @!p0 (xrf0)  }
0x249: {  	(v2sf) =	vpush @!p0 v40, $0xF;
	_ =	sdelay $0xe  }
0x24a: {  	s4 =	spop @!p0 (v2sf)  }
0x24b: {  	s4 =	sand.u32 @!p0 $0x1FFFFF80, s4  }
0x24c: {  	s5 =	simm.s32 @!p0 $0x6200;
	s4 =	sadd.s32 @!p0 s1, s4  }
0x24d: {  	[tilespmem:s5], [sflag:$0x4] =	stream.strided.gather @!p0 [hbm4b:s4+s0], $0x2000, s2, s0, $0x38;
	[tilespmem:$0x14200] =	vst v63  }
0x24e: {  	_ =	swait.ge [sflag:s23], $0x2000  }
0x24f: {  	s6 =	sadd.s32 $0x4, s30;
	[sflag:s23] =	ssyncset.done $0x0  }
0x250: {  	s8 =	sand.u32 $0x1F0, s6;
	[sflag:s23] =	ssyncadd.s32 $0xFFFFE000  }
0x251: {  	v60 =	vld [tilespmem:s8+$0x0];
	_ =	sdelay $0x2  }
0x252: {  	s4 =	sand.u32 $0xC, s6  }
0x253: {  	v61 =	vmov s4  }
0x254: {  	v40 =	vperm.xlane v60, v61;
	_ =	sdelay $0x1  }
0x255: {  	v40 =	vxor.u32 $0x80000000, v40  }
0x256: {  	(xrf0) =	vmax.scan.msk.u32 $0xffff, v40;
	_ =	sdelay $0x5  }
0x257: {  	v40, _, _ =	vpop (xrf0)  }
0x258: {  	(v2sf) =	vpush v40, $0xF;
	_ =	sdelay $0xe  }
0x259: {  	s5 =	spop (v2sf)  }
0x25a: {  	s4 =	sand.u32 $0x7F, s5  }
0x25b: {  	v62 =	vor.u32 s4, v24;
	_ =	sdelay $0x4  }
0x25c: {  	v40 =	vld.idx.msk [tilespmem:v62+s11+$0x0], $0xffff  }
0x25d: {  	v63 =	vor.u32 s4, v25;
	_ =	sdelay $0x3  }
0x25e: {  	[tilespmem:s31+$0x0] =	vst v40  }
0x25f: {  	v40 =	vld.idx.msk [tilespmem:v63+s11+$0x0], $0xffff  }
0x260: {  	v44 =	vor.u32 s4, v26;
	_ =	sdelay $0x3  }
0x261: {  	[tilespmem:s31+$0x10] =	vst v40  }
0x262: {  	v40 =	vld.idx.msk [tilespmem:v44+s11+$0x0], $0xffff  }
0x263: {  	v45 =	vor.u32 s4, v27;
	_ =	sdelay $0x3  }
0x264: {  	[tilespmem:s31+$0x20] =	vst v40  }
0x265: {  	v40 =	vld.idx.msk [tilespmem:v45+s11+$0x0], $0xffff;
	_ =	sdelay $0x3  }
0x266: {  	s4 =	sadd.s32 @!p0 $0xC, s30  }
0x267: {  	s5 =	sand.u32 @!p0 $0x3F0, s4;
	[tilespmem:s31+$0x30] =	vst v40  }
0x268: {  	v40 =	vld @!p0 [tilespmem:s5+$0x0];
	_ =	sdelay $0x2  }
0x269: {  	s4 =	sand.u32 @!p0 $0xC, s4  }
0x26a: {  	v41 =	vmov @!p0 s4  }
0x26b: {  	v40 =	vperm.xlane @!p0 v40, v41;
	_ =	sdelay $0x1  }
0x26c: {  	v40 =	vxor.u32 @!p0 $0x80000000, v40  }
0x26d: {  	(xrf0) =	vmax.scan.msk.u32 @!p0 $0xffff, v40;
	_ =	sdelay $0x5  }
0x26e: {  	v40, _, _ =	vpop @!p0 (xrf0)  }
0x26f: {  	(v2sf) =	vpush @!p0 v40, $0xF;
	_ =	sdelay $0xe  }
0x270: {  	s4 =	spop @!p0 (v2sf)  }
0x271: {  	s4 =	sand.u32 @!p0 $0x1FFFFF80, s4  }
0x272: {  	s5 =	simm.s32 @!p0 $0x8200;
	s4 =	sadd.s32 @!p0 s1, s4  }
0x273: {  	[tilespmem:s5], [sflag:$0x5] =	stream.strided.gather @!p0 [hbm4b:s4+s0], $0x2000, s2, s0, $0x38;
	[tilespmem:$0x14200] =	vst v63  }
0x274: {  	_ =	swait.ge [sflag:s24], $0x2000  }
0x275: {  	s6 =	sadd.s32 $0x5, s30;
	[sflag:s24] =	ssyncset.done $0x0  }
0x276: {  	s8 =	sand.u32 $0x1F0, s6;
	[sflag:s24] =	ssyncadd.s32 $0xFFFFE000  }
0x277: {  	v46 =	vld [tilespmem:s8+$0x0];
	_ =	sdelay $0x2  }
0x278: {  	s4 =	sand.u32 $0xD, s6  }
0x279: {  	v47 =	vmov s4  }
0x27a: {  	v40 =	vperm.xlane v46, v47;
	_ =	sdelay $0x1  }
0x27b: {  	v40 =	vxor.u32 $0x80000000, v40  }
0x27c: {  	(xrf0) =	vmax.scan.msk.u32 $0xffff, v40;
	_ =	sdelay $0x5  }
0x27d: {  	v40, _, _ =	vpop (xrf0)  }
0x27e: {  	(v2sf) =	vpush v40, $0xF;
	_ =	sdelay $0xe  }
0x27f: {  	s6 =	spop (v2sf)  }
0x280: {  	s4 =	sand.u32 $0x7F, s6  }
0x281: {  	v48 =	vor.u32 s4, v28;
	_ =	sdelay $0x4  }
0x282: {  	v40 =	vld.idx.msk [tilespmem:v48+s11+$0x0], $0xffff  }
0x283: {  	v49 =	vor.u32 s4, v29;
	_ =	sdelay $0x3  }
0x284: {  	[tilespmem:s31+$0x40] =	vst v40  }
0x285: {  	v40 =	vld.idx.msk [tilespmem:v49+s11+$0x0], $0xffff  }
0x286: {  	v50 =	vor.u32 s4, v30;
	_ =	sdelay $0x3  }
0x287: {  	[tilespmem:s31+$0x50] =	vst v40  }
0x288: {  	v40 =	vld.idx.msk [tilespmem:v50+s11+$0x0], $0xffff  }
0x289: {  	v51 =	vor.u32 s4, v31;
	_ =	sdelay $0x3  }
0x28a: {  	[tilespmem:s31+$0x60] =	vst v40  }
0x28b: {  	v40 =	vld.idx.msk [tilespmem:v51+s11+$0x0], $0xffff;
	_ =	sdelay $0x3  }
0x28c: {  	s4 =	sadd.s32 @!p0 $0xD, s30  }
0x28d: {  	s5 =	sand.u32 @!p0 $0x3F0, s4;
	[tilespmem:s31+$0x70] =	vst v40  }
0x28e: {  	v40 =	vld @!p0 [tilespmem:s5+$0x0];
	_ =	sdelay $0x2  }
0x28f: {  	s4 =	sand.u32 @!p0 $0xD, s4  }
0x290: {  	v41 =	vmov @!p0 s4  }
0x291: {  	v40 =	vperm.xlane @!p0 v40, v41;
	_ =	sdelay $0x1  }
0x292: {  	v40 =	vxor.u32 @!p0 $0x80000000, v40  }
0x293: {  	(xrf0) =	vmax.scan.msk.u32 @!p0 $0xffff, v40;
	_ =	sdelay $0x5  }
0x294: {  	v40, _, _ =	vpop @!p0 (xrf0)  }
0x295: {  	(v2sf) =	vpush @!p0 v40, $0xF;
	_ =	sdelay $0xe  }
0x296: {  	s4 =	spop @!p0 (v2sf)  }
0x297: {  	s4 =	sand.u32 @!p0 $0x1FFFFF80, s4  }
0x298: {  	s5 =	simm.s32 @!p0 $0xA200;
	s4 =	sadd.s32 @!p0 s1, s4  }
0x299: {  	[tilespmem:s5], [sflag:$0x6] =	stream.strided.gather @!p0 [hbm4b:s4+s0], $0x2000, s2, s0, $0x38;
	[tilespmem:$0x14200] =	vst v63  }
0x29a: {  	_ =	swait.ge [sflag:s25], $0x2000  }
0x29b: {  	s8 =	sadd.s32 $0x6, s30;
	[sflag:s25] =	ssyncset.done $0x0  }
0x29c: {  	s6 =	sand.u32 $0x1F0, s8;
	[sflag:s25] =	ssyncadd.s32 $0xFFFFE000  }
0x29d: {  	v52 =	vld [tilespmem:s6+$0x0];
	_ =	sdelay $0x2  }
0x29e: {  	s4 =	sand.u32 $0xE, s8  }
0x29f: {  	v53 =	vmov s4  }
0x2a0: {  	v40 =	vperm.xlane v52, v53;
	_ =	sdelay $0x1  }
0x2a1: {  	v40 =	vxor.u32 $0x80000000, v40  }
0x2a2: {  	(xrf0) =	vmax.scan.msk.u32 $0xffff, v40;
	_ =	sdelay $0x5  }
0x2a3: {  	v40, _, _ =	vpop (xrf0)  }
0x2a4: {  	(v2sf) =	vpush v40, $0xF;
	_ =	sdelay $0xe  }
0x2a5: {  	s8 =	spop (v2sf)  }
0x2a6: {  	s4 =	sand.u32 $0x7F, s8  }
0x2a7: {  	v54 =	vor.u32 s4, v32;
	_ =	sdelay $0x4  }
0x2a8: {  	v40 =	vld.idx.msk [tilespmem:v54+s11+$0x0], $0xffff  }
0x2a9: {  	v55 =	vor.u32 s4, v33;
	_ =	sdelay $0x3  }
0x2aa: {  	[tilespmem:s31+$0x80] =	vst v40  }
0x2ab: {  	v40 =	vld.idx.msk [tilespmem:v55+s11+$0x0], $0xffff  }
0x2ac: {  	v56 =	vor.u32 s4, v34;
	_ =	sdelay $0x3  }
0x2ad: {  	[tilespmem:s31+$0x90] =	vst v40  }
0x2ae: {  	v40 =	vld.idx.msk [tilespmem:v56+s11+$0x0], $0xffff  }
0x2af: {  	v57 =	vor.u32 s4, v35;
	_ =	sdelay $0x3  }
0x2b0: {  	[tilespmem:s31+$0xA0] =	vst v40  }
0x2b1: {  	v40 =	vld.idx.msk [tilespmem:v57+s11+$0x0], $0xffff;
	_ =	sdelay $0x3  }
0x2b2: {  	s4 =	sadd.s32 @!p0 $0xE, s30  }
0x2b3: {  	s5 =	sand.u32 @!p0 $0x3F0, s4;
	[tilespmem:s31+$0xB0] =	vst v40  }
0x2b4: {  	v40 =	vld @!p0 [tilespmem:s5+$0x0];
	_ =	sdelay $0x2  }
0x2b5: {  	s4 =	sand.u32 @!p0 $0xE, s4  }
0x2b6: {  	v41 =	vmov @!p0 s4  }
0x2b7: {  	v40 =	vperm.xlane @!p0 v40, v41;
	_ =	sdelay $0x1  }
0x2b8: {  	v40 =	vxor.u32 @!p0 $0x80000000, v40  }
0x2b9: {  	(xrf0) =	vmax.scan.msk.u32 @!p0 $0xffff, v40;
	_ =	sdelay $0x5  }
0x2ba: {  	v40, _, _ =	vpop @!p0 (xrf0)  }
0x2bb: {  	(v2sf) =	vpush @!p0 v40, $0xF;
	_ =	sdelay $0xe  }
0x2bc: {  	s4 =	spop @!p0 (v2sf)  }
0x2bd: {  	s4 =	sand.u32 @!p0 $0x1FFFFF80, s4  }
0x2be: {  	s5 =	simm.s32 @!p0 $0xC200;
	s4 =	sadd.s32 @!p0 s1, s4  }
0x2bf: {  	[tilespmem:s5], [sflag:$0x7] =	stream.strided.gather @!p0 [hbm4b:s4+s0], $0x2000, s2, s0, $0x38;
	[tilespmem:$0x14200] =	vst v63  }
0x2c0: {  	_ =	swait.ge [sflag:s26], $0x2000  }
0x2c1: {  	s5 =	sadd.s32 $0x7, s30;
	[sflag:s26] =	ssyncset.done $0x0  }
0x2c2: {  	s6 =	sand.u32 $0x1F0, s5;
	[sflag:s26] =	ssyncadd.s32 $0xFFFFE000  }
0x2c3: {  	v58 =	vld [tilespmem:s6+$0x0];
	_ =	sdelay $0x3  }
0x2c4: {  	v59 =	vmov s5  }
0x2c5: {  	v40 =	vperm.xlane v58, v59;
	_ =	sdelay $0x1  }
0x2c6: {  	v40 =	vxor.u32 $0x80000000, v40  }
0x2c7: {  	(xrf0) =	vmax.scan.msk.u32 $0xffff, v40;
	_ =	sdelay $0x5  }
0x2c8: {  	v40, _, _ =	vpop (xrf0)  }
0x2c9: {  	(v2sf) =	vpush v40, $0xF;
	_ =	sdelay $0xe  }
0x2ca: {  	s8 =	spop (v2sf)  }
0x2cb: {  	s0 =	sand.u32 $0x7F, s8  }
0x2cc: {  	v60 =	vor.u32 s0, v36;
	_ =	sdelay $0x4  }
0x2cd: {  	v40 =	vld.idx.msk [tilespmem:v60+s11+$0x0], $0xffff  }
0x2ce: {  	v61 =	vor.u32 s0, v37;
	_ =	sdelay $0x3  }
0x2cf: {  	[tilespmem:s31+$0xC0] =	vst v40  }
0x2d0: {  	v40 =	vld.idx.msk [tilespmem:v61+s11+$0x0], $0xffff  }
0x2d1: {  	v62 =	vor.u32 s0, v38;
	_ =	sdelay $0x3  }
0x2d2: {  	[tilespmem:s31+$0xD0] =	vst v40  }
0x2d3: {  	v40 =	vld.idx.msk [tilespmem:v62+s11+$0x0], $0xffff  }
0x2d4: {  	v63 =	vor.u32 s0, v39;
	_ =	sdelay $0x3  }
0x2d5: {  	[tilespmem:s31+$0xE0] =	vst v40  }
0x2d6: {  	v40 =	vld.idx.msk [tilespmem:v63+s11+$0x0], $0xffff  }
.Ltmp3:
0x2d7: {  	_ = 	snop;
	(pc) =	sbr.rel @p0 .LBB2_6-.Ltmp3, $2  }
0x2d8: {  	_ =	sdelay $0x2  }
0x2d9: {  	[tilespmem:s31+$0xF0] =	vst v40  }
0x2da: {  	s0 =	sadd.s32 $0xF, s30  }
0x2db: {  	s2 =	sand.u32 $0x3F0, s0  }
0x2dc: {  	v40 =	vld [tilespmem:s2+$0x0];
	_ =	sdelay $0x3  }
0x2dd: {  	v41 =	vmov s0  }
0x2de: {  	v40 =	vperm.xlane v40, v41;
	_ =	sdelay $0x1  }
0x2df: {  	v40 =	vxor.u32 $0x80000000, v40  }
0x2e0: {  	(xrf0) =	vmax.scan.msk.u32 $0xffff, v40;
	_ =	sdelay $0x5  }
0x2e1: {  	v40, _, _ =	vpop (xrf0)  }
0x2e2: {  	(v2sf) =	vpush v40, $0xF;
	_ =	sdelay $0xd  }
.Ltmp4:
0x2e3: {  	_ = 	snop;
	(pc) =	sbr.rel .LBB2_4-.Ltmp4, $4  }
0x2e4: {  	s8 =	spop (v2sf)  }
0x2e5: {  	s0 =	sand.u32 $0x1FFFFF80, s8  }
0x2e6: {  	s30 =	sadd.s32 $0x8, s30;
	s31 =	sadd.s32 $0x200, s31;
	s0 =	sadd.s32 s1, s0  }
0x2e7: {  	[tilespmem:s18], [sflag:$0x8] =	stream.strided.gather [hbm4b:s0+s9], $0x2000, s10, s9, $0x38;
	[tilespmem:$0x14200] =	vst v63  }
.LBB2_7:
0x2e8: {  	_ =	sfence.sel $0x180000  }
0x2e9: {  	[bflag:$0x0] =	sbarrier.arrive $0xFFFF  }
0x2ea: {  	_ =	strace $0x90000047  }
0x2eb: {  	s0 =	stileid.u32;
	[bflag:$0x2] =	sbarrier.arrive $0xFFFF  }
0x2ec: {  	p0 =	sne.s32 s0, $0x0;
	s0 =	rddreg [dreg:$0x3]  }
0x2ed: {  	s0 =	sadd.s32 @!p0 $0x100000, s0  }
0x2ee: {  	[sflag:s0] =	ssyncadd.tile.s32 @!p0 $0x1;
	_ =	shalt  }
.Lfunc_end2:
_tile_overlayer_lowered:
.L_overlay_start_2:
0x2ef: {  	(tag) =	ssettag $0x2  }
0x2f0: {  	s0 =	rddreg [dreg:$0x0];
	s2 =	stileid.u32  }
0x2f1: {  	s1 =	rddreg [dreg:$0x1];
	p0 =	sne.s32 s2, $0x0  }
0x2f2: {  	s3 =	rddreg [dreg:$0x2];
	[bflag:$0x3] =	sbarrier.arrive $0xFFFF;
	s2 =	simm.s32 @!p0 $0x1C09  }
0x2f3: {  	[timem:s3], [sflag:s2] =	dma.local @!p0 [hbm:s0], s1  }
0x2f4: {  	s0 =	simm.s32 @!p0 $0x9  }
0x2f5: {  	_ =	swait.ge @!p0 [sflag:s0], s1  }
0x2f6: {  	s1 =	ssub.s32 @!p0 $0x0, s1;
	[sflag:s0] =	ssyncset.done @!p0 $0x0  }
0x2f7: {  	[sflag:s0] =	ssyncadd.s32 @!p0 s1  }
0x2f8: {  	[bflag:$0x3] =	sbarrier.arrive $0xFFFF  }
0x2f9: {  	_ =	shalt  }

</sc_bundles>
